<compile_context>
chip_gen: v7x
topology: tpu7x:2x2x1
jax: 0.10.2.dev20260603
libtpu: 0.0.44.dev20260713+nightly
codegen_flags: <defaults>
</compile_context>

<pallas_src>
import functools

import jax
import jax.numpy as jnp
from jax import lax
from jax.experimental import pallas as pl
from jax.experimental.pallas import tpu as pltpu
from jax.experimental.pallas import tpu_sc as plsc

_N = 64
_L = 16
_NCHUNK = _N // _L
_NSTAGE = 8


def _splat(v):
    return jnp.full((_L,), v, jnp.int32)


def _elem(ref, r, c):
    return plsc.load_gather(ref, [_splat(r), _splat(c)])


def _lu_inplace(A, publish):
    lanes = lax.iota(jnp.int32, _L)

    def make_kstep(p):
        chunks = list(range(p, _NCHUNK))

        def kstep(k, carry):
            kk = _splat(k)
            piv = plsc.load_gather(A, [kk, kk])
            for c in chunks:
                rows = lanes + (c * _L)
                m = rows > k if c == p else None
                colv = plsc.load_gather(A, [rows, kk], mask=m)
                plsc.store_scatter(A, [rows, kk], colv / piv, mask=m)
            urow = {}
            for c in chunks:
                rv = A[k, pl.ds(c * _L, _L)]
                if c == p:
                    rv = jnp.where((lanes + (c * _L)) > k, rv, 0.0)
                urow[c] = rv

            def istep(t, carry2):
                base = k + 1 + 4 * t
                rows_l = []
                for js in range(4):
                    raw = base + js
                    valid = raw < _N
                    ii = jnp.where(valid, raw, _N - 1)
                    l = plsc.load_gather(A, [_splat(ii), kk])
                    rows_l.append((ii, jnp.where(valid, l, 0.0)))
                for ii, l in rows_l:
                    for c in chunks:
                        v = A[ii, pl.ds(c * _L, _L)]
                        A[ii, pl.ds(c * _L, _L)] = v - l * urow[c]
                return carry2

            lax.fori_loop(0, (_N - k + 2) // 4, istep, 0)
            if p == 0:
                publish(k)
            return carry

        return kstep

    for p in range(_NCHUNK):
        lax.fori_loop(p * _L, (p + 1) * _L, make_kstep(p), 0)


def _sub_row0(A, row, corr):
    v = A[row, pl.ds(0, _L)]
    A[row, pl.ds(0, _L)] = v - corr


def _sc_lu_pipeline(x):
    mesh = plsc.VectorSubcoreMesh(core_axis_name="c", subcore_axis_name="s")

    @functools.partial(
        pl.kernel,
        out_type=jax.ShapeDtypeStruct((9, _N, _N), jnp.float32),
        mesh=mesh,
        scratch_types=[
            pltpu.VMEM((_N, _N), jnp.float32),
            pltpu.VMEM((_NSTAGE, _N), jnp.float32),
            pltpu.VMEM((_NSTAGE, _N), jnp.float32),
            pltpu.VMEM_SHARED((9, _NSTAGE, _N), jnp.float32),
            pltpu.SMEM((1,), jnp.int32),
        ],
        compiler_params=pltpu.CompilerParams(needs_layout_passes=False),
    )
    def run(x_hbm, out_hbm, A, S0, S1, stage, flag):
        c = lax.axis_index("c")
        s = lax.axis_index("s")
        lanes = lax.iota(jnp.int32, _L)
        on0 = c == 0
        has_block = on0 & (s <= 8)
        does_lu = has_block & (s != 4)
        lvl1 = on0 & ((s == 3) | (s == 7))
        lvl2 = on0 & (s == 8)

        is_pub = on0 & (s <= 7) & (s != 4)
        pub_k = jnp.where(s == 2, 2, jnp.where(s == 6, 3, 0))
        dst = jnp.where((s == 0) | (s == 3) | (s == 7), 8,
                        jnp.where(s <= 2, 3, 7))

        flag[0] = 0
        plsc.subcore_barrier()

        @pl.when(has_block)
        def _():
            pltpu.sync_copy(x_hbm.at[s], A)

        @pl.when(on0 & (s == 4))
        def _():
            pltpu.sync_copy(A, out_hbm.at[4])

        def wait_flag(expected):
            def body(cnt):
                return plsc.fetch_and_add(flag.at[0], 0, subcore_id=s)
            lax.while_loop(lambda cnt: cnt < expected, body, 0)

        @pl.when(lvl1)
        def _():
            wait_flag(2)
            pltpu.sync_copy(stage.at[s - 2], S0)
            pltpu.sync_copy(stage.at[s - 1], S1)
            r = jnp.where(s == 3, 2, 3)
            cols = r + jnp.where(lanes == 1, 1, 0)
            g0 = plsc.load_gather(S1, [_splat(r), cols])
            g1 = plsc.load_gather(S1, [_splat(r + 1), cols])
            p11 = _elem(S0, 1, 1)
            corr0 = jnp.where(lanes < 2, g0, 0.0) + jnp.where(lanes == 0, p11, 0.0)
            corr1 = jnp.where(lanes < 2, g1, 0.0)
            _sub_row0(A, 0, corr0)
            _sub_row0(A, 1, corr1)

        @pl.when(lvl2)
        def _():
            wait_flag(3)
            pltpu.sync_copy(stage.at[0], S0)
            pltpu.sync_copy(stage.at[3], S1)
            g = _elem(S0, 1, 1) + _elem(S1, 1, 1)
            pltpu.sync_copy(stage.at[7], S0)
            g = g + _elem(S0, 1, 1)
            _sub_row0(A, 0, jnp.where(lanes == 0, g, 0.0))

        def publish(k):
            @pl.when(is_pub & (k == pub_k))
            def _():
                pltpu.sync_copy(A.at[pl.ds(0, _NSTAGE)], stage.at[s])
                plsc.fetch_and_add(flag.at[0], 1, subcore_id=dst)

        @pl.when(does_lu)
        def _():
            _lu_inplace(A, publish)
            pltpu.sync_copy(A, out_hbm.at[s])

    return run(x)


@jax.jit
def kernel(input):
    return _sc_lu_pipeline(input)

# --- scband reference (transcript-rebuilt; emitter-appended) ---
"""Pipeline reference for scband-lu-45853070852237 (READ-ONLY COPY).

The authoritative reference and input builder live on the scoring server;
editing this copy changes nothing except your own understanding.
"""

import jax, jax.numpy as jnp
import numpy as np

N = 64


def _indices(n):
    idx0 = np.array([0, 1, 2, 5, 6], dtype=np.int64)
    idx1 = np.array([3, 7], dtype=np.int64)
    idx2 = np.array([8], dtype=np.int64)
    src_b = np.array([1, 2, 2, 2, 2, 5, 6, 6, 6, 6], dtype=np.int64)
    src_r = np.array([1, 2, 2, 3, 3, 1, 3, 3, 4, 4], dtype=np.int64)
    src_c = np.array([1, 2, 3, 2, 3, 1, 3, 4, 3, 4], dtype=np.int64)
    dst_b = np.array([3, 3, 3, 3, 3, 7, 7, 7, 7, 7], dtype=np.int64)
    dst_r = np.array([0, 0, 0, 1, 1, 0, 0, 0, 1, 1], dtype=np.int64)
    dst_c = np.array([0, 0, 1, 0, 1, 0, 0, 1, 0, 1], dtype=np.int64)
    src01 = src_b * n * n + src_r * n + src_c
    dst01 = dst_b * n * n + dst_r * n + dst_c
    src_b2 = np.array([0, 3, 7], dtype=np.int64)
    src_r2 = np.array([1, 1, 1], dtype=np.int64)
    src_c2 = np.array([1, 1, 1], dtype=np.int64)
    dst_b2 = np.array([8, 8, 8], dtype=np.int64)
    dst_r2 = np.array([0, 0, 0], dtype=np.int64)
    dst_c2 = np.array([0, 0, 0], dtype=np.int64)
    src12 = src_b2 * n * n + src_r2 * n + src_c2
    dst12 = dst_b2 * n * n + dst_r2 * n + dst_c2
    return idx0, idx1, idx2, src01, dst01, src12, dst12


def _lu_batch(A, n):
    # unpivoted in-place batched LU, functional form
    for k in range(n):
        piv = A[:, k, k][:, None]
        col = A[:, k + 1:, k] / piv
        A = A.at[:, k + 1:, k].set(col)
        U = A[:, k, k + 1:][:, None, :]
        A = A.at[:, k + 1:, k + 1:].add(-col[:, :, None] * U)
    return A


def setup_inputs(seed: int = 0) -> dict:
    key = jax.random.key(seed)
    x = jax.random.normal(key, (9, N, N), dtype=jnp.float32)
    return {"input": x}


def reference(input) -> jnp.ndarray:
    idx0, idx1, idx2, src01, dst01, src12, dst12 = _indices(N)
    A = input
    sel0 = _lu_batch(A[idx0], N)
    A = A.at[idx0].set(sel0)
    flat = A.reshape(-1)
    flat = flat.at[dst01].add(-flat[src01])
    A = flat.reshape(A.shape)
    sel1 = _lu_batch(A[idx1], N)
    A = A.at[idx1].set(sel1)
    flat = A.reshape(-1)
    flat = flat.at[dst12].add(-flat[src12])
    A = flat.reshape(A.shape)
    sel2 = _lu_batch(A[idx2], N)
    A = A.at[idx2].set(sel2)
    return A

if __name__ == "__main__":
    import jax
    _d = setup_inputs()
    print(jax.jit(kernel)(*tuple(_d.values())))

</pallas_src>

<mosaic_0001>
#map = affine_map<(d0, d1) -> (0, 0, 0)>
module attributes {stable_mosaic.version = 14 : i64} {
  func.func @run(%arg0: i32, %arg1: i32, %arg2: memref<9x64x64xf32, #tpu.memory_space<hbm>>, %arg3: memref<9x64x64xf32, #tpu.memory_space<hbm>>, %arg4: memref<64x64xf32, #tpu.memory_space<vmem>>, %arg5: memref<8x64xf32, #tpu.memory_space<vmem>>, %arg6: memref<8x64xf32, #tpu.memory_space<vmem>>, %arg7: memref<9x8x64xf32, #tpu.memory_space<vmem_shared>>, %arg8: memref<1xi32, #tpu.memory_space<smem>>) attributes {dimension_semantics = [#tpu.dimension_semantics<core_parallel>, #tpu.dimension_semantics<subcore_parallel>], iteration_bounds = array<i64: 2, 16>, scalar_prefetch = 0 : i64, scratch_operands = 5 : i64, tpu.core_type = #tpu.core_type<sc_vector_subcore>, window_params = [{transform_indices = #map}, {transform_indices = #map}]} {
    %iota3A = tpu.iota {dimensions = array<i32: 0>} : vector<16xi32>
    %eq3A = arith.constant 0 : i32
    %eq3A_0 = arith.cmpi eq, %arg0, %eq3A : i32
    %le3A = arith.constant 8 : i32
    %le3A_1 = arith.cmpi sle, %arg1, %le3A : i32
    %and3A = arith.andi %eq3A_0, %le3A_1 : i1
    %ne3A = arith.constant 4 : i32
    %ne3A_2 = arith.cmpi ne, %arg1, %ne3A : i32
    %and3A_3 = arith.andi %and3A, %ne3A_2 : i1
    %eq3A_4 = arith.constant 3 : i32
    %eq3A_5 = arith.cmpi eq, %arg1, %eq3A_4 : i32
    %eq3A_6 = arith.constant 7 : i32
    %eq3A_7 = arith.cmpi eq, %arg1, %eq3A_6 : i32
    %or3A = arith.ori %eq3A_5, %eq3A_7 : i1
    %and3A_8 = arith.andi %eq3A_0, %or3A : i1
    %eq3A_9 = arith.constant 8 : i32
    %eq3A_10 = arith.cmpi eq, %arg1, %eq3A_9 : i32
    %and3A_11 = arith.andi %eq3A_0, %eq3A_10 : i1
    %le3A_12 = arith.constant 7 : i32
    %le3A_13 = arith.cmpi sle, %arg1, %le3A_12 : i32
    %and3A_14 = arith.andi %eq3A_0, %le3A_13 : i1
    %ne3A_15 = arith.constant 4 : i32
    %ne3A_16 = arith.cmpi ne, %arg1, %ne3A_15 : i32
    %and3A_17 = arith.andi %and3A_14, %ne3A_16 : i1
    %eq3A_18 = arith.constant 2 : i32
    %eq3A_19 = arith.cmpi eq, %arg1, %eq3A_18 : i32
    %eq3A_20 = arith.constant 6 : i32
    %eq3A_21 = arith.cmpi eq, %arg1, %eq3A_20 : i32
    %jit3A = arith.constant 3 : i32
    %jit3A_22 = arith.constant 0 : i32
    %select_n3A = arith.select %eq3A_21, %jit3A, %jit3A_22 : i32
    %jit3A_23 = arith.constant 2 : i32
    %select_n3A_24 = arith.select %eq3A_19, %jit3A_23, %select_n3A : i32
    %eq3A_25 = arith.constant 0 : i32
    %eq3A_26 = arith.cmpi eq, %arg1, %eq3A_25 : i32
    %eq3A_27 = arith.constant 3 : i32
    %eq3A_28 = arith.cmpi eq, %arg1, %eq3A_27 : i32
    %or3A_29 = arith.ori %eq3A_26, %eq3A_28 : i1
    %eq3A_30 = arith.constant 7 : i32
    %eq3A_31 = arith.cmpi eq, %arg1, %eq3A_30 : i32
    %or3A_32 = arith.ori %or3A_29, %eq3A_31 : i1
    %le3A_33 = arith.constant 2 : i32
    %le3A_34 = arith.cmpi sle, %arg1, %le3A_33 : i32
    %jit3A_35 = arith.constant 3 : i32
    %jit3A_36 = arith.constant 7 : i32
    %select_n3A_37 = arith.select %le3A_34, %jit3A_35, %jit3A_36 : i32
    %jit3A_38 = arith.constant 8 : i32
    %select_n3A_39 = arith.select %or3A_32, %jit3A_38, %select_n3A_37 : i32
    %swap3A = arith.constant 0 : i32
    %swap3A_40 = arith.constant 0 : i32
    %swap3A_41 = arith.index_cast %swap3A_40 : i32 to index
    %swap3A_42 = memref.load %arg8[%swap3A_41] : memref<1xi32, #tpu.memory_space<smem>>
    memref.store %swap3A, %arg8[%swap3A_41] : memref<1xi32, #tpu.memory_space<smem>>
    %barrier3A = arith.constant 0 : index
    tpu.barrier barrier_id(%barrier3A)
    %convert_element_type3A = arith.extui %and3A : i1 to i32
    %cond3A = arith.constant 0 : i32
    %cond3A_43 = arith.cmpi ne, %convert_element_type3A, %cond3A : i32
    scf.if %cond3A_43 {
      "tpu.region"() ({
        %run_scoped3A = tpu.sem_alloc : memref<!tpu.dma_semaphore, #tpu.memory_space<semaphore_mem>>
        %dma_start3A = arith.constant 0 : i32
        %dma_start3A_59 = arith.constant 0 : i32
        %dma_start3A_60 = tpu.memref_slice %arg2[%arg1, %dma_start3A, %dma_start3A_59] : memref<9x64x64xf32, #tpu.memory_space<hbm>> -> memref<1x64x64xf32, #tpu.memory_space<hbm>>
        %dma_start3A_61 = tpu.memref_squeeze %dma_start3A_60 : memref<1x64x64xf32, #tpu.memory_space<hbm>> -> memref<64x64xf32, #tpu.memory_space<hbm>>
        %dma_start3A_62 = arith.constant 0 : i32
        %dma_start3A_63 = arith.constant 0 : i32
        %dma_start3A_64 = tpu.memref_slice %arg2[%arg1, %dma_start3A_62, %dma_start3A_63] : memref<9x64x64xf32, #tpu.memory_space<hbm>> -> memref<1x64x64xf32, #tpu.memory_space<hbm>>
        %dma_start3A_65 = tpu.memref_squeeze %dma_start3A_64 : memref<1x64x64xf32, #tpu.memory_space<hbm>> -> memref<64x64xf32, #tpu.memory_space<hbm>>
        tpu.enqueue_dma source(%dma_start3A_65 : memref<64x64xf32, #tpu.memory_space<hbm>>) target(%arg4 : memref<64x64xf32, #tpu.memory_space<vmem>>) target_semaphore(%run_scoped3A : memref<!tpu.dma_semaphore, #tpu.memory_space<semaphore_mem>>)
        %dma_wait3A = arith.constant 0 : i32
        %dma_wait3A_66 = arith.constant 0 : i32
        %dma_wait3A_67 = tpu.memref_slice %arg2[%arg1, %dma_wait3A, %dma_wait3A_66] : memref<9x64x64xf32, #tpu.memory_space<hbm>> -> memref<1x64x64xf32, #tpu.memory_space<hbm>>
        %dma_wait3A_68 = tpu.memref_squeeze %dma_wait3A_67 : memref<1x64x64xf32, #tpu.memory_space<hbm>> -> memref<64x64xf32, #tpu.memory_space<hbm>>
        %dma_wait3A_69 = arith.constant 0 : i32
        %dma_wait3A_70 = arith.constant 0 : i32
        %dma_wait3A_71 = tpu.memref_slice %arg2[%arg1, %dma_wait3A_69, %dma_wait3A_70] : memref<9x64x64xf32, #tpu.memory_space<hbm>> -> memref<1x64x64xf32, #tpu.memory_space<hbm>>
        %dma_wait3A_72 = tpu.memref_squeeze %dma_wait3A_71 : memref<1x64x64xf32, #tpu.memory_space<hbm>> -> memref<64x64xf32, #tpu.memory_space<hbm>>
        tpu.wait_dma2 semaphore(%run_scoped3A : memref<!tpu.dma_semaphore, #tpu.memory_space<semaphore_mem>>) src(%dma_wait3A_72 : memref<64x64xf32, #tpu.memory_space<hbm>>) dst(%arg4 : memref<64x64xf32, #tpu.memory_space<vmem>>)
        tpu.yield
      }) : () -> ()
    } else {
    }
    %eq3A_44 = arith.constant 4 : i32
    %eq3A_45 = arith.cmpi eq, %arg1, %eq3A_44 : i32
    %and3A_46 = arith.andi %eq3A_0, %eq3A_45 : i1
    %convert_element_type3A_47 = arith.extui %and3A_46 : i1 to i32
    %cond3A_48 = arith.constant 0 : i32
    %cond3A_49 = arith.cmpi ne, %convert_element_type3A_47, %cond3A_48 : i32
    scf.if %cond3A_49 {
      %run_scoped3A = arith.constant 4 : i32
      "tpu.region"() ({
        %run_scoped3A_59 = tpu.sem_alloc : memref<!tpu.dma_semaphore, #tpu.memory_space<semaphore_mem>>
        %dma_start3A = arith.constant 0 : i32
        %dma_start3A_60 = arith.constant 0 : i32
        %dma_start3A_61 = tpu.memref_slice %arg3[%run_scoped3A, %dma_start3A, %dma_start3A_60] : memref<9x64x64xf32, #tpu.memory_space<hbm>> -> memref<1x64x64xf32, #tpu.memory_space<hbm>>
        %dma_start3A_62 = tpu.memref_squeeze %dma_start3A_61 : memref<1x64x64xf32, #tpu.memory_space<hbm>> -> memref<64x64xf32, #tpu.memory_space<hbm>>
        %dma_start3A_63 = arith.constant 0 : i32
        %dma_start3A_64 = arith.constant 0 : i32
        %dma_start3A_65 = tpu.memref_slice %arg3[%run_scoped3A, %dma_start3A_63, %dma_start3A_64] : memref<9x64x64xf32, #tpu.memory_space<hbm>> -> memref<1x64x64xf32, #tpu.memory_space<hbm>>
        %dma_start3A_66 = tpu.memref_squeeze %dma_start3A_65 : memref<1x64x64xf32, #tpu.memory_space<hbm>> -> memref<64x64xf32, #tpu.memory_space<hbm>>
        tpu.enqueue_dma source(%arg4 : memref<64x64xf32, #tpu.memory_space<vmem>>) target(%dma_start3A_66 : memref<64x64xf32, #tpu.memory_space<hbm>>) target_semaphore(%run_scoped3A_59 : memref<!tpu.dma_semaphore, #tpu.memory_space<semaphore_mem>>)
        %dma_wait3A = arith.constant 0 : i32
        %dma_wait3A_67 = arith.constant 0 : i32
        %dma_wait3A_68 = tpu.memref_slice %arg3[%run_scoped3A, %dma_wait3A, %dma_wait3A_67] : memref<9x64x64xf32, #tpu.memory_space<hbm>> -> memref<1x64x64xf32, #tpu.memory_space<hbm>>
        %dma_wait3A_69 = tpu.memref_squeeze %dma_wait3A_68 : memref<1x64x64xf32, #tpu.memory_space<hbm>> -> memref<64x64xf32, #tpu.memory_space<hbm>>
        %dma_wait3A_70 = arith.constant 0 : i32
        %dma_wait3A_71 = arith.constant 0 : i32
        %dma_wait3A_72 = tpu.memref_slice %arg3[%run_scoped3A, %dma_wait3A_70, %dma_wait3A_71] : memref<9x64x64xf32, #tpu.memory_space<hbm>> -> memref<1x64x64xf32, #tpu.memory_space<hbm>>
        %dma_wait3A_73 = tpu.memref_squeeze %dma_wait3A_72 : memref<1x64x64xf32, #tpu.memory_space<hbm>> -> memref<64x64xf32, #tpu.memory_space<hbm>>
        tpu.wait_dma2 semaphore(%run_scoped3A_59 : memref<!tpu.dma_semaphore, #tpu.memory_space<semaphore_mem>>) src(%arg4 : memref<64x64xf32, #tpu.memory_space<vmem>>) dst(%dma_wait3A_73 : memref<64x64xf32, #tpu.memory_space<hbm>>)
        tpu.yield
      }) : () -> ()
    } else {
    }
    %convert_element_type3A_50 = arith.extui %and3A_8 : i1 to i32
    %cond3A_51 = arith.constant 0 : i32
    %cond3A_52 = arith.cmpi ne, %convert_element_type3A_50, %cond3A_51 : i32
    scf.if %cond3A_52 {
      %while3A = arith.constant 0 : i32
      %while3A_59 = scf.while (%while3A_121 = %while3A) : (i32) -> i32 {
        %lt3A_122 = arith.constant 2 : i32
        %lt3A_123 = arith.cmpi slt, %while3A_121, %lt3A_122 : i32
        scf.condition(%lt3A_123) %while3A_121 : i32
      } do {
      ^bb0(%while3A_121: i32):
        %sc_fetch_and_add3A = arith.constant 0 : i32
        %sc_fetch_and_add3A_122 = arith.constant 0 : i32
        %sc_fetch_and_add3A_123 = tpu.fetch_and_add_sync %arg8[%sc_fetch_and_add3A_122], %sc_fetch_and_add3A, %arg1 : memref<1xi32, #tpu.memory_space<smem>>, i32 -> i32
        scf.yield %sc_fetch_and_add3A_123 : i32
      }
      %sub3A = arith.constant 2 : i32
      %sub3A_60 = arith.subi %arg1, %sub3A : i32
      "tpu.region"() ({
        %run_scoped3A = tpu.sem_alloc : memref<!tpu.dma_semaphore, #tpu.memory_space<semaphore_mem>>
        %dma_start3A = arith.constant 0 : i32
        %dma_start3A_121 = arith.constant 0 : i32
        %dma_start3A_122 = tpu.memref_slice %arg7[%sub3A_60, %dma_start3A, %dma_start3A_121] : memref<9x8x64xf32, #tpu.memory_space<vmem_shared>> -> memref<1x8x64xf32, #tpu.memory_space<vmem_shared>>
        %dma_start3A_123 = tpu.memref_squeeze %dma_start3A_122 : memref<1x8x64xf32, #tpu.memory_space<vmem_shared>> -> memref<8x64xf32, #tpu.memory_space<vmem_shared>>
        %dma_start3A_124 = arith.constant 0 : i32
        %dma_start3A_125 = arith.constant 0 : i32
        %dma_start3A_126 = tpu.memref_slice %arg7[%sub3A_60, %dma_start3A_124, %dma_start3A_125] : memref<9x8x64xf32, #tpu.memory_space<vmem_shared>> -> memref<1x8x64xf32, #tpu.memory_space<vmem_shared>>
        %dma_start3A_127 = tpu.memref_squeeze %dma_start3A_126 : memref<1x8x64xf32, #tpu.memory_space<vmem_shared>> -> memref<8x64xf32, #tpu.memory_space<vmem_shared>>
        tpu.enqueue_dma source(%dma_start3A_127 : memref<8x64xf32, #tpu.memory_space<vmem_shared>>) target(%arg5 : memref<8x64xf32, #tpu.memory_space<vmem>>) target_semaphore(%run_scoped3A : memref<!tpu.dma_semaphore, #tpu.memory_space<semaphore_mem>>)
        %dma_wait3A = arith.constant 0 : i32
        %dma_wait3A_128 = arith.constant 0 : i32
        %dma_wait3A_129 = tpu.memref_slice %arg7[%sub3A_60, %dma_wait3A, %dma_wait3A_128] : memref<9x8x64xf32, #tpu.memory_space<vmem_shared>> -> memref<1x8x64xf32, #tpu.memory_space<vmem_shared>>
        %dma_wait3A_130 = tpu.memref_squeeze %dma_wait3A_129 : memref<1x8x64xf32, #tpu.memory_space<vmem_shared>> -> memref<8x64xf32, #tpu.memory_space<vmem_shared>>
        %dma_wait3A_131 = arith.constant 0 : i32
        %dma_wait3A_132 = arith.constant 0 : i32
        %dma_wait3A_133 = tpu.memref_slice %arg7[%sub3A_60, %dma_wait3A_131, %dma_wait3A_132] : memref<9x8x64xf32, #tpu.memory_space<vmem_shared>> -> memref<1x8x64xf32, #tpu.memory_space<vmem_shared>>
        %dma_wait3A_134 = tpu.memref_squeeze %dma_wait3A_133 : memref<1x8x64xf32, #tpu.memory_space<vmem_shared>> -> memref<8x64xf32, #tpu.memory_space<vmem_shared>>
        tpu.wait_dma2 semaphore(%run_scoped3A : memref<!tpu.dma_semaphore, #tpu.memory_space<semaphore_mem>>) src(%dma_wait3A_134 : memref<8x64xf32, #tpu.memory_space<vmem_shared>>) dst(%arg5 : memref<8x64xf32, #tpu.memory_space<vmem>>)
        tpu.yield
      }) : () -> ()
      %sub3A_61 = arith.constant 1 : i32
      %sub3A_62 = arith.subi %arg1, %sub3A_61 : i32
      "tpu.region"() ({
        %run_scoped3A = tpu.sem_alloc : memref<!tpu.dma_semaphore, #tpu.memory_space<semaphore_mem>>
        %dma_start3A = arith.constant 0 : i32
        %dma_start3A_121 = arith.constant 0 : i32
        %dma_start3A_122 = tpu.memref_slice %arg7[%sub3A_62, %dma_start3A, %dma_start3A_121] : memref<9x8x64xf32, #tpu.memory_space<vmem_shared>> -> memref<1x8x64xf32, #tpu.memory_space<vmem_shared>>
        %dma_start3A_123 = tpu.memref_squeeze %dma_start3A_122 : memref<1x8x64xf32, #tpu.memory_space<vmem_shared>> -> memref<8x64xf32, #tpu.memory_space<vmem_shared>>
        %dma_start3A_124 = arith.constant 0 : i32
        %dma_start3A_125 = arith.constant 0 : i32
        %dma_start3A_126 = tpu.memref_slice %arg7[%sub3A_62, %dma_start3A_124, %dma_start3A_125] : memref<9x8x64xf32, #tpu.memory_space<vmem_shared>> -> memref<1x8x64xf32, #tpu.memory_space<vmem_shared>>
        %dma_start3A_127 = tpu.memref_squeeze %dma_start3A_126 : memref<1x8x64xf32, #tpu.memory_space<vmem_shared>> -> memref<8x64xf32, #tpu.memory_space<vmem_shared>>
        tpu.enqueue_dma source(%dma_start3A_127 : memref<8x64xf32, #tpu.memory_space<vmem_shared>>) target(%arg6 : memref<8x64xf32, #tpu.memory_space<vmem>>) target_semaphore(%run_scoped3A : memref<!tpu.dma_semaphore, #tpu.memory_space<semaphore_mem>>)
        %dma_wait3A = arith.constant 0 : i32
        %dma_wait3A_128 = arith.constant 0 : i32
        %dma_wait3A_129 = tpu.memref_slice %arg7[%sub3A_62, %dma_wait3A, %dma_wait3A_128] : memref<9x8x64xf32, #tpu.memory_space<vmem_shared>> -> memref<1x8x64xf32, #tpu.memory_space<vmem_shared>>
        %dma_wait3A_130 = tpu.memref_squeeze %dma_wait3A_129 : memref<1x8x64xf32, #tpu.memory_space<vmem_shared>> -> memref<8x64xf32, #tpu.memory_space<vmem_shared>>
        %dma_wait3A_131 = arith.constant 0 : i32
        %dma_wait3A_132 = arith.constant 0 : i32
        %dma_wait3A_133 = tpu.memref_slice %arg7[%sub3A_62, %dma_wait3A_131, %dma_wait3A_132] : memref<9x8x64xf32, #tpu.memory_space<vmem_shared>> -> memref<1x8x64xf32, #tpu.memory_space<vmem_shared>>
        %dma_wait3A_134 = tpu.memref_squeeze %dma_wait3A_133 : memref<1x8x64xf32, #tpu.memory_space<vmem_shared>> -> memref<8x64xf32, #tpu.memory_space<vmem_shared>>
        tpu.wait_dma2 semaphore(%run_scoped3A : memref<!tpu.dma_semaphore, #tpu.memory_space<semaphore_mem>>) src(%dma_wait3A_134 : memref<8x64xf32, #tpu.memory_space<vmem_shared>>) dst(%arg6 : memref<8x64xf32, #tpu.memory_space<vmem>>)
        tpu.yield
      }) : () -> ()
      %eq3A_63 = arith.constant 3 : i32
      %eq3A_64 = arith.cmpi eq, %arg1, %eq3A_63 : i32
      %jit3A_65 = arith.constant 2 : i32
      %jit3A_66 = arith.constant 3 : i32
      %select_n3A_67 = arith.select %eq3A_64, %jit3A_65, %jit3A_66 : i32
      %eq3A_68 = arith.constant 1 : i32
      %eq3A_69 = vector.broadcast %eq3A_68 : i32 to vector<16xi32>
      %eq3A_70 = arith.cmpi eq, %iota3A, %eq3A_69 : vector<16xi32>
      %jit3A_71 = arith.constant 1 : i32
      %jit3A_72 = arith.constant 0 : i32
      %broadcast_in_dim3A = vector.broadcast %jit3A_71 : i32 to vector<16xi32>
      %broadcast_in_dim3A_73 = vector.broadcast %jit3A_72 : i32 to vector<16xi32>
      %select_n3A_74 = arith.select %eq3A_70, %broadcast_in_dim3A, %broadcast_in_dim3A_73 : vector<16xi1>, vector<16xi32>
      %add3A = vector.broadcast %select_n3A_67 : i32 to vector<16xi32>
      %add3A_75 = arith.addi %add3A, %select_n3A_74 : vector<16xi32>
      %broadcast_in_dim3A_76 = vector.broadcast %select_n3A_67 : i32 to vector<16xi32>
      %gather3A = tpu.vector_load_idx %arg6[%broadcast_in_dim3A_76, %add3A_75] : memref<8x64xf32, #tpu.memory_space<vmem>>[vector<16xi32>, vector<16xi32>], vector<16xf32>,
      %add3A_77 = arith.constant 1 : i32
      %add3A_78 = arith.addi %select_n3A_67, %add3A_77 : i32
      %broadcast_in_dim3A_79 = vector.broadcast %add3A_78 : i32 to vector<16xi32>
      %gather3A_80 = tpu.vector_load_idx %arg6[%broadcast_in_dim3A_79, %add3A_75] : memref<8x64xf32, #tpu.memory_space<vmem>>[vector<16xi32>, vector<16xi32>], vector<16xf32>,
      %broadcast_in_dim3A_81 = arith.constant 1 : i32
      %broadcast_in_dim3A_82 = vector.broadcast %broadcast_in_dim3A_81 : i32 to vector<16xi32>
      %broadcast_in_dim3A_83 = arith.constant 1 : i32
      %broadcast_in_dim3A_84 = vector.broadcast %broadcast_in_dim3A_83 : i32 to vector<16xi32>
      %gather3A_85 = tpu.vector_load_idx %arg5[%broadcast_in_dim3A_82, %broadcast_in_dim3A_84] : memref<8x64xf32, #tpu.memory_space<vmem>>[vector<16xi32>, vector<16xi32>], vector<16xf32>,
      %lt3A = arith.constant 2 : i32
      %lt3A_86 = vector.broadcast %lt3A : i32 to vector<16xi32>
      %lt3A_87 = arith.cmpi slt, %iota3A, %lt3A_86 : vector<16xi32>
      %jit3A_88 = arith.constant 0.000000e+00 : f32
      %broadcast_in_dim3A_89 = vector.broadcast %jit3A_88 : f32 to vector<16xf32>
      %select_n3A_90 = arith.select %lt3A_87, %gather3A, %broadcast_in_dim3A_89 : vector<16xi1>, vector<16xf32>
      %eq3A_91 = arith.constant 0 : i32
      %eq3A_92 = vector.broadcast %eq3A_91 : i32 to vector<16xi32>
      %eq3A_93 = arith.cmpi eq, %iota3A, %eq3A_92 : vector<16xi32>
      %jit3A_94 = arith.constant 0.000000e+00 : f32
      %broadcast_in_dim3A_95 = vector.broadcast %jit3A_94 : f32 to vector<16xf32>
      %select_n3A_96 = arith.select %eq3A_93, %gather3A_85, %broadcast_in_dim3A_95 : vector<16xi1>, vector<16xf32>
      %add3A_97 = arith.addf %select_n3A_90, %select_n3A_96 : vector<16xf32>
      %lt3A_98 = arith.constant 2 : i32
      %lt3A_99 = vector.broadcast %lt3A_98 : i32 to vector<16xi32>
      %lt3A_100 = arith.cmpi slt, %iota3A, %lt3A_99 : vector<16xi32>
      %jit3A_101 = arith.constant 0.000000e+00 : f32
      %broadcast_in_dim3A_102 = vector.broadcast %jit3A_101 : f32 to vector<16xf32>
      %select_n3A_103 = arith.select %lt3A_100, %gather3A_80, %broadcast_in_dim3A_102 : vector<16xi1>, vector<16xf32>
      %get3A = arith.constant 0 : i32
      %get3A_104 = arith.index_cast %get3A : i32 to index
      %get3A_105 = arith.constant 0 : index
      %get3A_106 = tpu.vector_load %arg4[%get3A_104, %get3A_105] {strides = array<i32>} : memref<64x64xf32, #tpu.memory_space<vmem>>, vector<16xf32>,
      %sub3A_107 = arith.subf %get3A_106, %add3A_97 : vector<16xf32>
      %swap3A_108 = arith.constant 0 : i32
      %swap3A_109 = arith.index_cast %swap3A_108 : i32 to index
      %swap3A_110 = arith.constant 0 : index
      %swap3A_111 = tpu.vector_load %arg4[%swap3A_109, %swap3A_110] {strides = array<i32>} : memref<64x64xf32, #tpu.memory_space<vmem>>, vector<16xf32>,
      tpu.vector_store %arg4[%swap3A_109, %swap3A_110], %sub3A_107 {strides = array<i32>} : memref<64x64xf32, #tpu.memory_space<vmem>>, vector<16xf32>,
      %get3A_112 = arith.constant 1 : i32
      %get3A_113 = arith.index_cast %get3A_112 : i32 to index
      %get3A_114 = arith.constant 0 : index
      %get3A_115 = tpu.vector_load %arg4[%get3A_113, %get3A_114] {strides = array<i32>} : memref<64x64xf32, #tpu.memory_space<vmem>>, vector<16xf32>,
      %sub3A_116 = arith.subf %get3A_115, %select_n3A_103 : vector<16xf32>
      %swap3A_117 = arith.constant 1 : i32
      %swap3A_118 = arith.index_cast %swap3A_117 : i32 to index
      %swap3A_119 = arith.constant 0 : index
      %swap3A_120 = tpu.vector_load %arg4[%swap3A_118, %swap3A_119] {strides = array<i32>} : memref<64x64xf32, #tpu.memory_space<vmem>>, vector<16xf32>,
      tpu.vector_store %arg4[%swap3A_118, %swap3A_119], %sub3A_116 {strides = array<i32>} : memref<64x64xf32, #tpu.memory_space<vmem>>, vector<16xf32>,
    } else {
    }
    %convert_element_type3A_53 = arith.extui %and3A_11 : i1 to i32
    %cond3A_54 = arith.constant 0 : i32
    %cond3A_55 = arith.cmpi ne, %convert_element_type3A_53, %cond3A_54 : i32
    scf.if %cond3A_55 {
      %while3A = arith.constant 0 : i32
      %while3A_59 = scf.while (%while3A_89 = %while3A) : (i32) -> i32 {
        %lt3A = arith.constant 3 : i32
        %lt3A_90 = arith.cmpi slt, %while3A_89, %lt3A : i32
        scf.condition(%lt3A_90) %while3A_89 : i32
      } do {
      ^bb0(%while3A_89: i32):
        %sc_fetch_and_add3A = arith.constant 0 : i32
        %sc_fetch_and_add3A_90 = arith.constant 0 : i32
        %sc_fetch_and_add3A_91 = tpu.fetch_and_add_sync %arg8[%sc_fetch_and_add3A_90], %sc_fetch_and_add3A, %arg1 : memref<1xi32, #tpu.memory_space<smem>>, i32 -> i32
        scf.yield %sc_fetch_and_add3A_91 : i32
      }
      %run_scoped3A = arith.constant 0 : i32
      "tpu.region"() ({
        %run_scoped3A_89 = tpu.sem_alloc : memref<!tpu.dma_semaphore, #tpu.memory_space<semaphore_mem>>
        %dma_start3A = arith.constant 0 : i32
        %dma_start3A_90 = arith.constant 0 : i32
        %dma_start3A_91 = tpu.memref_slice %arg7[%run_scoped3A, %dma_start3A, %dma_start3A_90] : memref<9x8x64xf32, #tpu.memory_space<vmem_shared>> -> memref<1x8x64xf32, #tpu.memory_space<vmem_shared>>
        %dma_start3A_92 = tpu.memref_squeeze %dma_start3A_91 : memref<1x8x64xf32, #tpu.memory_space<vmem_shared>> -> memref<8x64xf32, #tpu.memory_space<vmem_shared>>
        %dma_start3A_93 = arith.constant 0 : i32
        %dma_start3A_94 = arith.constant 0 : i32
        %dma_start3A_95 = tpu.memref_slice %arg7[%run_scoped3A, %dma_start3A_93, %dma_start3A_94] : memref<9x8x64xf32, #tpu.memory_space<vmem_shared>> -> memref<1x8x64xf32, #tpu.memory_space<vmem_shared>>
        %dma_start3A_96 = tpu.memref_squeeze %dma_start3A_95 : memref<1x8x64xf32, #tpu.memory_space<vmem_shared>> -> memref<8x64xf32, #tpu.memory_space<vmem_shared>>
        tpu.enqueue_dma source(%dma_start3A_96 : memref<8x64xf32, #tpu.memory_space<vmem_shared>>) target(%arg5 : memref<8x64xf32, #tpu.memory_space<vmem>>) target_semaphore(%run_scoped3A_89 : memref<!tpu.dma_semaphore, #tpu.memory_space<semaphore_mem>>)
        %dma_wait3A = arith.constant 0 : i32
        %dma_wait3A_97 = arith.constant 0 : i32
        %dma_wait3A_98 = tpu.memref_slice %arg7[%run_scoped3A, %dma_wait3A, %dma_wait3A_97] : memref<9x8x64xf32, #tpu.memory_space<vmem_shared>> -> memref<1x8x64xf32, #tpu.memory_space<vmem_shared>>
        %dma_wait3A_99 = tpu.memref_squeeze %dma_wait3A_98 : memref<1x8x64xf32, #tpu.memory_space<vmem_shared>> -> memref<8x64xf32, #tpu.memory_space<vmem_shared>>
        %dma_wait3A_100 = arith.constant 0 : i32
        %dma_wait3A_101 = arith.constant 0 : i32
        %dma_wait3A_102 = tpu.memref_slice %arg7[%run_scoped3A, %dma_wait3A_100, %dma_wait3A_101] : memref<9x8x64xf32, #tpu.memory_space<vmem_shared>> -> memref<1x8x64xf32, #tpu.memory_space<vmem_shared>>
        %dma_wait3A_103 = tpu.memref_squeeze %dma_wait3A_102 : memref<1x8x64xf32, #tpu.memory_space<vmem_shared>> -> memref<8x64xf32, #tpu.memory_space<vmem_shared>>
        tpu.wait_dma2 semaphore(%run_scoped3A_89 : memref<!tpu.dma_semaphore, #tpu.memory_space<semaphore_mem>>) src(%dma_wait3A_103 : memref<8x64xf32, #tpu.memory_space<vmem_shared>>) dst(%arg5 : memref<8x64xf32, #tpu.memory_space<vmem>>)
        tpu.yield
      }) : () -> ()
      %run_scoped3A_60 = arith.constant 3 : i32
      "tpu.region"() ({
        %run_scoped3A_89 = tpu.sem_alloc : memref<!tpu.dma_semaphore, #tpu.memory_space<semaphore_mem>>
        %dma_start3A = arith.constant 0 : i32
        %dma_start3A_90 = arith.constant 0 : i32
        %dma_start3A_91 = tpu.memref_slice %arg7[%run_scoped3A_60, %dma_start3A, %dma_start3A_90] : memref<9x8x64xf32, #tpu.memory_space<vmem_shared>> -> memref<1x8x64xf32, #tpu.memory_space<vmem_shared>>
        %dma_start3A_92 = tpu.memref_squeeze %dma_start3A_91 : memref<1x8x64xf32, #tpu.memory_space<vmem_shared>> -> memref<8x64xf32, #tpu.memory_space<vmem_shared>>
        %dma_start3A_93 = arith.constant 0 : i32
        %dma_start3A_94 = arith.constant 0 : i32
        %dma_start3A_95 = tpu.memref_slice %arg7[%run_scoped3A_60, %dma_start3A_93, %dma_start3A_94] : memref<9x8x64xf32, #tpu.memory_space<vmem_shared>> -> memref<1x8x64xf32, #tpu.memory_space<vmem_shared>>
        %dma_start3A_96 = tpu.memref_squeeze %dma_start3A_95 : memref<1x8x64xf32, #tpu.memory_space<vmem_shared>> -> memref<8x64xf32, #tpu.memory_space<vmem_shared>>
        tpu.enqueue_dma source(%dma_start3A_96 : memref<8x64xf32, #tpu.memory_space<vmem_shared>>) target(%arg6 : memref<8x64xf32, #tpu.memory_space<vmem>>) target_semaphore(%run_scoped3A_89 : memref<!tpu.dma_semaphore, #tpu.memory_space<semaphore_mem>>)
        %dma_wait3A = arith.constant 0 : i32
        %dma_wait3A_97 = arith.constant 0 : i32
        %dma_wait3A_98 = tpu.memref_slice %arg7[%run_scoped3A_60, %dma_wait3A, %dma_wait3A_97] : memref<9x8x64xf32, #tpu.memory_space<vmem_shared>> -> memref<1x8x64xf32, #tpu.memory_space<vmem_shared>>
        %dma_wait3A_99 = tpu.memref_squeeze %dma_wait3A_98 : memref<1x8x64xf32, #tpu.memory_space<vmem_shared>> -> memref<8x64xf32, #tpu.memory_space<vmem_shared>>
        %dma_wait3A_100 = arith.constant 0 : i32
        %dma_wait3A_101 = arith.constant 0 : i32
        %dma_wait3A_102 = tpu.memref_slice %arg7[%run_scoped3A_60, %dma_wait3A_100, %dma_wait3A_101] : memref<9x8x64xf32, #tpu.memory_space<vmem_shared>> -> memref<1x8x64xf32, #tpu.memory_space<vmem_shared>>
        %dma_wait3A_103 = tpu.memref_squeeze %dma_wait3A_102 : memref<1x8x64xf32, #tpu.memory_space<vmem_shared>> -> memref<8x64xf32, #tpu.memory_space<vmem_shared>>
        tpu.wait_dma2 semaphore(%run_scoped3A_89 : memref<!tpu.dma_semaphore, #tpu.memory_space<semaphore_mem>>) src(%dma_wait3A_103 : memref<8x64xf32, #tpu.memory_space<vmem_shared>>) dst(%arg6 : memref<8x64xf32, #tpu.memory_space<vmem>>)
        tpu.yield
      }) : () -> ()
      %broadcast_in_dim3A = arith.constant 1 : i32
      %broadcast_in_dim3A_61 = vector.broadcast %broadcast_in_dim3A : i32 to vector<16xi32>
      %broadcast_in_dim3A_62 = arith.constant 1 : i32
      %broadcast_in_dim3A_63 = vector.broadcast %broadcast_in_dim3A_62 : i32 to vector<16xi32>
      %gather3A = tpu.vector_load_idx %arg5[%broadcast_in_dim3A_61, %broadcast_in_dim3A_63] : memref<8x64xf32, #tpu.memory_space<vmem>>[vector<16xi32>, vector<16xi32>], vector<16xf32>,
      %broadcast_in_dim3A_64 = arith.constant 1 : i32
      %broadcast_in_dim3A_65 = vector.broadcast %broadcast_in_dim3A_64 : i32 to vector<16xi32>
      %broadcast_in_dim3A_66 = arith.constant 1 : i32
      %broadcast_in_dim3A_67 = vector.broadcast %broadcast_in_dim3A_66 : i32 to vector<16xi32>
      %gather3A_68 = tpu.vector_load_idx %arg6[%broadcast_in_dim3A_65, %broadcast_in_dim3A_67] : memref<8x64xf32, #tpu.memory_space<vmem>>[vector<16xi32>, vector<16xi32>], vector<16xf32>,
      %add3A = arith.addf %gather3A, %gather3A_68 : vector<16xf32>
      %run_scoped3A_69 = arith.constant 7 : i32
      "tpu.region"() ({
        %run_scoped3A_89 = tpu.sem_alloc : memref<!tpu.dma_semaphore, #tpu.memory_space<semaphore_mem>>
        %dma_start3A = arith.constant 0 : i32
        %dma_start3A_90 = arith.constant 0 : i32
        %dma_start3A_91 = tpu.memref_slice %arg7[%run_scoped3A_69, %dma_start3A, %dma_start3A_90] : memref<9x8x64xf32, #tpu.memory_space<vmem_shared>> -> memref<1x8x64xf32, #tpu.memory_space<vmem_shared>>
        %dma_start3A_92 = tpu.memref_squeeze %dma_start3A_91 : memref<1x8x64xf32, #tpu.memory_space<vmem_shared>> -> memref<8x64xf32, #tpu.memory_space<vmem_shared>>
        %dma_start3A_93 = arith.constant 0 : i32
        %dma_start3A_94 = arith.constant 0 : i32
        %dma_start3A_95 = tpu.memref_slice %arg7[%run_scoped3A_69, %dma_start3A_93, %dma_start3A_94] : memref<9x8x64xf32, #tpu.memory_space<vmem_shared>> -> memref<1x8x64xf32, #tpu.memory_space<vmem_shared>>
        %dma_start3A_96 = tpu.memref_squeeze %dma_start3A_95 : memref<1x8x64xf32, #tpu.memory_space<vmem_shared>> -> memref<8x64xf32, #tpu.memory_space<vmem_shared>>
        tpu.enqueue_dma source(%dma_start3A_96 : memref<8x64xf32, #tpu.memory_space<vmem_shared>>) target(%arg5 : memref<8x64xf32, #tpu.memory_space<vmem>>) target_semaphore(%run_scoped3A_89 : memref<!tpu.dma_semaphore, #tpu.memory_space<semaphore_mem>>)
        %dma_wait3A = arith.constant 0 : i32
        %dma_wait3A_97 = arith.constant 0 : i32
        %dma_wait3A_98 = tpu.memref_slice %arg7[%run_scoped3A_69, %dma_wait3A, %dma_wait3A_97] : memref<9x8x64xf32, #tpu.memory_space<vmem_shared>> -> memref<1x8x64xf32, #tpu.memory_space<vmem_shared>>
        %dma_wait3A_99 = tpu.memref_squeeze %dma_wait3A_98 : memref<1x8x64xf32, #tpu.memory_space<vmem_shared>> -> memref<8x64xf32, #tpu.memory_space<vmem_shared>>
        %dma_wait3A_100 = arith.constant 0 : i32
        %dma_wait3A_101 = arith.constant 0 : i32
        %dma_wait3A_102 = tpu.memref_slice %arg7[%run_scoped3A_69, %dma_wait3A_100, %dma_wait3A_101] : memref<9x8x64xf32, #tpu.memory_space<vmem_shared>> -> memref<1x8x64xf32, #tpu.memory_space<vmem_shared>>
        %dma_wait3A_103 = tpu.memref_squeeze %dma_wait3A_102 : memref<1x8x64xf32, #tpu.memory_space<vmem_shared>> -> memref<8x64xf32, #tpu.memory_space<vmem_shared>>
        tpu.wait_dma2 semaphore(%run_scoped3A_89 : memref<!tpu.dma_semaphore, #tpu.memory_space<semaphore_mem>>) src(%dma_wait3A_103 : memref<8x64xf32, #tpu.memory_space<vmem_shared>>) dst(%arg5 : memref<8x64xf32, #tpu.memory_space<vmem>>)
        tpu.yield
      }) : () -> ()
      %broadcast_in_dim3A_70 = arith.constant 1 : i32
      %broadcast_in_dim3A_71 = vector.broadcast %broadcast_in_dim3A_70 : i32 to vector<16xi32>
      %broadcast_in_dim3A_72 = arith.constant 1 : i32
      %broadcast_in_dim3A_73 = vector.broadcast %broadcast_in_dim3A_72 : i32 to vector<16xi32>
      %gather3A_74 = tpu.vector_load_idx %arg5[%broadcast_in_dim3A_71, %broadcast_in_dim3A_73] : memref<8x64xf32, #tpu.memory_space<vmem>>[vector<16xi32>, vector<16xi32>], vector<16xf32>,
      %add3A_75 = arith.addf %add3A, %gather3A_74 : vector<16xf32>
      %eq3A_76 = arith.constant 0 : i32
      %eq3A_77 = vector.broadcast %eq3A_76 : i32 to vector<16xi32>
      %eq3A_78 = arith.cmpi eq, %iota3A, %eq3A_77 : vector<16xi32>
      %jit3A_79 = arith.constant 0.000000e+00 : f32
      %broadcast_in_dim3A_80 = vector.broadcast %jit3A_79 : f32 to vector<16xf32>
      %select_n3A_81 = arith.select %eq3A_78, %add3A_75, %broadcast_in_dim3A_80 : vector<16xi1>, vector<16xf32>
      %get3A = arith.constant 0 : i32
      %get3A_82 = arith.index_cast %get3A : i32 to index
      %get3A_83 = arith.constant 0 : index
      %get3A_84 = tpu.vector_load %arg4[%get3A_82, %get3A_83] {strides = array<i32>} : memref<64x64xf32, #tpu.memory_space<vmem>>, vector<16xf32>,
      %sub3A = arith.subf %get3A_84, %select_n3A_81 : vector<16xf32>
      %swap3A_85 = arith.constant 0 : i32
      %swap3A_86 = arith.index_cast %swap3A_85 : i32 to index
      %swap3A_87 = arith.constant 0 : index
      %swap3A_88 = tpu.vector_load %arg4[%swap3A_86, %swap3A_87] {strides = array<i32>} : memref<64x64xf32, #tpu.memory_space<vmem>>, vector<16xf32>,
      tpu.vector_store %arg4[%swap3A_86, %swap3A_87], %sub3A {strides = array<i32>} : memref<64x64xf32, #tpu.memory_space<vmem>>, vector<16xf32>,
    } else {
    }
    %convert_element_type3A_56 = arith.extui %and3A_3 : i1 to i32
    %cond3A_57 = arith.constant 0 : i32
    %cond3A_58 = arith.cmpi ne, %convert_element_type3A_56, %cond3A_57 : i32
    scf.if %cond3A_58 {
      %iota3A_59 = tpu.iota {dimensions = array<i32: 0>} : vector<16xi32>
      %scan3A = arith.constant 0 : i32
      %scan3A_60 = arith.constant 0 : i32
      %scan3A_61 = arith.constant 16 : i32
      %scan3A_62 = arith.addi %scan3A_60, %scan3A_61 : i32
      %scan3A_63 = arith.constant 1 : i32
      scf.for %scan3A_83 = %scan3A_60 to %scan3A_62 step %scan3A_63  : i32 {
        %broadcast_in_dim3A = vector.broadcast %scan3A_83 : i32 to vector<16xi32>
        %gather3A = tpu.vector_load_idx %arg4[%broadcast_in_dim3A, %broadcast_in_dim3A] : memref<64x64xf32, #tpu.memory_space<vmem>>[vector<16xi32>, vector<16xi32>], vector<16xf32>,
        %add3A = arith.constant 0 : i32
        %add3A_84 = vector.broadcast %add3A : i32 to vector<16xi32>
        %add3A_85 = arith.addi %iota3A_59, %add3A_84 : vector<16xi32>
        %gt3A = vector.broadcast %scan3A_83 : i32 to vector<16xi32>
        %gt3A_86 = arith.cmpi sgt, %add3A_85, %gt3A : vector<16xi32>
        %gather3A_87 = tpu.vector_load_idx %arg4[%add3A_85, %broadcast_in_dim3A] masked %gt3A_86 : memref<64x64xf32, #tpu.memory_space<vmem>>[vector<16xi32>, vector<16xi32>], vector<16xf32>, vector<16xi1>
        %div3A = arith.divf %gather3A_87, %gather3A : vector<16xf32>
        tpu.vector_store_idx %arg4[%add3A_85, %broadcast_in_dim3A], %div3A masked %gt3A_86 : memref<64x64xf32, #tpu.memory_space<vmem>>[vector<16xi32>, vector<16xi32>], vector<16xf32>, vector<16xi1>
        %add3A_88 = arith.constant 16 : i32
        %add3A_89 = vector.broadcast %add3A_88 : i32 to vector<16xi32>
        %add3A_90 = arith.addi %iota3A_59, %add3A_89 : vector<16xi32>
        %gather3A_91 = tpu.vector_load_idx %arg4[%add3A_90, %broadcast_in_dim3A] : memref<64x64xf32, #tpu.memory_space<vmem>>[vector<16xi32>, vector<16xi32>], vector<16xf32>,
        %div3A_92 = arith.divf %gather3A_91, %gather3A : vector<16xf32>
        tpu.vector_store_idx %arg4[%add3A_90, %broadcast_in_dim3A], %div3A_92 : memref<64x64xf32, #tpu.memory_space<vmem>>[vector<16xi32>, vector<16xi32>], vector<16xf32>,
        %add3A_93 = arith.constant 32 : i32
        %add3A_94 = vector.broadcast %add3A_93 : i32 to vector<16xi32>
        %add3A_95 = arith.addi %iota3A_59, %add3A_94 : vector<16xi32>
        %gather3A_96 = tpu.vector_load_idx %arg4[%add3A_95, %broadcast_in_dim3A] : memref<64x64xf32, #tpu.memory_space<vmem>>[vector<16xi32>, vector<16xi32>], vector<16xf32>,
        %div3A_97 = arith.divf %gather3A_96, %gather3A : vector<16xf32>
        tpu.vector_store_idx %arg4[%add3A_95, %broadcast_in_dim3A], %div3A_97 : memref<64x64xf32, #tpu.memory_space<vmem>>[vector<16xi32>, vector<16xi32>], vector<16xf32>,
        %add3A_98 = arith.constant 48 : i32
        %add3A_99 = vector.broadcast %add3A_98 : i32 to vector<16xi32>
        %add3A_100 = arith.addi %iota3A_59, %add3A_99 : vector<16xi32>
        %gather3A_101 = tpu.vector_load_idx %arg4[%add3A_100, %broadcast_in_dim3A] : memref<64x64xf32, #tpu.memory_space<vmem>>[vector<16xi32>, vector<16xi32>], vector<16xf32>,
        %div3A_102 = arith.divf %gather3A_101, %gather3A : vector<16xf32>
        tpu.vector_store_idx %arg4[%add3A_100, %broadcast_in_dim3A], %div3A_102 : memref<64x64xf32, #tpu.memory_space<vmem>>[vector<16xi32>, vector<16xi32>], vector<16xf32>,
        %get3A = arith.index_cast %scan3A_83 : i32 to index
        %get3A_103 = arith.constant 0 : index
        %get3A_104 = tpu.vector_load %arg4[%get3A, %get3A_103] {strides = array<i32>} : memref<64x64xf32, #tpu.memory_space<vmem>>, vector<16xf32>,
        %add3A_105 = arith.constant 0 : i32
        %add3A_106 = vector.broadcast %add3A_105 : i32 to vector<16xi32>
        %add3A_107 = arith.addi %iota3A_59, %add3A_106 : vector<16xi32>
        %gt3A_108 = vector.broadcast %scan3A_83 : i32 to vector<16xi32>
        %gt3A_109 = arith.cmpi sgt, %add3A_107, %gt3A_108 : vector<16xi32>
        %jit3A_110 = arith.constant 0.000000e+00 : f32
        %broadcast_in_dim3A_111 = vector.broadcast %jit3A_110 : f32 to vector<16xf32>
        %select_n3A_112 = arith.select %gt3A_109, %get3A_104, %broadcast_in_dim3A_111 : vector<16xi1>, vector<16xf32>
        %get3A_113 = arith.index_cast %scan3A_83 : i32 to index
        %get3A_114 = arith.constant 16 : index
        %get3A_115 = tpu.vector_load %arg4[%get3A_113, %get3A_114] {strides = array<i32>} : memref<64x64xf32, #tpu.memory_space<vmem>>, vector<16xf32>,
        %get3A_116 = arith.index_cast %scan3A_83 : i32 to index
        %get3A_117 = arith.constant 32 : index
        %get3A_118 = tpu.vector_load %arg4[%get3A_116, %get3A_117] {strides = array<i32>} : memref<64x64xf32, #tpu.memory_space<vmem>>, vector<16xf32>,
        %get3A_119 = arith.index_cast %scan3A_83 : i32 to index
        %get3A_120 = arith.constant 48 : index
        %get3A_121 = tpu.vector_load %arg4[%get3A_119, %get3A_120] {strides = array<i32>} : memref<64x64xf32, #tpu.memory_space<vmem>>, vector<16xf32>,
        %sub3A = arith.constant 64 : i32
        %sub3A_122 = arith.subi %sub3A, %scan3A_83 : i32
        %add3A_123 = arith.constant 2 : i32
        %add3A_124 = arith.addi %sub3A_122, %add3A_123 : i32
        %jit3A_125 = arith.constant 4 : i32
        %div3A_126 = arith.divsi %add3A_124, %jit3A_125 : i32
        %sign3A = arith.constant 0 : i32
        %sign3A_127 = arith.cmpi sgt, %add3A_124, %sign3A : i32
        %sign3A_128 = arith.extui %sign3A_127 : i1 to i32
        %sign3A_129 = arith.constant 0 : i32
        %sign3A_130 = arith.cmpi slt, %add3A_124, %sign3A_129 : i32
        %sign3A_131 = arith.extui %sign3A_130 : i1 to i32
        %sign3A_132 = arith.subi %sign3A_128, %sign3A_131 : i32
        %sign3A_133 = arith.constant 0 : i32
        %sign3A_134 = arith.cmpi sgt, %jit3A_125, %sign3A_133 : i32
        %sign3A_135 = arith.extui %sign3A_134 : i1 to i32
        %sign3A_136 = arith.constant 0 : i32
        %sign3A_137 = arith.cmpi slt, %jit3A_125, %sign3A_136 : i32
        %sign3A_138 = arith.extui %sign3A_137 : i1 to i32
        %sign3A_139 = arith.subi %sign3A_135, %sign3A_138 : i32
        %ne3A_140 = arith.cmpi ne, %sign3A_132, %sign3A_139 : i32
        %rem3A = arith.remsi %add3A_124, %jit3A_125 : i32
        %ne3A_141 = arith.constant 0 : i32
        %ne3A_142 = arith.cmpi ne, %rem3A, %ne3A_141 : i32
        %and3A_143 = arith.andi %ne3A_140, %ne3A_142 : i1
        %sub3A_144 = arith.constant 1 : i32
        %sub3A_145 = arith.subi %div3A_126, %sub3A_144 : i32
        %select_n3A_146 = arith.select %and3A_143, %sub3A_145, %div3A_126 : i32
        %while3A = arith.constant 0 : i32
        %while3A_147 = arith.constant 0 : i32
        %while3A_148 = arith.subi %select_n3A_146, %while3A_147 : i32
        %while3A_149 = arith.addi %while3A_147, %while3A_148 : i32
        %while3A_150 = arith.constant 1 : i32
        %while3A_151 = arith.divsi %while3A_148, %while3A_150 : i32
        %while3A_152 = arith.muli %while3A_151, %while3A_150 : i32
        %while3A_153 = arith.addi %while3A_147, %while3A_152 : i32
        %while3A_154 = arith.constant 1 : i32
        scf.for %while3A_161 = %while3A_147 to %while3A_153 step %while3A_154  : i32 {
          %add3A_162 = arith.constant 1 : i32
          %add3A_163 = arith.addi %scan3A_83, %add3A_162 : i32
          %mul3A = arith.constant 4 : i32
          %mul3A_164 = arith.muli %mul3A, %while3A_161 : i32
          %add3A_165 = arith.addi %add3A_163, %mul3A_164 : i32
          %add3A_166 = arith.constant 0 : i32
          %add3A_167 = arith.addi %add3A_165, %add3A_166 : i32
          %lt3A = arith.constant 64 : i32
          %lt3A_168 = arith.cmpi slt, %add3A_167, %lt3A : i32
          %jit3A_169 = arith.constant 63 : i32
          %select_n3A_170 = arith.select %lt3A_168, %add3A_167, %jit3A_169 : i32
          %broadcast_in_dim3A_171 = vector.broadcast %select_n3A_170 : i32 to vector<16xi32>
          %gather3A_172 = tpu.vector_load_idx %arg4[%broadcast_in_dim3A_171, %broadcast_in_dim3A] : memref<64x64xf32, #tpu.memory_space<vmem>>[vector<16xi32>, vector<16xi32>], vector<16xf32>,
          %jit3A_173 = arith.constant 0.000000e+00 : f32
          %broadcast_in_dim3A_174 = vector.broadcast %jit3A_173 : f32 to vector<16xf32>
          %select_n3A_175 = arith.select %lt3A_168, %gather3A_172, %broadcast_in_dim3A_174 : vector<16xf32>
          %add3A_176 = arith.constant 1 : i32
          %add3A_177 = arith.addi %add3A_165, %add3A_176 : i32
          %lt3A_178 = arith.constant 64 : i32
          %lt3A_179 = arith.cmpi slt, %add3A_177, %lt3A_178 : i32
          %jit3A_180 = arith.constant 63 : i32
          %select_n3A_181 = arith.select %lt3A_179, %add3A_177, %jit3A_180 : i32
          %broadcast_in_dim3A_182 = vector.broadcast %select_n3A_181 : i32 to vector<16xi32>
          %gather3A_183 = tpu.vector_load_idx %arg4[%broadcast_in_dim3A_182, %broadcast_in_dim3A] : memref<64x64xf32, #tpu.memory_space<vmem>>[vector<16xi32>, vector<16xi32>], vector<16xf32>,
          %jit3A_184 = arith.constant 0.000000e+00 : f32
          %broadcast_in_dim3A_185 = vector.broadcast %jit3A_184 : f32 to vector<16xf32>
          %select_n3A_186 = arith.select %lt3A_179, %gather3A_183, %broadcast_in_dim3A_185 : vector<16xf32>
          %add3A_187 = arith.constant 2 : i32
          %add3A_188 = arith.addi %add3A_165, %add3A_187 : i32
          %lt3A_189 = arith.constant 64 : i32
          %lt3A_190 = arith.cmpi slt, %add3A_188, %lt3A_189 : i32
          %jit3A_191 = arith.constant 63 : i32
          %select_n3A_192 = arith.select %lt3A_190, %add3A_188, %jit3A_191 : i32
          %broadcast_in_dim3A_193 = vector.broadcast %select_n3A_192 : i32 to vector<16xi32>
          %gather3A_194 = tpu.vector_load_idx %arg4[%broadcast_in_dim3A_193, %broadcast_in_dim3A] : memref<64x64xf32, #tpu.memory_space<vmem>>[vector<16xi32>, vector<16xi32>], vector<16xf32>,
          %jit3A_195 = arith.constant 0.000000e+00 : f32
          %broadcast_in_dim3A_196 = vector.broadcast %jit3A_195 : f32 to vector<16xf32>
          %select_n3A_197 = arith.select %lt3A_190, %gather3A_194, %broadcast_in_dim3A_196 : vector<16xf32>
          %add3A_198 = arith.constant 3 : i32
          %add3A_199 = arith.addi %add3A_165, %add3A_198 : i32
          %lt3A_200 = arith.constant 64 : i32
          %lt3A_201 = arith.cmpi slt, %add3A_199, %lt3A_200 : i32
          %jit3A_202 = arith.constant 63 : i32
          %select_n3A_203 = arith.select %lt3A_201, %add3A_199, %jit3A_202 : i32
          %broadcast_in_dim3A_204 = vector.broadcast %select_n3A_203 : i32 to vector<16xi32>
          %gather3A_205 = tpu.vector_load_idx %arg4[%broadcast_in_dim3A_204, %broadcast_in_dim3A] : memref<64x64xf32, #tpu.memory_space<vmem>>[vector<16xi32>, vector<16xi32>], vector<16xf32>,
          %jit3A_206 = arith.constant 0.000000e+00 : f32
          %broadcast_in_dim3A_207 = vector.broadcast %jit3A_206 : f32 to vector<16xf32>
          %select_n3A_208 = arith.select %lt3A_201, %gather3A_205, %broadcast_in_dim3A_207 : vector<16xf32>
          %get3A_209 = arith.index_cast %select_n3A_170 : i32 to index
          %get3A_210 = arith.constant 0 : index
          %get3A_211 = tpu.vector_load %arg4[%get3A_209, %get3A_210] {strides = array<i32>} : memref<64x64xf32, #tpu.memory_space<vmem>>, vector<16xf32>,
          %mul3A_212 = arith.mulf %select_n3A_175, %select_n3A_112 : vector<16xf32>
          %sub3A_213 = arith.subf %get3A_211, %mul3A_212 : vector<16xf32>
          %swap3A_214 = arith.index_cast %select_n3A_170 : i32 to index
          %swap3A_215 = arith.constant 0 : index
          %swap3A_216 = tpu.vector_load %arg4[%swap3A_214, %swap3A_215] {strides = array<i32>} : memref<64x64xf32, #tpu.memory_space<vmem>>, vector<16xf32>,
          tpu.vector_store %arg4[%swap3A_214, %swap3A_215], %sub3A_213 {strides = array<i32>} : memref<64x64xf32, #tpu.memory_space<vmem>>, vector<16xf32>,
          %get3A_217 = arith.index_cast %select_n3A_170 : i32 to index
          %get3A_218 = arith.constant 16 : index
          %get3A_219 = tpu.vector_load %arg4[%get3A_217, %get3A_218] {strides = array<i32>} : memref<64x64xf32, #tpu.memory_space<vmem>>, vector<16xf32>,
          %mul3A_220 = arith.mulf %select_n3A_175, %get3A_115 : vector<16xf32>
          %sub3A_221 = arith.subf %get3A_219, %mul3A_220 : vector<16xf32>
          %swap3A_222 = arith.index_cast %select_n3A_170 : i32 to index
          %swap3A_223 = arith.constant 16 : index
          %swap3A_224 = tpu.vector_load %arg4[%swap3A_222, %swap3A_223] {strides = array<i32>} : memref<64x64xf32, #tpu.memory_space<vmem>>, vector<16xf32>,
          tpu.vector_store %arg4[%swap3A_222, %swap3A_223], %sub3A_221 {strides = array<i32>} : memref<64x64xf32, #tpu.memory_space<vmem>>, vector<16xf32>,
          %get3A_225 = arith.index_cast %select_n3A_170 : i32 to index
          %get3A_226 = arith.constant 32 : index
          %get3A_227 = tpu.vector_load %arg4[%get3A_225, %get3A_226] {strides = array<i32>} : memref<64x64xf32, #tpu.memory_space<vmem>>, vector<16xf32>,
          %mul3A_228 = arith.mulf %select_n3A_175, %get3A_118 : vector<16xf32>
          %sub3A_229 = arith.subf %get3A_227, %mul3A_228 : vector<16xf32>
          %swap3A_230 = arith.index_cast %select_n3A_170 : i32 to index
          %swap3A_231 = arith.constant 32 : index
          %swap3A_232 = tpu.vector_load %arg4[%swap3A_230, %swap3A_231] {strides = array<i32>} : memref<64x64xf32, #tpu.memory_space<vmem>>, vector<16xf32>,
          tpu.vector_store %arg4[%swap3A_230, %swap3A_231], %sub3A_229 {strides = array<i32>} : memref<64x64xf32, #tpu.memory_space<vmem>>, vector<16xf32>,
          %get3A_233 = arith.index_cast %select_n3A_170 : i32 to index
          %get3A_234 = arith.constant 48 : index
          %get3A_235 = tpu.vector_load %arg4[%get3A_233, %get3A_234] {strides = array<i32>} : memref<64x64xf32, #tpu.memory_space<vmem>>, vector<16xf32>,
          %mul3A_236 = arith.mulf %select_n3A_175, %get3A_121 : vector<16xf32>
          %sub3A_237 = arith.subf %get3A_235, %mul3A_236 : vector<16xf32>
          %swap3A_238 = arith.index_cast %select_n3A_170 : i32 to index
          %swap3A_239 = arith.constant 48 : index
          %swap3A_240 = tpu.vector_load %arg4[%swap3A_238, %swap3A_239] {strides = array<i32>} : memref<64x64xf32, #tpu.memory_space<vmem>>, vector<16xf32>,
          tpu.vector_store %arg4[%swap3A_238, %swap3A_239], %sub3A_237 {strides = array<i32>} : memref<64x64xf32, #tpu.memory_space<vmem>>, vector<16xf32>,
          %get3A_241 = arith.index_cast %select_n3A_181 : i32 to index
          %get3A_242 = arith.constant 0 : index
          %get3A_243 = tpu.vector_load %arg4[%get3A_241, %get3A_242] {strides = array<i32>} : memref<64x64xf32, #tpu.memory_space<vmem>>, vector<16xf32>,
          %mul3A_244 = arith.mulf %select_n3A_186, %select_n3A_112 : vector<16xf32>
          %sub3A_245 = arith.subf %get3A_243, %mul3A_244 : vector<16xf32>
          %swap3A_246 = arith.index_cast %select_n3A_181 : i32 to index
          %swap3A_247 = arith.constant 0 : index
          %swap3A_248 = tpu.vector_load %arg4[%swap3A_246, %swap3A_247] {strides = array<i32>} : memref<64x64xf32, #tpu.memory_space<vmem>>, vector<16xf32>,
          tpu.vector_store %arg4[%swap3A_246, %swap3A_247], %sub3A_245 {strides = array<i32>} : memref<64x64xf32, #tpu.memory_space<vmem>>, vector<16xf32>,
          %get3A_249 = arith.index_cast %select_n3A_181 : i32 to index
          %get3A_250 = arith.constant 16 : index
          %get3A_251 = tpu.vector_load %arg4[%get3A_249, %get3A_250] {strides = array<i32>} : memref<64x64xf32, #tpu.memory_space<vmem>>, vector<16xf32>,
          %mul3A_252 = arith.mulf %select_n3A_186, %get3A_115 : vector<16xf32>
          %sub3A_253 = arith.subf %get3A_251, %mul3A_252 : vector<16xf32>
          %swap3A_254 = arith.index_cast %select_n3A_181 : i32 to index
          %swap3A_255 = arith.constant 16 : index
          %swap3A_256 = tpu.vector_load %arg4[%swap3A_254, %swap3A_255] {strides = array<i32>} : memref<64x64xf32, #tpu.memory_space<vmem>>, vector<16xf32>,
          tpu.vector_store %arg4[%swap3A_254, %swap3A_255], %sub3A_253 {strides = array<i32>} : memref<64x64xf32, #tpu.memory_space<vmem>>, vector<16xf32>,
          %get3A_257 = arith.index_cast %select_n3A_181 : i32 to index
          %get3A_258 = arith.constant 32 : index
          %get3A_259 = tpu.vector_load %arg4[%get3A_257, %get3A_258] {strides = array<i32>} : memref<64x64xf32, #tpu.memory_space<vmem>>, vector<16xf32>,
          %mul3A_260 = arith.mulf %select_n3A_186, %get3A_118 : vector<16xf32>
          %sub3A_261 = arith.subf %get3A_259, %mul3A_260 : vector<16xf32>
          %swap3A_262 = arith.index_cast %select_n3A_181 : i32 to index
          %swap3A_263 = arith.constant 32 : index
          %swap3A_264 = tpu.vector_load %arg4[%swap3A_262, %swap3A_263] {strides = array<i32>} : memref<64x64xf32, #tpu.memory_space<vmem>>, vector<16xf32>,
          tpu.vector_store %arg4[%swap3A_262, %swap3A_263], %sub3A_261 {strides = array<i32>} : memref<64x64xf32, #tpu.memory_space<vmem>>, vector<16xf32>,
          %get3A_265 = arith.index_cast %select_n3A_181 : i32 to index
          %get3A_266 = arith.constant 48 : index
          %get3A_267 = tpu.vector_load %arg4[%get3A_265, %get3A_266] {strides = array<i32>} : memref<64x64xf32, #tpu.memory_space<vmem>>, vector<16xf32>,
          %mul3A_268 = arith.mulf %select_n3A_186, %get3A_121 : vector<16xf32>
          %sub3A_269 = arith.subf %get3A_267, %mul3A_268 : vector<16xf32>
          %swap3A_270 = arith.index_cast %select_n3A_181 : i32 to index
          %swap3A_271 = arith.constant 48 : index
          %swap3A_272 = tpu.vector_load %arg4[%swap3A_270, %swap3A_271] {strides = array<i32>} : memref<64x64xf32, #tpu.memory_space<vmem>>, vector<16xf32>,
          tpu.vector_store %arg4[%swap3A_270, %swap3A_271], %sub3A_269 {strides = array<i32>} : memref<64x64xf32, #tpu.memory_space<vmem>>, vector<16xf32>,
          %get3A_273 = arith.index_cast %select_n3A_192 : i32 to index
          %get3A_274 = arith.constant 0 : index
          %get3A_275 = tpu.vector_load %arg4[%get3A_273, %get3A_274] {strides = array<i32>} : memref<64x64xf32, #tpu.memory_space<vmem>>, vector<16xf32>,
          %mul3A_276 = arith.mulf %select_n3A_197, %select_n3A_112 : vector<16xf32>
          %sub3A_277 = arith.subf %get3A_275, %mul3A_276 : vector<16xf32>
          %swap3A_278 = arith.index_cast %select_n3A_192 : i32 to index
          %swap3A_279 = arith.constant 0 : index
          %swap3A_280 = tpu.vector_load %arg4[%swap3A_278, %swap3A_279] {strides = array<i32>} : memref<64x64xf32, #tpu.memory_space<vmem>>, vector<16xf32>,
          tpu.vector_store %arg4[%swap3A_278, %swap3A_279], %sub3A_277 {strides = array<i32>} : memref<64x64xf32, #tpu.memory_space<vmem>>, vector<16xf32>,
          %get3A_281 = arith.index_cast %select_n3A_192 : i32 to index
          %get3A_282 = arith.constant 16 : index
          %get3A_283 = tpu.vector_load %arg4[%get3A_281, %get3A_282] {strides = array<i32>} : memref<64x64xf32, #tpu.memory_space<vmem>>, vector<16xf32>,
          %mul3A_284 = arith.mulf %select_n3A_197, %get3A_115 : vector<16xf32>
          %sub3A_285 = arith.subf %get3A_283, %mul3A_284 : vector<16xf32>
          %swap3A_286 = arith.index_cast %select_n3A_192 : i32 to index
          %swap3A_287 = arith.constant 16 : index
          %swap3A_288 = tpu.vector_load %arg4[%swap3A_286, %swap3A_287] {strides = array<i32>} : memref<64x64xf32, #tpu.memory_space<vmem>>, vector<16xf32>,
          tpu.vector_store %arg4[%swap3A_286, %swap3A_287], %sub3A_285 {strides = array<i32>} : memref<64x64xf32, #tpu.memory_space<vmem>>, vector<16xf32>,
          %get3A_289 = arith.index_cast %select_n3A_192 : i32 to index
          %get3A_290 = arith.constant 32 : index
          %get3A_291 = tpu.vector_load %arg4[%get3A_289, %get3A_290] {strides = array<i32>} : memref<64x64xf32, #tpu.memory_space<vmem>>, vector<16xf32>,
          %mul3A_292 = arith.mulf %select_n3A_197, %get3A_118 : vector<16xf32>
          %sub3A_293 = arith.subf %get3A_291, %mul3A_292 : vector<16xf32>
          %swap3A_294 = arith.index_cast %select_n3A_192 : i32 to index
          %swap3A_295 = arith.constant 32 : index
          %swap3A_296 = tpu.vector_load %arg4[%swap3A_294, %swap3A_295] {strides = array<i32>} : memref<64x64xf32, #tpu.memory_space<vmem>>, vector<16xf32>,
          tpu.vector_store %arg4[%swap3A_294, %swap3A_295], %sub3A_293 {strides = array<i32>} : memref<64x64xf32, #tpu.memory_space<vmem>>, vector<16xf32>,
          %get3A_297 = arith.index_cast %select_n3A_192 : i32 to index
          %get3A_298 = arith.constant 48 : index
          %get3A_299 = tpu.vector_load %arg4[%get3A_297, %get3A_298] {strides = array<i32>} : memref<64x64xf32, #tpu.memory_space<vmem>>, vector<16xf32>,
          %mul3A_300 = arith.mulf %select_n3A_197, %get3A_121 : vector<16xf32>
          %sub3A_301 = arith.subf %get3A_299, %mul3A_300 : vector<16xf32>
          %swap3A_302 = arith.index_cast %select_n3A_192 : i32 to index
          %swap3A_303 = arith.constant 48 : index
          %swap3A_304 = tpu.vector_load %arg4[%swap3A_302, %swap3A_303] {strides = array<i32>} : memref<64x64xf32, #tpu.memory_space<vmem>>, vector<16xf32>,
          tpu.vector_store %arg4[%swap3A_302, %swap3A_303], %sub3A_301 {strides = array<i32>} : memref<64x64xf32, #tpu.memory_space<vmem>>, vector<16xf32>,
          %get3A_305 = arith.index_cast %select_n3A_203 : i32 to index
          %get3A_306 = arith.constant 0 : index
          %get3A_307 = tpu.vector_load %arg4[%get3A_305, %get3A_306] {strides = array<i32>} : memref<64x64xf32, #tpu.memory_space<vmem>>, vector<16xf32>,
          %mul3A_308 = arith.mulf %select_n3A_208, %select_n3A_112 : vector<16xf32>
          %sub3A_309 = arith.subf %get3A_307, %mul3A_308 : vector<16xf32>
          %swap3A_310 = arith.index_cast %select_n3A_203 : i32 to index
          %swap3A_311 = arith.constant 0 : index
          %swap3A_312 = tpu.vector_load %arg4[%swap3A_310, %swap3A_311] {strides = array<i32>} : memref<64x64xf32, #tpu.memory_space<vmem>>, vector<16xf32>,
          tpu.vector_store %arg4[%swap3A_310, %swap3A_311], %sub3A_309 {strides = array<i32>} : memref<64x64xf32, #tpu.memory_space<vmem>>, vector<16xf32>,
          %get3A_313 = arith.index_cast %select_n3A_203 : i32 to index
          %get3A_314 = arith.constant 16 : index
          %get3A_315 = tpu.vector_load %arg4[%get3A_313, %get3A_314] {strides = array<i32>} : memref<64x64xf32, #tpu.memory_space<vmem>>, vector<16xf32>,
          %mul3A_316 = arith.mulf %select_n3A_208, %get3A_115 : vector<16xf32>
          %sub3A_317 = arith.subf %get3A_315, %mul3A_316 : vector<16xf32>
          %swap3A_318 = arith.index_cast %select_n3A_203 : i32 to index
          %swap3A_319 = arith.constant 16 : index
          %swap3A_320 = tpu.vector_load %arg4[%swap3A_318, %swap3A_319] {strides = array<i32>} : memref<64x64xf32, #tpu.memory_space<vmem>>, vector<16xf32>,
          tpu.vector_store %arg4[%swap3A_318, %swap3A_319], %sub3A_317 {strides = array<i32>} : memref<64x64xf32, #tpu.memory_space<vmem>>, vector<16xf32>,
          %get3A_321 = arith.index_cast %select_n3A_203 : i32 to index
          %get3A_322 = arith.constant 32 : index
          %get3A_323 = tpu.vector_load %arg4[%get3A_321, %get3A_322] {strides = array<i32>} : memref<64x64xf32, #tpu.memory_space<vmem>>, vector<16xf32>,
          %mul3A_324 = arith.mulf %select_n3A_208, %get3A_118 : vector<16xf32>
          %sub3A_325 = arith.subf %get3A_323, %mul3A_324 : vector<16xf32>
          %swap3A_326 = arith.index_cast %select_n3A_203 : i32 to index
          %swap3A_327 = arith.constant 32 : index
          %swap3A_328 = tpu.vector_load %arg4[%swap3A_326, %swap3A_327] {strides = array<i32>} : memref<64x64xf32, #tpu.memory_space<vmem>>, vector<16xf32>,
          tpu.vector_store %arg4[%swap3A_326, %swap3A_327], %sub3A_325 {strides = array<i32>} : memref<64x64xf32, #tpu.memory_space<vmem>>, vector<16xf32>,
          %get3A_329 = arith.index_cast %select_n3A_203 : i32 to index
          %get3A_330 = arith.constant 48 : index
          %get3A_331 = tpu.vector_load %arg4[%get3A_329, %get3A_330] {strides = array<i32>} : memref<64x64xf32, #tpu.memory_space<vmem>>, vector<16xf32>,
          %mul3A_332 = arith.mulf %select_n3A_208, %get3A_121 : vector<16xf32>
          %sub3A_333 = arith.subf %get3A_331, %mul3A_332 : vector<16xf32>
          %swap3A_334 = arith.index_cast %select_n3A_203 : i32 to index
          %swap3A_335 = arith.constant 48 : index
          %swap3A_336 = tpu.vector_load %arg4[%swap3A_334, %swap3A_335] {strides = array<i32>} : memref<64x64xf32, #tpu.memory_space<vmem>>, vector<16xf32>,
          tpu.vector_store %arg4[%swap3A_334, %swap3A_335], %sub3A_333 {strides = array<i32>} : memref<64x64xf32, #tpu.memory_space<vmem>>, vector<16xf32>,
        }
        %while3A_155 = arith.constant 1 : i32
        scf.for %while3A_161 = %while3A_153 to %while3A_149 step %while3A_155  : i32 {
          %add3A_162 = arith.constant 1 : i32
          %add3A_163 = arith.addi %scan3A_83, %add3A_162 : i32
          %mul3A = arith.constant 4 : i32
          %mul3A_164 = arith.muli %mul3A, %while3A_161 : i32
          %add3A_165 = arith.addi %add3A_163, %mul3A_164 : i32
          %add3A_166 = arith.constant 0 : i32
          %add3A_167 = arith.addi %add3A_165, %add3A_166 : i32
          %lt3A = arith.constant 64 : i32
          %lt3A_168 = arith.cmpi slt, %add3A_167, %lt3A : i32
          %jit3A_169 = arith.constant 63 : i32
          %select_n3A_170 = arith.select %lt3A_168, %add3A_167, %jit3A_169 : i32
          %broadcast_in_dim3A_171 = vector.broadcast %select_n3A_170 : i32 to vector<16xi32>
          %gather3A_172 = tpu.vector_load_idx %arg4[%broadcast_in_dim3A_171, %broadcast_in_dim3A] : memref<64x64xf32, #tpu.memory_space<vmem>>[vector<16xi32>, vector<16xi32>], vector<16xf32>,
          %jit3A_173 = arith.constant 0.000000e+00 : f32
          %broadcast_in_dim3A_174 = vector.broadcast %jit3A_173 : f32 to vector<16xf32>
          %select_n3A_175 = arith.select %lt3A_168, %gather3A_172, %broadcast_in_dim3A_174 : vector<16xf32>
          %add3A_176 = arith.constant 1 : i32
          %add3A_177 = arith.addi %add3A_165, %add3A_176 : i32
          %lt3A_178 = arith.constant 64 : i32
          %lt3A_179 = arith.cmpi slt, %add3A_177, %lt3A_178 : i32
          %jit3A_180 = arith.constant 63 : i32
          %select_n3A_181 = arith.select %lt3A_179, %add3A_177, %jit3A_180 : i32
          %broadcast_in_dim3A_182 = vector.broadcast %select_n3A_181 : i32 to vector<16xi32>
          %gather3A_183 = tpu.vector_load_idx %arg4[%broadcast_in_dim3A_182, %broadcast_in_dim3A] : memref<64x64xf32, #tpu.memory_space<vmem>>[vector<16xi32>, vector<16xi32>], vector<16xf32>,
          %jit3A_184 = arith.constant 0.000000e+00 : f32
          %broadcast_in_dim3A_185 = vector.broadcast %jit3A_184 : f32 to vector<16xf32>
          %select_n3A_186 = arith.select %lt3A_179, %gather3A_183, %broadcast_in_dim3A_185 : vector<16xf32>
          %add3A_187 = arith.constant 2 : i32
          %add3A_188 = arith.addi %add3A_165, %add3A_187 : i32
          %lt3A_189 = arith.constant 64 : i32
          %lt3A_190 = arith.cmpi slt, %add3A_188, %lt3A_189 : i32
          %jit3A_191 = arith.constant 63 : i32
          %select_n3A_192 = arith.select %lt3A_190, %add3A_188, %jit3A_191 : i32
          %broadcast_in_dim3A_193 = vector.broadcast %select_n3A_192 : i32 to vector<16xi32>
          %gather3A_194 = tpu.vector_load_idx %arg4[%broadcast_in_dim3A_193, %broadcast_in_dim3A] : memref<64x64xf32, #tpu.memory_space<vmem>>[vector<16xi32>, vector<16xi32>], vector<16xf32>,
          %jit3A_195 = arith.constant 0.000000e+00 : f32
          %broadcast_in_dim3A_196 = vector.broadcast %jit3A_195 : f32 to vector<16xf32>
          %select_n3A_197 = arith.select %lt3A_190, %gather3A_194, %broadcast_in_dim3A_196 : vector<16xf32>
          %add3A_198 = arith.constant 3 : i32
          %add3A_199 = arith.addi %add3A_165, %add3A_198 : i32
          %lt3A_200 = arith.constant 64 : i32
          %lt3A_201 = arith.cmpi slt, %add3A_199, %lt3A_200 : i32
          %jit3A_202 = arith.constant 63 : i32
          %select_n3A_203 = arith.select %lt3A_201, %add3A_199, %jit3A_202 : i32
          %broadcast_in_dim3A_204 = vector.broadcast %select_n3A_203 : i32 to vector<16xi32>
          %gather3A_205 = tpu.vector_load_idx %arg4[%broadcast_in_dim3A_204, %broadcast_in_dim3A] : memref<64x64xf32, #tpu.memory_space<vmem>>[vector<16xi32>, vector<16xi32>], vector<16xf32>,
          %jit3A_206 = arith.constant 0.000000e+00 : f32
          %broadcast_in_dim3A_207 = vector.broadcast %jit3A_206 : f32 to vector<16xf32>
          %select_n3A_208 = arith.select %lt3A_201, %gather3A_205, %broadcast_in_dim3A_207 : vector<16xf32>
          %get3A_209 = arith.index_cast %select_n3A_170 : i32 to index
          %get3A_210 = arith.constant 0 : index
          %get3A_211 = tpu.vector_load %arg4[%get3A_209, %get3A_210] {strides = array<i32>} : memref<64x64xf32, #tpu.memory_space<vmem>>, vector<16xf32>,
          %mul3A_212 = arith.mulf %select_n3A_175, %select_n3A_112 : vector<16xf32>
          %sub3A_213 = arith.subf %get3A_211, %mul3A_212 : vector<16xf32>
          %swap3A_214 = arith.index_cast %select_n3A_170 : i32 to index
          %swap3A_215 = arith.constant 0 : index
          %swap3A_216 = tpu.vector_load %arg4[%swap3A_214, %swap3A_215] {strides = array<i32>} : memref<64x64xf32, #tpu.memory_space<vmem>>, vector<16xf32>,
          tpu.vector_store %arg4[%swap3A_214, %swap3A_215], %sub3A_213 {strides = array<i32>} : memref<64x64xf32, #tpu.memory_space<vmem>>, vector<16xf32>,
          %get3A_217 = arith.index_cast %select_n3A_170 : i32 to index
          %get3A_218 = arith.constant 16 : index
          %get3A_219 = tpu.vector_load %arg4[%get3A_217, %get3A_218] {strides = array<i32>} : memref<64x64xf32, #tpu.memory_space<vmem>>, vector<16xf32>,
          %mul3A_220 = arith.mulf %select_n3A_175, %get3A_115 : vector<16xf32>
          %sub3A_221 = arith.subf %get3A_219, %mul3A_220 : vector<16xf32>
          %swap3A_222 = arith.index_cast %select_n3A_170 : i32 to index
          %swap3A_223 = arith.constant 16 : index
          %swap3A_224 = tpu.vector_load %arg4[%swap3A_222, %swap3A_223] {strides = array<i32>} : memref<64x64xf32, #tpu.memory_space<vmem>>, vector<16xf32>,
          tpu.vector_store %arg4[%swap3A_222, %swap3A_223], %sub3A_221 {strides = array<i32>} : memref<64x64xf32, #tpu.memory_space<vmem>>, vector<16xf32>,
          %get3A_225 = arith.index_cast %select_n3A_170 : i32 to index
          %get3A_226 = arith.constant 32 : index
          %get3A_227 = tpu.vector_load %arg4[%get3A_225, %get3A_226] {strides = array<i32>} : memref<64x64xf32, #tpu.memory_space<vmem>>, vector<16xf32>,
          %mul3A_228 = arith.mulf %select_n3A_175, %get3A_118 : vector<16xf32>
          %sub3A_229 = arith.subf %get3A_227, %mul3A_228 : vector<16xf32>
          %swap3A_230 = arith.index_cast %select_n3A_170 : i32 to index
          %swap3A_231 = arith.constant 32 : index
          %swap3A_232 = tpu.vector_load %arg4[%swap3A_230, %swap3A_231] {strides = array<i32>} : memref<64x64xf32, #tpu.memory_space<vmem>>, vector<16xf32>,
          tpu.vector_store %arg4[%swap3A_230, %swap3A_231], %sub3A_229 {strides = array<i32>} : memref<64x64xf32, #tpu.memory_space<vmem>>, vector<16xf32>,
          %get3A_233 = arith.index_cast %select_n3A_170 : i32 to index
          %get3A_234 = arith.constant 48 : index
          %get3A_235 = tpu.vector_load %arg4[%get3A_233, %get3A_234] {strides = array<i32>} : memref<64x64xf32, #tpu.memory_space<vmem>>, vector<16xf32>,
          %mul3A_236 = arith.mulf %select_n3A_175, %get3A_121 : vector<16xf32>
          %sub3A_237 = arith.subf %get3A_235, %mul3A_236 : vector<16xf32>
          %swap3A_238 = arith.index_cast %select_n3A_170 : i32 to index
          %swap3A_239 = arith.constant 48 : index
          %swap3A_240 = tpu.vector_load %arg4[%swap3A_238, %swap3A_239] {strides = array<i32>} : memref<64x64xf32, #tpu.memory_space<vmem>>, vector<16xf32>,
          tpu.vector_store %arg4[%swap3A_238, %swap3A_239], %sub3A_237 {strides = array<i32>} : memref<64x64xf32, #tpu.memory_space<vmem>>, vector<16xf32>,
          %get3A_241 = arith.index_cast %select_n3A_181 : i32 to index
          %get3A_242 = arith.constant 0 : index
          %get3A_243 = tpu.vector_load %arg4[%get3A_241, %get3A_242] {strides = array<i32>} : memref<64x64xf32, #tpu.memory_space<vmem>>, vector<16xf32>,
          %mul3A_244 = arith.mulf %select_n3A_186, %select_n3A_112 : vector<16xf32>
          %sub3A_245 = arith.subf %get3A_243, %mul3A_244 : vector<16xf32>
          %swap3A_246 = arith.index_cast %select_n3A_181 : i32 to index
          %swap3A_247 = arith.constant 0 : index
          %swap3A_248 = tpu.vector_load %arg4[%swap3A_246, %swap3A_247] {strides = array<i32>} : memref<64x64xf32, #tpu.memory_space<vmem>>, vector<16xf32>,
          tpu.vector_store %arg4[%swap3A_246, %swap3A_247], %sub3A_245 {strides = array<i32>} : memref<64x64xf32, #tpu.memory_space<vmem>>, vector<16xf32>,
          %get3A_249 = arith.index_cast %select_n3A_181 : i32 to index
          %get3A_250 = arith.constant 16 : index
          %get3A_251 = tpu.vector_load %arg4[%get3A_249, %get3A_250] {strides = array<i32>} : memref<64x64xf32, #tpu.memory_space<vmem>>, vector<16xf32>,
          %mul3A_252 = arith.mulf %select_n3A_186, %get3A_115 : vector<16xf32>
          %sub3A_253 = arith.subf %get3A_251, %mul3A_252 : vector<16xf32>
          %swap3A_254 = arith.index_cast %select_n3A_181 : i32 to index
          %swap3A_255 = arith.constant 16 : index
          %swap3A_256 = tpu.vector_load %arg4[%swap3A_254, %swap3A_255] {strides = array<i32>} : memref<64x64xf32, #tpu.memory_space<vmem>>, vector<16xf32>,
          tpu.vector_store %arg4[%swap3A_254, %swap3A_255], %sub3A_253 {strides = array<i32>} : memref<64x64xf32, #tpu.memory_space<vmem>>, vector<16xf32>,
          %get3A_257 = arith.index_cast %select_n3A_181 : i32 to index
          %get3A_258 = arith.constant 32 : index
          %get3A_259 = tpu.vector_load %arg4[%get3A_257, %get3A_258] {strides = array<i32>} : memref<64x64xf32, #tpu.memory_space<vmem>>, vector<16xf32>,
          %mul3A_260 = arith.mulf %select_n3A_186, %get3A_118 : vector<16xf32>
          %sub3A_261 = arith.subf %get3A_259, %mul3A_260 : vector<16xf32>
          %swap3A_262 = arith.index_cast %select_n3A_181 : i32 to index
          %swap3A_263 = arith.constant 32 : index
          %swap3A_264 = tpu.vector_load %arg4[%swap3A_262, %swap3A_263] {strides = array<i32>} : memref<64x64xf32, #tpu.memory_space<vmem>>, vector<16xf32>,
          tpu.vector_store %arg4[%swap3A_262, %swap3A_263], %sub3A_261 {strides = array<i32>} : memref<64x64xf32, #tpu.memory_space<vmem>>, vector<16xf32>,
          %get3A_265 = arith.index_cast %select_n3A_181 : i32 to index
          %get3A_266 = arith.constant 48 : index
          %get3A_267 = tpu.vector_load %arg4[%get3A_265, %get3A_266] {strides = array<i32>} : memref<64x64xf32, #tpu.memory_space<vmem>>, vector<16xf32>,
          %mul3A_268 = arith.mulf %select_n3A_186, %get3A_121 : vector<16xf32>
          %sub3A_269 = arith.subf %get3A_267, %mul3A_268 : vector<16xf32>
          %swap3A_270 = arith.index_cast %select_n3A_181 : i32 to index
          %swap3A_271 = arith.constant 48 : index
          %swap3A_272 = tpu.vector_load %arg4[%swap3A_270, %swap3A_271] {strides = array<i32>} : memref<64x64xf32, #tpu.memory_space<vmem>>, vector<16xf32>,
          tpu.vector_store %arg4[%swap3A_270, %swap3A_271], %sub3A_269 {strides = array<i32>} : memref<64x64xf32, #tpu.memory_space<vmem>>, vector<16xf32>,
          %get3A_273 = arith.index_cast %select_n3A_192 : i32 to index
          %get3A_274 = arith.constant 0 : index
          %get3A_275 = tpu.vector_load %arg4[%get3A_273, %get3A_274] {strides = array<i32>} : memref<64x64xf32, #tpu.memory_space<vmem>>, vector<16xf32>,
          %mul3A_276 = arith.mulf %select_n3A_197, %select_n3A_112 : vector<16xf32>
          %sub3A_277 = arith.subf %get3A_275, %mul3A_276 : vector<16xf32>
          %swap3A_278 = arith.index_cast %select_n3A_192 : i32 to index
          %swap3A_279 = arith.constant 0 : index
          %swap3A_280 = tpu.vector_load %arg4[%swap3A_278, %swap3A_279] {strides = array<i32>} : memref<64x64xf32, #tpu.memory_space<vmem>>, vector<16xf32>,
          tpu.vector_store %arg4[%swap3A_278, %swap3A_279], %sub3A_277 {strides = array<i32>} : memref<64x64xf32, #tpu.memory_space<vmem>>, vector<16xf32>,
          %get3A_281 = arith.index_cast %select_n3A_192 : i32 to index
          %get3A_282 = arith.constant 16 : index
          %get3A_283 = tpu.vector_load %arg4[%get3A_281, %get3A_282] {strides = array<i32>} : memref<64x64xf32, #tpu.memory_space<vmem>>, vector<16xf32>,
          %mul3A_284 = arith.mulf %select_n3A_197, %get3A_115 : vector<16xf32>
          %sub3A_285 = arith.subf %get3A_283, %mul3A_284 : vector<16xf32>
          %swap3A_286 = arith.index_cast %select_n3A_192 : i32 to index
          %swap3A_287 = arith.constant 16 : index
          %swap3A_288 = tpu.vector_load %arg4[%swap3A_286, %swap3A_287] {strides = array<i32>} : memref<64x64xf32, #tpu.memory_space<vmem>>, vector<16xf32>,
          tpu.vector_store %arg4[%swap3A_286, %swap3A_287], %sub3A_285 {strides = array<i32>} : memref<64x64xf32, #tpu.memory_space<vmem>>, vector<16xf32>,
          %get3A_289 = arith.index_cast %select_n3A_192 : i32 to index
          %get3A_290 = arith.constant 32 : index
          %get3A_291 = tpu.vector_load %arg4[%get3A_289, %get3A_290] {strides = array<i32>} : memref<64x64xf32, #tpu.memory_space<vmem>>, vector<16xf32>,
          %mul3A_292 = arith.mulf %select_n3A_197, %get3A_118 : vector<16xf32>
          %sub3A_293 = arith.subf %get3A_291, %mul3A_292 : vector<16xf32>
          %swap3A_294 = arith.index_cast %select_n3A_192 : i32 to index
          %swap3A_295 = arith.constant 32 : index
          %swap3A_296 = tpu.vector_load %arg4[%swap3A_294, %swap3A_295] {strides = array<i32>} : memref<64x64xf32, #tpu.memory_space<vmem>>, vector<16xf32>,
          tpu.vector_store %arg4[%swap3A_294, %swap3A_295], %sub3A_293 {strides = array<i32>} : memref<64x64xf32, #tpu.memory_space<vmem>>, vector<16xf32>,
          %get3A_297 = arith.index_cast %select_n3A_192 : i32 to index
          %get3A_298 = arith.constant 48 : index
          %get3A_299 = tpu.vector_load %arg4[%get3A_297, %get3A_298] {strides = array<i32>} : memref<64x64xf32, #tpu.memory_space<vmem>>, vector<16xf32>,
          %mul3A_300 = arith.mulf %select_n3A_197, %get3A_121 : vector<16xf32>
          %sub3A_301 = arith.subf %get3A_299, %mul3A_300 : vector<16xf32>
          %swap3A_302 = arith.index_cast %select_n3A_192 : i32 to index
          %swap3A_303 = arith.constant 48 : index
          %swap3A_304 = tpu.vector_load %arg4[%swap3A_302, %swap3A_303] {strides = array<i32>} : memref<64x64xf32, #tpu.memory_space<vmem>>, vector<16xf32>,
          tpu.vector_store %arg4[%swap3A_302, %swap3A_303], %sub3A_301 {strides = array<i32>} : memref<64x64xf32, #tpu.memory_space<vmem>>, vector<16xf32>,
          %get3A_305 = arith.index_cast %select_n3A_203 : i32 to index
          %get3A_306 = arith.constant 0 : index
          %get3A_307 = tpu.vector_load %arg4[%get3A_305, %get3A_306] {strides = array<i32>} : memref<64x64xf32, #tpu.memory_space<vmem>>, vector<16xf32>,
          %mul3A_308 = arith.mulf %select_n3A_208, %select_n3A_112 : vector<16xf32>
          %sub3A_309 = arith.subf %get3A_307, %mul3A_308 : vector<16xf32>
          %swap3A_310 = arith.index_cast %select_n3A_203 : i32 to index
          %swap3A_311 = arith.constant 0 : index
          %swap3A_312 = tpu.vector_load %arg4[%swap3A_310, %swap3A_311] {strides = array<i32>} : memref<64x64xf32, #tpu.memory_space<vmem>>, vector<16xf32>,
          tpu.vector_store %arg4[%swap3A_310, %swap3A_311], %sub3A_309 {strides = array<i32>} : memref<64x64xf32, #tpu.memory_space<vmem>>, vector<16xf32>,
          %get3A_313 = arith.index_cast %select_n3A_203 : i32 to index
          %get3A_314 = arith.constant 16 : index
          %get3A_315 = tpu.vector_load %arg4[%get3A_313, %get3A_314] {strides = array<i32>} : memref<64x64xf32, #tpu.memory_space<vmem>>, vector<16xf32>,
          %mul3A_316 = arith.mulf %select_n3A_208, %get3A_115 : vector<16xf32>
          %sub3A_317 = arith.subf %get3A_315, %mul3A_316 : vector<16xf32>
          %swap3A_318 = arith.index_cast %select_n3A_203 : i32 to index
          %swap3A_319 = arith.constant 16 : index
          %swap3A_320 = tpu.vector_load %arg4[%swap3A_318, %swap3A_319] {strides = array<i32>} : memref<64x64xf32, #tpu.memory_space<vmem>>, vector<16xf32>,
          tpu.vector_store %arg4[%swap3A_318, %swap3A_319], %sub3A_317 {strides = array<i32>} : memref<64x64xf32, #tpu.memory_space<vmem>>, vector<16xf32>,
          %get3A_321 = arith.index_cast %select_n3A_203 : i32 to index
          %get3A_322 = arith.constant 32 : index
          %get3A_323 = tpu.vector_load %arg4[%get3A_321, %get3A_322] {strides = array<i32>} : memref<64x64xf32, #tpu.memory_space<vmem>>, vector<16xf32>,
          %mul3A_324 = arith.mulf %select_n3A_208, %get3A_118 : vector<16xf32>
          %sub3A_325 = arith.subf %get3A_323, %mul3A_324 : vector<16xf32>
          %swap3A_326 = arith.index_cast %select_n3A_203 : i32 to index
          %swap3A_327 = arith.constant 32 : index
          %swap3A_328 = tpu.vector_load %arg4[%swap3A_326, %swap3A_327] {strides = array<i32>} : memref<64x64xf32, #tpu.memory_space<vmem>>, vector<16xf32>,
          tpu.vector_store %arg4[%swap3A_326, %swap3A_327], %sub3A_325 {strides = array<i32>} : memref<64x64xf32, #tpu.memory_space<vmem>>, vector<16xf32>,
          %get3A_329 = arith.index_cast %select_n3A_203 : i32 to index
          %get3A_330 = arith.constant 48 : index
          %get3A_331 = tpu.vector_load %arg4[%get3A_329, %get3A_330] {strides = array<i32>} : memref<64x64xf32, #tpu.memory_space<vmem>>, vector<16xf32>,
          %mul3A_332 = arith.mulf %select_n3A_208, %get3A_121 : vector<16xf32>
          %sub3A_333 = arith.subf %get3A_331, %mul3A_332 : vector<16xf32>
          %swap3A_334 = arith.index_cast %select_n3A_203 : i32 to index
          %swap3A_335 = arith.constant 48 : index
          %swap3A_336 = tpu.vector_load %arg4[%swap3A_334, %swap3A_335] {strides = array<i32>} : memref<64x64xf32, #tpu.memory_space<vmem>>, vector<16xf32>,
          tpu.vector_store %arg4[%swap3A_334, %swap3A_335], %sub3A_333 {strides = array<i32>} : memref<64x64xf32, #tpu.memory_space<vmem>>, vector<16xf32>,
        }
        %eq3A_156 = arith.cmpi eq, %scan3A_83, %select_n3A_24 : i32
        %and3A_157 = arith.andi %and3A_17, %eq3A_156 : i1
        %convert_element_type3A_158 = arith.extui %and3A_157 : i1 to i32
        %cond3A_159 = arith.constant 0 : i32
        %cond3A_160 = arith.cmpi ne, %convert_element_type3A_158, %cond3A_159 : i32
        scf.if %cond3A_160 {
          "tpu.region"() ({
            %run_scoped3A = tpu.sem_alloc : memref<!tpu.dma_semaphore, #tpu.memory_space<semaphore_mem>>
            %dma_start3A = arith.constant 0 : i32
            %dma_start3A_163 = arith.constant 0 : i32
            %dma_start3A_164 = tpu.memref_slice %arg4[%dma_start3A, %dma_start3A_163] : memref<64x64xf32, #tpu.memory_space<vmem>> -> memref<8x64xf32, #tpu.memory_space<vmem>>
            %dma_start3A_165 = arith.constant 0 : i32
            %dma_start3A_166 = arith.constant 0 : i32
            %dma_start3A_167 = tpu.memref_slice %arg7[%arg1, %dma_start3A_165, %dma_start3A_166] : memref<9x8x64xf32, #tpu.memory_space<vmem_shared>> -> memref<1x8x64xf32, #tpu.memory_space<vmem_shared>>
            %dma_start3A_168 = tpu.memref_squeeze %dma_start3A_167 : memref<1x8x64xf32, #tpu.memory_space<vmem_shared>> -> memref<8x64xf32, #tpu.memory_space<vmem_shared>>
            %dma_start3A_169 = arith.constant 0 : i32
            %dma_start3A_170 = arith.constant 0 : i32
            %dma_start3A_171 = tpu.memref_slice %arg7[%arg1, %dma_start3A_169, %dma_start3A_170] : memref<9x8x64xf32, #tpu.memory_space<vmem_shared>> -> memref<1x8x64xf32, #tpu.memory_space<vmem_shared>>
            %dma_start3A_172 = tpu.memref_squeeze %dma_start3A_171 : memref<1x8x64xf32, #tpu.memory_space<vmem_shared>> -> memref<8x64xf32, #tpu.memory_space<vmem_shared>>
            %dma_start3A_173 = arith.constant 0 : i32
            %dma_start3A_174 = arith.constant 0 : i32
            %dma_start3A_175 = tpu.memref_slice %arg4[%dma_start3A_173, %dma_start3A_174] : memref<64x64xf32, #tpu.memory_space<vmem>> -> memref<8x64xf32, #tpu.memory_space<vmem>>
            tpu.enqueue_dma source(%dma_start3A_175 : memref<8x64xf32, #tpu.memory_space<vmem>>) target(%dma_start3A_172 : memref<8x64xf32, #tpu.memory_space<vmem_shared>>) target_semaphore(%run_scoped3A : memref<!tpu.dma_semaphore, #tpu.memory_space<semaphore_mem>>)
            %dma_wait3A = arith.constant 0 : i32
            %dma_wait3A_176 = arith.constant 0 : i32
            %dma_wait3A_177 = tpu.memref_slice %arg4[%dma_wait3A, %dma_wait3A_176] : memref<64x64xf32, #tpu.memory_space<vmem>> -> memref<8x64xf32, #tpu.memory_space<vmem>>
            %dma_wait3A_178 = arith.constant 0 : i32
            %dma_wait3A_179 = arith.constant 0 : i32
            %dma_wait3A_180 = tpu.memref_slice %arg7[%arg1, %dma_wait3A_178, %dma_wait3A_179] : memref<9x8x64xf32, #tpu.memory_space<vmem_shared>> -> memref<1x8x64xf32, #tpu.memory_space<vmem_shared>>
            %dma_wait3A_181 = tpu.memref_squeeze %dma_wait3A_180 : memref<1x8x64xf32, #tpu.memory_space<vmem_shared>> -> memref<8x64xf32, #tpu.memory_space<vmem_shared>>
            %dma_wait3A_182 = arith.constant 0 : i32
            %dma_wait3A_183 = arith.constant 0 : i32
            %dma_wait3A_184 = tpu.memref_slice %arg7[%arg1, %dma_wait3A_182, %dma_wait3A_183] : memref<9x8x64xf32, #tpu.memory_space<vmem_shared>> -> memref<1x8x64xf32, #tpu.memory_space<vmem_shared>>
            %dma_wait3A_185 = tpu.memref_squeeze %dma_wait3A_184 : memref<1x8x64xf32, #tpu.memory_space<vmem_shared>> -> memref<8x64xf32, #tpu.memory_space<vmem_shared>>
            %dma_wait3A_186 = arith.constant 0 : i32
            %dma_wait3A_187 = arith.constant 0 : i32
            %dma_wait3A_188 = tpu.memref_slice %arg4[%dma_wait3A_186, %dma_wait3A_187] : memref<64x64xf32, #tpu.memory_space<vmem>> -> memref<8x64xf32, #tpu.memory_space<vmem>>
            tpu.wait_dma2 semaphore(%run_scoped3A : memref<!tpu.dma_semaphore, #tpu.memory_space<semaphore_mem>>) src(%dma_wait3A_188 : memref<8x64xf32, #tpu.memory_space<vmem>>) dst(%dma_wait3A_185 : memref<8x64xf32, #tpu.memory_space<vmem_shared>>)
            tpu.yield
          }) : () -> ()
          %sc_fetch_and_add3A = arith.constant 1 : i32
          %sc_fetch_and_add3A_161 = arith.constant 0 : i32
          %sc_fetch_and_add3A_162 = tpu.fetch_and_add_sync %arg8[%sc_fetch_and_add3A_161], %sc_fetch_and_add3A, %select_n3A_39 : memref<1xi32, #tpu.memory_space<smem>>, i32 -> i32
        } else {
        }
      }
      %scan3A_64 = arith.constant 16 : i32
      %scan3A_65 = arith.constant 0 : i32
      %scan3A_66 = arith.constant 16 : i32
      %scan3A_67 = arith.constant 16 : i32
      %scan3A_68 = arith.addi %scan3A_66, %scan3A_67 : i32
      %scan3A_69 = arith.constant 1 : i32
      scf.for %scan3A_83 = %scan3A_66 to %scan3A_68 step %scan3A_69  : i32 {
        %broadcast_in_dim3A = vector.broadcast %scan3A_83 : i32 to vector<16xi32>
        %gather3A = tpu.vector_load_idx %arg4[%broadcast_in_dim3A, %broadcast_in_dim3A] : memref<64x64xf32, #tpu.memory_space<vmem>>[vector<16xi32>, vector<16xi32>], vector<16xf32>,
        %add3A = arith.constant 16 : i32
        %add3A_84 = vector.broadcast %add3A : i32 to vector<16xi32>
        %add3A_85 = arith.addi %iota3A_59, %add3A_84 : vector<16xi32>
        %gt3A = vector.broadcast %scan3A_83 : i32 to vector<16xi32>
        %gt3A_86 = arith.cmpi sgt, %add3A_85, %gt3A : vector<16xi32>
        %gather3A_87 = tpu.vector_load_idx %arg4[%add3A_85, %broadcast_in_dim3A] masked %gt3A_86 : memref<64x64xf32, #tpu.memory_space<vmem>>[vector<16xi32>, vector<16xi32>], vector<16xf32>, vector<16xi1>
        %div3A = arith.divf %gather3A_87, %gather3A : vector<16xf32>
        tpu.vector_store_idx %arg4[%add3A_85, %broadcast_in_dim3A], %div3A masked %gt3A_86 : memref<64x64xf32, #tpu.memory_space<vmem>>[vector<16xi32>, vector<16xi32>], vector<16xf32>, vector<16xi1>
        %add3A_88 = arith.constant 32 : i32
        %add3A_89 = vector.broadcast %add3A_88 : i32 to vector<16xi32>
        %add3A_90 = arith.addi %iota3A_59, %add3A_89 : vector<16xi32>
        %gather3A_91 = tpu.vector_load_idx %arg4[%add3A_90, %broadcast_in_dim3A] : memref<64x64xf32, #tpu.memory_space<vmem>>[vector<16xi32>, vector<16xi32>], vector<16xf32>,
        %div3A_92 = arith.divf %gather3A_91, %gather3A : vector<16xf32>
        tpu.vector_store_idx %arg4[%add3A_90, %broadcast_in_dim3A], %div3A_92 : memref<64x64xf32, #tpu.memory_space<vmem>>[vector<16xi32>, vector<16xi32>], vector<16xf32>,
        %add3A_93 = arith.constant 48 : i32
        %add3A_94 = vector.broadcast %add3A_93 : i32 to vector<16xi32>
        %add3A_95 = arith.addi %iota3A_59, %add3A_94 : vector<16xi32>
        %gather3A_96 = tpu.vector_load_idx %arg4[%add3A_95, %broadcast_in_dim3A] : memref<64x64xf32, #tpu.memory_space<vmem>>[vector<16xi32>, vector<16xi32>], vector<16xf32>,
        %div3A_97 = arith.divf %gather3A_96, %gather3A : vector<16xf32>
        tpu.vector_store_idx %arg4[%add3A_95, %broadcast_in_dim3A], %div3A_97 : memref<64x64xf32, #tpu.memory_space<vmem>>[vector<16xi32>, vector<16xi32>], vector<16xf32>,
        %get3A = arith.index_cast %scan3A_83 : i32 to index
        %get3A_98 = arith.constant 16 : index
        %get3A_99 = tpu.vector_load %arg4[%get3A, %get3A_98] {strides = array<i32>} : memref<64x64xf32, #tpu.memory_space<vmem>>, vector<16xf32>,
        %add3A_100 = arith.constant 16 : i32
        %add3A_101 = vector.broadcast %add3A_100 : i32 to vector<16xi32>
        %add3A_102 = arith.addi %iota3A_59, %add3A_101 : vector<16xi32>
        %gt3A_103 = vector.broadcast %scan3A_83 : i32 to vector<16xi32>
        %gt3A_104 = arith.cmpi sgt, %add3A_102, %gt3A_103 : vector<16xi32>
        %jit3A_105 = arith.constant 0.000000e+00 : f32
        %broadcast_in_dim3A_106 = vector.broadcast %jit3A_105 : f32 to vector<16xf32>
        %select_n3A_107 = arith.select %gt3A_104, %get3A_99, %broadcast_in_dim3A_106 : vector<16xi1>, vector<16xf32>
        %get3A_108 = arith.index_cast %scan3A_83 : i32 to index
        %get3A_109 = arith.constant 32 : index
        %get3A_110 = tpu.vector_load %arg4[%get3A_108, %get3A_109] {strides = array<i32>} : memref<64x64xf32, #tpu.memory_space<vmem>>, vector<16xf32>,
        %get3A_111 = arith.index_cast %scan3A_83 : i32 to index
        %get3A_112 = arith.constant 48 : index
        %get3A_113 = tpu.vector_load %arg4[%get3A_111, %get3A_112] {strides = array<i32>} : memref<64x64xf32, #tpu.memory_space<vmem>>, vector<16xf32>,
        %sub3A = arith.constant 64 : i32
        %sub3A_114 = arith.subi %sub3A, %scan3A_83 : i32
        %add3A_115 = arith.constant 2 : i32
        %add3A_116 = arith.addi %sub3A_114, %add3A_115 : i32
        %jit3A_117 = arith.constant 4 : i32
        %div3A_118 = arith.divsi %add3A_116, %jit3A_117 : i32
        %sign3A = arith.constant 0 : i32
        %sign3A_119 = arith.cmpi sgt, %add3A_116, %sign3A : i32
        %sign3A_120 = arith.extui %sign3A_119 : i1 to i32
        %sign3A_121 = arith.constant 0 : i32
        %sign3A_122 = arith.cmpi slt, %add3A_116, %sign3A_121 : i32
        %sign3A_123 = arith.extui %sign3A_122 : i1 to i32
        %sign3A_124 = arith.subi %sign3A_120, %sign3A_123 : i32
        %sign3A_125 = arith.constant 0 : i32
        %sign3A_126 = arith.cmpi sgt, %jit3A_117, %sign3A_125 : i32
        %sign3A_127 = arith.extui %sign3A_126 : i1 to i32
        %sign3A_128 = arith.constant 0 : i32
        %sign3A_129 = arith.cmpi slt, %jit3A_117, %sign3A_128 : i32
        %sign3A_130 = arith.extui %sign3A_129 : i1 to i32
        %sign3A_131 = arith.subi %sign3A_127, %sign3A_130 : i32
        %ne3A_132 = arith.cmpi ne, %sign3A_124, %sign3A_131 : i32
        %rem3A = arith.remsi %add3A_116, %jit3A_117 : i32
        %ne3A_133 = arith.constant 0 : i32
        %ne3A_134 = arith.cmpi ne, %rem3A, %ne3A_133 : i32
        %and3A_135 = arith.andi %ne3A_132, %ne3A_134 : i1
        %sub3A_136 = arith.constant 1 : i32
        %sub3A_137 = arith.subi %div3A_118, %sub3A_136 : i32
        %select_n3A_138 = arith.select %and3A_135, %sub3A_137, %div3A_118 : i32
        %while3A = arith.constant 0 : i32
        %while3A_139 = arith.constant 0 : i32
        %while3A_140 = arith.subi %select_n3A_138, %while3A_139 : i32
        %while3A_141 = arith.addi %while3A_139, %while3A_140 : i32
        %while3A_142 = arith.constant 1 : i32
        %while3A_143 = arith.divsi %while3A_140, %while3A_142 : i32
        %while3A_144 = arith.muli %while3A_143, %while3A_142 : i32
        %while3A_145 = arith.addi %while3A_139, %while3A_144 : i32
        %while3A_146 = arith.constant 1 : i32
        scf.for %while3A_148 = %while3A_139 to %while3A_145 step %while3A_146  : i32 {
          %add3A_149 = arith.constant 1 : i32
          %add3A_150 = arith.addi %scan3A_83, %add3A_149 : i32
          %mul3A = arith.constant 4 : i32
          %mul3A_151 = arith.muli %mul3A, %while3A_148 : i32
          %add3A_152 = arith.addi %add3A_150, %mul3A_151 : i32
          %add3A_153 = arith.constant 0 : i32
          %add3A_154 = arith.addi %add3A_152, %add3A_153 : i32
          %lt3A = arith.constant 64 : i32
          %lt3A_155 = arith.cmpi slt, %add3A_154, %lt3A : i32
          %jit3A_156 = arith.constant 63 : i32
          %select_n3A_157 = arith.select %lt3A_155, %add3A_154, %jit3A_156 : i32
          %broadcast_in_dim3A_158 = vector.broadcast %select_n3A_157 : i32 to vector<16xi32>
          %gather3A_159 = tpu.vector_load_idx %arg4[%broadcast_in_dim3A_158, %broadcast_in_dim3A] : memref<64x64xf32, #tpu.memory_space<vmem>>[vector<16xi32>, vector<16xi32>], vector<16xf32>,
          %jit3A_160 = arith.constant 0.000000e+00 : f32
          %broadcast_in_dim3A_161 = vector.broadcast %jit3A_160 : f32 to vector<16xf32>
          %select_n3A_162 = arith.select %lt3A_155, %gather3A_159, %broadcast_in_dim3A_161 : vector<16xf32>
          %add3A_163 = arith.constant 1 : i32
          %add3A_164 = arith.addi %add3A_152, %add3A_163 : i32
          %lt3A_165 = arith.constant 64 : i32
          %lt3A_166 = arith.cmpi slt, %add3A_164, %lt3A_165 : i32
          %jit3A_167 = arith.constant 63 : i32
          %select_n3A_168 = arith.select %lt3A_166, %add3A_164, %jit3A_167 : i32
          %broadcast_in_dim3A_169 = vector.broadcast %select_n3A_168 : i32 to vector<16xi32>
          %gather3A_170 = tpu.vector_load_idx %arg4[%broadcast_in_dim3A_169, %broadcast_in_dim3A] : memref<64x64xf32, #tpu.memory_space<vmem>>[vector<16xi32>, vector<16xi32>], vector<16xf32>,
          %jit3A_171 = arith.constant 0.000000e+00 : f32
          %broadcast_in_dim3A_172 = vector.broadcast %jit3A_171 : f32 to vector<16xf32>
          %select_n3A_173 = arith.select %lt3A_166, %gather3A_170, %broadcast_in_dim3A_172 : vector<16xf32>
          %add3A_174 = arith.constant 2 : i32
          %add3A_175 = arith.addi %add3A_152, %add3A_174 : i32
          %lt3A_176 = arith.constant 64 : i32
          %lt3A_177 = arith.cmpi slt, %add3A_175, %lt3A_176 : i32
          %jit3A_178 = arith.constant 63 : i32
          %select_n3A_179 = arith.select %lt3A_177, %add3A_175, %jit3A_178 : i32
          %broadcast_in_dim3A_180 = vector.broadcast %select_n3A_179 : i32 to vector<16xi32>
          %gather3A_181 = tpu.vector_load_idx %arg4[%broadcast_in_dim3A_180, %broadcast_in_dim3A] : memref<64x64xf32, #tpu.memory_space<vmem>>[vector<16xi32>, vector<16xi32>], vector<16xf32>,
          %jit3A_182 = arith.constant 0.000000e+00 : f32
          %broadcast_in_dim3A_183 = vector.broadcast %jit3A_182 : f32 to vector<16xf32>
          %select_n3A_184 = arith.select %lt3A_177, %gather3A_181, %broadcast_in_dim3A_183 : vector<16xf32>
          %add3A_185 = arith.constant 3 : i32
          %add3A_186 = arith.addi %add3A_152, %add3A_185 : i32
          %lt3A_187 = arith.constant 64 : i32
          %lt3A_188 = arith.cmpi slt, %add3A_186, %lt3A_187 : i32
          %jit3A_189 = arith.constant 63 : i32
          %select_n3A_190 = arith.select %lt3A_188, %add3A_186, %jit3A_189 : i32
          %broadcast_in_dim3A_191 = vector.broadcast %select_n3A_190 : i32 to vector<16xi32>
          %gather3A_192 = tpu.vector_load_idx %arg4[%broadcast_in_dim3A_191, %broadcast_in_dim3A] : memref<64x64xf32, #tpu.memory_space<vmem>>[vector<16xi32>, vector<16xi32>], vector<16xf32>,
          %jit3A_193 = arith.constant 0.000000e+00 : f32
          %broadcast_in_dim3A_194 = vector.broadcast %jit3A_193 : f32 to vector<16xf32>
          %select_n3A_195 = arith.select %lt3A_188, %gather3A_192, %broadcast_in_dim3A_194 : vector<16xf32>
          %get3A_196 = arith.index_cast %select_n3A_157 : i32 to index
          %get3A_197 = arith.constant 16 : index
          %get3A_198 = tpu.vector_load %arg4[%get3A_196, %get3A_197] {strides = array<i32>} : memref<64x64xf32, #tpu.memory_space<vmem>>, vector<16xf32>,
          %mul3A_199 = arith.mulf %select_n3A_162, %select_n3A_107 : vector<16xf32>
          %sub3A_200 = arith.subf %get3A_198, %mul3A_199 : vector<16xf32>
          %swap3A_201 = arith.index_cast %select_n3A_157 : i32 to index
          %swap3A_202 = arith.constant 16 : index
          %swap3A_203 = tpu.vector_load %arg4[%swap3A_201, %swap3A_202] {strides = array<i32>} : memref<64x64xf32, #tpu.memory_space<vmem>>, vector<16xf32>,
          tpu.vector_store %arg4[%swap3A_201, %swap3A_202], %sub3A_200 {strides = array<i32>} : memref<64x64xf32, #tpu.memory_space<vmem>>, vector<16xf32>,
          %get3A_204 = arith.index_cast %select_n3A_157 : i32 to index
          %get3A_205 = arith.constant 32 : index
          %get3A_206 = tpu.vector_load %arg4[%get3A_204, %get3A_205] {strides = array<i32>} : memref<64x64xf32, #tpu.memory_space<vmem>>, vector<16xf32>,
          %mul3A_207 = arith.mulf %select_n3A_162, %get3A_110 : vector<16xf32>
          %sub3A_208 = arith.subf %get3A_206, %mul3A_207 : vector<16xf32>
          %swap3A_209 = arith.index_cast %select_n3A_157 : i32 to index
          %swap3A_210 = arith.constant 32 : index
          %swap3A_211 = tpu.vector_load %arg4[%swap3A_209, %swap3A_210] {strides = array<i32>} : memref<64x64xf32, #tpu.memory_space<vmem>>, vector<16xf32>,
          tpu.vector_store %arg4[%swap3A_209, %swap3A_210], %sub3A_208 {strides = array<i32>} : memref<64x64xf32, #tpu.memory_space<vmem>>, vector<16xf32>,
          %get3A_212 = arith.index_cast %select_n3A_157 : i32 to index
          %get3A_213 = arith.constant 48 : index
          %get3A_214 = tpu.vector_load %arg4[%get3A_212, %get3A_213] {strides = array<i32>} : memref<64x64xf32, #tpu.memory_space<vmem>>, vector<16xf32>,
          %mul3A_215 = arith.mulf %select_n3A_162, %get3A_113 : vector<16xf32>
          %sub3A_216 = arith.subf %get3A_214, %mul3A_215 : vector<16xf32>
          %swap3A_217 = arith.index_cast %select_n3A_157 : i32 to index
          %swap3A_218 = arith.constant 48 : index
          %swap3A_219 = tpu.vector_load %arg4[%swap3A_217, %swap3A_218] {strides = array<i32>} : memref<64x64xf32, #tpu.memory_space<vmem>>, vector<16xf32>,
          tpu.vector_store %arg4[%swap3A_217, %swap3A_218], %sub3A_216 {strides = array<i32>} : memref<64x64xf32, #tpu.memory_space<vmem>>, vector<16xf32>,
          %get3A_220 = arith.index_cast %select_n3A_168 : i32 to index
          %get3A_221 = arith.constant 16 : index
          %get3A_222 = tpu.vector_load %arg4[%get3A_220, %get3A_221] {strides = array<i32>} : memref<64x64xf32, #tpu.memory_space<vmem>>, vector<16xf32>,
          %mul3A_223 = arith.mulf %select_n3A_173, %select_n3A_107 : vector<16xf32>
          %sub3A_224 = arith.subf %get3A_222, %mul3A_223 : vector<16xf32>
          %swap3A_225 = arith.index_cast %select_n3A_168 : i32 to index
          %swap3A_226 = arith.constant 16 : index
          %swap3A_227 = tpu.vector_load %arg4[%swap3A_225, %swap3A_226] {strides = array<i32>} : memref<64x64xf32, #tpu.memory_space<vmem>>, vector<16xf32>,
          tpu.vector_store %arg4[%swap3A_225, %swap3A_226], %sub3A_224 {strides = array<i32>} : memref<64x64xf32, #tpu.memory_space<vmem>>, vector<16xf32>,
          %get3A_228 = arith.index_cast %select_n3A_168 : i32 to index
          %get3A_229 = arith.constant 32 : index
          %get3A_230 = tpu.vector_load %arg4[%get3A_228, %get3A_229] {strides = array<i32>} : memref<64x64xf32, #tpu.memory_space<vmem>>, vector<16xf32>,
          %mul3A_231 = arith.mulf %select_n3A_173, %get3A_110 : vector<16xf32>
          %sub3A_232 = arith.subf %get3A_230, %mul3A_231 : vector<16xf32>
          %swap3A_233 = arith.index_cast %select_n3A_168 : i32 to index
          %swap3A_234 = arith.constant 32 : index
          %swap3A_235 = tpu.vector_load %arg4[%swap3A_233, %swap3A_234] {strides = array<i32>} : memref<64x64xf32, #tpu.memory_space<vmem>>, vector<16xf32>,
          tpu.vector_store %arg4[%swap3A_233, %swap3A_234], %sub3A_232 {strides = array<i32>} : memref<64x64xf32, #tpu.memory_space<vmem>>, vector<16xf32>,
          %get3A_236 = arith.index_cast %select_n3A_168 : i32 to index
          %get3A_237 = arith.constant 48 : index
          %get3A_238 = tpu.vector_load %arg4[%get3A_236, %get3A_237] {strides = array<i32>} : memref<64x64xf32, #tpu.memory_space<vmem>>, vector<16xf32>,
          %mul3A_239 = arith.mulf %select_n3A_173, %get3A_113 : vector<16xf32>
          %sub3A_240 = arith.subf %get3A_238, %mul3A_239 : vector<16xf32>
          %swap3A_241 = arith.index_cast %select_n3A_168 : i32 to index
          %swap3A_242 = arith.constant 48 : index
          %swap3A_243 = tpu.vector_load %arg4[%swap3A_241, %swap3A_242] {strides = array<i32>} : memref<64x64xf32, #tpu.memory_space<vmem>>, vector<16xf32>,
          tpu.vector_store %arg4[%swap3A_241, %swap3A_242], %sub3A_240 {strides = array<i32>} : memref<64x64xf32, #tpu.memory_space<vmem>>, vector<16xf32>,
          %get3A_244 = arith.index_cast %select_n3A_179 : i32 to index
          %get3A_245 = arith.constant 16 : index
          %get3A_246 = tpu.vector_load %arg4[%get3A_244, %get3A_245] {strides = array<i32>} : memref<64x64xf32, #tpu.memory_space<vmem>>, vector<16xf32>,
          %mul3A_247 = arith.mulf %select_n3A_184, %select_n3A_107 : vector<16xf32>
          %sub3A_248 = arith.subf %get3A_246, %mul3A_247 : vector<16xf32>
          %swap3A_249 = arith.index_cast %select_n3A_179 : i32 to index
          %swap3A_250 = arith.constant 16 : index
          %swap3A_251 = tpu.vector_load %arg4[%swap3A_249, %swap3A_250] {strides = array<i32>} : memref<64x64xf32, #tpu.memory_space<vmem>>, vector<16xf32>,
          tpu.vector_store %arg4[%swap3A_249, %swap3A_250], %sub3A_248 {strides = array<i32>} : memref<64x64xf32, #tpu.memory_space<vmem>>, vector<16xf32>,
          %get3A_252 = arith.index_cast %select_n3A_179 : i32 to index
          %get3A_253 = arith.constant 32 : index
          %get3A_254 = tpu.vector_load %arg4[%get3A_252, %get3A_253] {strides = array<i32>} : memref<64x64xf32, #tpu.memory_space<vmem>>, vector<16xf32>,
          %mul3A_255 = arith.mulf %select_n3A_184, %get3A_110 : vector<16xf32>
          %sub3A_256 = arith.subf %get3A_254, %mul3A_255 : vector<16xf32>
          %swap3A_257 = arith.index_cast %select_n3A_179 : i32 to index
          %swap3A_258 = arith.constant 32 : index
          %swap3A_259 = tpu.vector_load %arg4[%swap3A_257, %swap3A_258] {strides = array<i32>} : memref<64x64xf32, #tpu.memory_space<vmem>>, vector<16xf32>,
          tpu.vector_store %arg4[%swap3A_257, %swap3A_258], %sub3A_256 {strides = array<i32>} : memref<64x64xf32, #tpu.memory_space<vmem>>, vector<16xf32>,
          %get3A_260 = arith.index_cast %select_n3A_179 : i32 to index
          %get3A_261 = arith.constant 48 : index
          %get3A_262 = tpu.vector_load %arg4[%get3A_260, %get3A_261] {strides = array<i32>} : memref<64x64xf32, #tpu.memory_space<vmem>>, vector<16xf32>,
          %mul3A_263 = arith.mulf %select_n3A_184, %get3A_113 : vector<16xf32>
          %sub3A_264 = arith.subf %get3A_262, %mul3A_263 : vector<16xf32>
          %swap3A_265 = arith.index_cast %select_n3A_179 : i32 to index
          %swap3A_266 = arith.constant 48 : index
          %swap3A_267 = tpu.vector_load %arg4[%swap3A_265, %swap3A_266] {strides = array<i32>} : memref<64x64xf32, #tpu.memory_space<vmem>>, vector<16xf32>,
          tpu.vector_store %arg4[%swap3A_265, %swap3A_266], %sub3A_264 {strides = array<i32>} : memref<64x64xf32, #tpu.memory_space<vmem>>, vector<16xf32>,
          %get3A_268 = arith.index_cast %select_n3A_190 : i32 to index
          %get3A_269 = arith.constant 16 : index
          %get3A_270 = tpu.vector_load %arg4[%get3A_268, %get3A_269] {strides = array<i32>} : memref<64x64xf32, #tpu.memory_space<vmem>>, vector<16xf32>,
          %mul3A_271 = arith.mulf %select_n3A_195, %select_n3A_107 : vector<16xf32>
          %sub3A_272 = arith.subf %get3A_270, %mul3A_271 : vector<16xf32>
          %swap3A_273 = arith.index_cast %select_n3A_190 : i32 to index
          %swap3A_274 = arith.constant 16 : index
          %swap3A_275 = tpu.vector_load %arg4[%swap3A_273, %swap3A_274] {strides = array<i32>} : memref<64x64xf32, #tpu.memory_space<vmem>>, vector<16xf32>,
          tpu.vector_store %arg4[%swap3A_273, %swap3A_274], %sub3A_272 {strides = array<i32>} : memref<64x64xf32, #tpu.memory_space<vmem>>, vector<16xf32>,
          %get3A_276 = arith.index_cast %select_n3A_190 : i32 to index
          %get3A_277 = arith.constant 32 : index
          %get3A_278 = tpu.vector_load %arg4[%get3A_276, %get3A_277] {strides = array<i32>} : memref<64x64xf32, #tpu.memory_space<vmem>>, vector<16xf32>,
          %mul3A_279 = arith.mulf %select_n3A_195, %get3A_110 : vector<16xf32>
          %sub3A_280 = arith.subf %get3A_278, %mul3A_279 : vector<16xf32>
          %swap3A_281 = arith.index_cast %select_n3A_190 : i32 to index
          %swap3A_282 = arith.constant 32 : index
          %swap3A_283 = tpu.vector_load %arg4[%swap3A_281, %swap3A_282] {strides = array<i32>} : memref<64x64xf32, #tpu.memory_space<vmem>>, vector<16xf32>,
          tpu.vector_store %arg4[%swap3A_281, %swap3A_282], %sub3A_280 {strides = array<i32>} : memref<64x64xf32, #tpu.memory_space<vmem>>, vector<16xf32>,
          %get3A_284 = arith.index_cast %select_n3A_190 : i32 to index
          %get3A_285 = arith.constant 48 : index
          %get3A_286 = tpu.vector_load %arg4[%get3A_284, %get3A_285] {strides = array<i32>} : memref<64x64xf32, #tpu.memory_space<vmem>>, vector<16xf32>,
          %mul3A_287 = arith.mulf %select_n3A_195, %get3A_113 : vector<16xf32>
          %sub3A_288 = arith.subf %get3A_286, %mul3A_287 : vector<16xf32>
          %swap3A_289 = arith.index_cast %select_n3A_190 : i32 to index
          %swap3A_290 = arith.constant 48 : index
          %swap3A_291 = tpu.vector_load %arg4[%swap3A_289, %swap3A_290] {strides = array<i32>} : memref<64x64xf32, #tpu.memory_space<vmem>>, vector<16xf32>,
          tpu.vector_store %arg4[%swap3A_289, %swap3A_290], %sub3A_288 {strides = array<i32>} : memref<64x64xf32, #tpu.memory_space<vmem>>, vector<16xf32>,
        }
        %while3A_147 = arith.constant 1 : i32
        scf.for %while3A_148 = %while3A_145 to %while3A_141 step %while3A_147  : i32 {
          %add3A_149 = arith.constant 1 : i32
          %add3A_150 = arith.addi %scan3A_83, %add3A_149 : i32
          %mul3A = arith.constant 4 : i32
          %mul3A_151 = arith.muli %mul3A, %while3A_148 : i32
          %add3A_152 = arith.addi %add3A_150, %mul3A_151 : i32
          %add3A_153 = arith.constant 0 : i32
          %add3A_154 = arith.addi %add3A_152, %add3A_153 : i32
          %lt3A = arith.constant 64 : i32
          %lt3A_155 = arith.cmpi slt, %add3A_154, %lt3A : i32
          %jit3A_156 = arith.constant 63 : i32
          %select_n3A_157 = arith.select %lt3A_155, %add3A_154, %jit3A_156 : i32
          %broadcast_in_dim3A_158 = vector.broadcast %select_n3A_157 : i32 to vector<16xi32>
          %gather3A_159 = tpu.vector_load_idx %arg4[%broadcast_in_dim3A_158, %broadcast_in_dim3A] : memref<64x64xf32, #tpu.memory_space<vmem>>[vector<16xi32>, vector<16xi32>], vector<16xf32>,
          %jit3A_160 = arith.constant 0.000000e+00 : f32
          %broadcast_in_dim3A_161 = vector.broadcast %jit3A_160 : f32 to vector<16xf32>
          %select_n3A_162 = arith.select %lt3A_155, %gather3A_159, %broadcast_in_dim3A_161 : vector<16xf32>
          %add3A_163 = arith.constant 1 : i32
          %add3A_164 = arith.addi %add3A_152, %add3A_163 : i32
          %lt3A_165 = arith.constant 64 : i32
          %lt3A_166 = arith.cmpi slt, %add3A_164, %lt3A_165 : i32
          %jit3A_167 = arith.constant 63 : i32
          %select_n3A_168 = arith.select %lt3A_166, %add3A_164, %jit3A_167 : i32
          %broadcast_in_dim3A_169 = vector.broadcast %select_n3A_168 : i32 to vector<16xi32>
          %gather3A_170 = tpu.vector_load_idx %arg4[%broadcast_in_dim3A_169, %broadcast_in_dim3A] : memref<64x64xf32, #tpu.memory_space<vmem>>[vector<16xi32>, vector<16xi32>], vector<16xf32>,
          %jit3A_171 = arith.constant 0.000000e+00 : f32
          %broadcast_in_dim3A_172 = vector.broadcast %jit3A_171 : f32 to vector<16xf32>
          %select_n3A_173 = arith.select %lt3A_166, %gather3A_170, %broadcast_in_dim3A_172 : vector<16xf32>
          %add3A_174 = arith.constant 2 : i32
          %add3A_175 = arith.addi %add3A_152, %add3A_174 : i32
          %lt3A_176 = arith.constant 64 : i32
          %lt3A_177 = arith.cmpi slt, %add3A_175, %lt3A_176 : i32
          %jit3A_178 = arith.constant 63 : i32
          %select_n3A_179 = arith.select %lt3A_177, %add3A_175, %jit3A_178 : i32
          %broadcast_in_dim3A_180 = vector.broadcast %select_n3A_179 : i32 to vector<16xi32>
          %gather3A_181 = tpu.vector_load_idx %arg4[%broadcast_in_dim3A_180, %broadcast_in_dim3A] : memref<64x64xf32, #tpu.memory_space<vmem>>[vector<16xi32>, vector<16xi32>], vector<16xf32>,
          %jit3A_182 = arith.constant 0.000000e+00 : f32
          %broadcast_in_dim3A_183 = vector.broadcast %jit3A_182 : f32 to vector<16xf32>
          %select_n3A_184 = arith.select %lt3A_177, %gather3A_181, %broadcast_in_dim3A_183 : vector<16xf32>
          %add3A_185 = arith.constant 3 : i32
          %add3A_186 = arith.addi %add3A_152, %add3A_185 : i32
          %lt3A_187 = arith.constant 64 : i32
          %lt3A_188 = arith.cmpi slt, %add3A_186, %lt3A_187 : i32
          %jit3A_189 = arith.constant 63 : i32
          %select_n3A_190 = arith.select %lt3A_188, %add3A_186, %jit3A_189 : i32
          %broadcast_in_dim3A_191 = vector.broadcast %select_n3A_190 : i32 to vector<16xi32>
          %gather3A_192 = tpu.vector_load_idx %arg4[%broadcast_in_dim3A_191, %broadcast_in_dim3A] : memref<64x64xf32, #tpu.memory_space<vmem>>[vector<16xi32>, vector<16xi32>], vector<16xf32>,
          %jit3A_193 = arith.constant 0.000000e+00 : f32
          %broadcast_in_dim3A_194 = vector.broadcast %jit3A_193 : f32 to vector<16xf32>
          %select_n3A_195 = arith.select %lt3A_188, %gather3A_192, %broadcast_in_dim3A_194 : vector<16xf32>
          %get3A_196 = arith.index_cast %select_n3A_157 : i32 to index
          %get3A_197 = arith.constant 16 : index
          %get3A_198 = tpu.vector_load %arg4[%get3A_196, %get3A_197] {strides = array<i32>} : memref<64x64xf32, #tpu.memory_space<vmem>>, vector<16xf32>,
          %mul3A_199 = arith.mulf %select_n3A_162, %select_n3A_107 : vector<16xf32>
          %sub3A_200 = arith.subf %get3A_198, %mul3A_199 : vector<16xf32>
          %swap3A_201 = arith.index_cast %select_n3A_157 : i32 to index
          %swap3A_202 = arith.constant 16 : index
          %swap3A_203 = tpu.vector_load %arg4[%swap3A_201, %swap3A_202] {strides = array<i32>} : memref<64x64xf32, #tpu.memory_space<vmem>>, vector<16xf32>,
          tpu.vector_store %arg4[%swap3A_201, %swap3A_202], %sub3A_200 {strides = array<i32>} : memref<64x64xf32, #tpu.memory_space<vmem>>, vector<16xf32>,
          %get3A_204 = arith.index_cast %select_n3A_157 : i32 to index
          %get3A_205 = arith.constant 32 : index
          %get3A_206 = tpu.vector_load %arg4[%get3A_204, %get3A_205] {strides = array<i32>} : memref<64x64xf32, #tpu.memory_space<vmem>>, vector<16xf32>,
          %mul3A_207 = arith.mulf %select_n3A_162, %get3A_110 : vector<16xf32>
          %sub3A_208 = arith.subf %get3A_206, %mul3A_207 : vector<16xf32>
          %swap3A_209 = arith.index_cast %select_n3A_157 : i32 to index
          %swap3A_210 = arith.constant 32 : index
          %swap3A_211 = tpu.vector_load %arg4[%swap3A_209, %swap3A_210] {strides = array<i32>} : memref<64x64xf32, #tpu.memory_space<vmem>>, vector<16xf32>,
          tpu.vector_store %arg4[%swap3A_209, %swap3A_210], %sub3A_208 {strides = array<i32>} : memref<64x64xf32, #tpu.memory_space<vmem>>, vector<16xf32>,
          %get3A_212 = arith.index_cast %select_n3A_157 : i32 to index
          %get3A_213 = arith.constant 48 : index
          %get3A_214 = tpu.vector_load %arg4[%get3A_212, %get3A_213] {strides = array<i32>} : memref<64x64xf32, #tpu.memory_space<vmem>>, vector<16xf32>,
          %mul3A_215 = arith.mulf %select_n3A_162, %get3A_113 : vector<16xf32>
          %sub3A_216 = arith.subf %get3A_214, %mul3A_215 : vector<16xf32>
          %swap3A_217 = arith.index_cast %select_n3A_157 : i32 to index
          %swap3A_218 = arith.constant 48 : index
          %swap3A_219 = tpu.vector_load %arg4[%swap3A_217, %swap3A_218] {strides = array<i32>} : memref<64x64xf32, #tpu.memory_space<vmem>>, vector<16xf32>,
          tpu.vector_store %arg4[%swap3A_217, %swap3A_218], %sub3A_216 {strides = array<i32>} : memref<64x64xf32, #tpu.memory_space<vmem>>, vector<16xf32>,
          %get3A_220 = arith.index_cast %select_n3A_168 : i32 to index
          %get3A_221 = arith.constant 16 : index
          %get3A_222 = tpu.vector_load %arg4[%get3A_220, %get3A_221] {strides = array<i32>} : memref<64x64xf32, #tpu.memory_space<vmem>>, vector<16xf32>,
          %mul3A_223 = arith.mulf %select_n3A_173, %select_n3A_107 : vector<16xf32>
          %sub3A_224 = arith.subf %get3A_222, %mul3A_223 : vector<16xf32>
          %swap3A_225 = arith.index_cast %select_n3A_168 : i32 to index
          %swap3A_226 = arith.constant 16 : index
          %swap3A_227 = tpu.vector_load %arg4[%swap3A_225, %swap3A_226] {strides = array<i32>} : memref<64x64xf32, #tpu.memory_space<vmem>>, vector<16xf32>,
          tpu.vector_store %arg4[%swap3A_225, %swap3A_226], %sub3A_224 {strides = array<i32>} : memref<64x64xf32, #tpu.memory_space<vmem>>, vector<16xf32>,
          %get3A_228 = arith.index_cast %select_n3A_168 : i32 to index
          %get3A_229 = arith.constant 32 : index
          %get3A_230 = tpu.vector_load %arg4[%get3A_228, %get3A_229] {strides = array<i32>} : memref<64x64xf32, #tpu.memory_space<vmem>>, vector<16xf32>,
          %mul3A_231 = arith.mulf %select_n3A_173, %get3A_110 : vector<16xf32>
          %sub3A_232 = arith.subf %get3A_230, %mul3A_231 : vector<16xf32>
          %swap3A_233 = arith.index_cast %select_n3A_168 : i32 to index
          %swap3A_234 = arith.constant 32 : index
          %swap3A_235 = tpu.vector_load %arg4[%swap3A_233, %swap3A_234] {strides = array<i32>} : memref<64x64xf32, #tpu.memory_space<vmem>>, vector<16xf32>,
          tpu.vector_store %arg4[%swap3A_233, %swap3A_234], %sub3A_232 {strides = array<i32>} : memref<64x64xf32, #tpu.memory_space<vmem>>, vector<16xf32>,
          %get3A_236 = arith.index_cast %select_n3A_168 : i32 to index
          %get3A_237 = arith.constant 48 : index
          %get3A_238 = tpu.vector_load %arg4[%get3A_236, %get3A_237] {strides = array<i32>} : memref<64x64xf32, #tpu.memory_space<vmem>>, vector<16xf32>,
          %mul3A_239 = arith.mulf %select_n3A_173, %get3A_113 : vector<16xf32>
          %sub3A_240 = arith.subf %get3A_238, %mul3A_239 : vector<16xf32>
          %swap3A_241 = arith.index_cast %select_n3A_168 : i32 to index
          %swap3A_242 = arith.constant 48 : index
          %swap3A_243 = tpu.vector_load %arg4[%swap3A_241, %swap3A_242] {strides = array<i32>} : memref<64x64xf32, #tpu.memory_space<vmem>>, vector<16xf32>,
          tpu.vector_store %arg4[%swap3A_241, %swap3A_242], %sub3A_240 {strides = array<i32>} : memref<64x64xf32, #tpu.memory_space<vmem>>, vector<16xf32>,
          %get3A_244 = arith.index_cast %select_n3A_179 : i32 to index
          %get3A_245 = arith.constant 16 : index
          %get3A_246 = tpu.vector_load %arg4[%get3A_244, %get3A_245] {strides = array<i32>} : memref<64x64xf32, #tpu.memory_space<vmem>>, vector<16xf32>,
          %mul3A_247 = arith.mulf %select_n3A_184, %select_n3A_107 : vector<16xf32>
          %sub3A_248 = arith.subf %get3A_246, %mul3A_247 : vector<16xf32>
          %swap3A_249 = arith.index_cast %select_n3A_179 : i32 to index
          %swap3A_250 = arith.constant 16 : index
          %swap3A_251 = tpu.vector_load %arg4[%swap3A_249, %swap3A_250] {strides = array<i32>} : memref<64x64xf32, #tpu.memory_space<vmem>>, vector<16xf32>,
          tpu.vector_store %arg4[%swap3A_249, %swap3A_250], %sub3A_248 {strides = array<i32>} : memref<64x64xf32, #tpu.memory_space<vmem>>, vector<16xf32>,
          %get3A_252 = arith.index_cast %select_n3A_179 : i32 to index
          %get3A_253 = arith.constant 32 : index
          %get3A_254 = tpu.vector_load %arg4[%get3A_252, %get3A_253] {strides = array<i32>} : memref<64x64xf32, #tpu.memory_space<vmem>>, vector<16xf32>,
          %mul3A_255 = arith.mulf %select_n3A_184, %get3A_110 : vector<16xf32>
          %sub3A_256 = arith.subf %get3A_254, %mul3A_255 : vector<16xf32>
          %swap3A_257 = arith.index_cast %select_n3A_179 : i32 to index
          %swap3A_258 = arith.constant 32 : index
          %swap3A_259 = tpu.vector_load %arg4[%swap3A_257, %swap3A_258] {strides = array<i32>} : memref<64x64xf32, #tpu.memory_space<vmem>>, vector<16xf32>,
          tpu.vector_store %arg4[%swap3A_257, %swap3A_258], %sub3A_256 {strides = array<i32>} : memref<64x64xf32, #tpu.memory_space<vmem>>, vector<16xf32>,
          %get3A_260 = arith.index_cast %select_n3A_179 : i32 to index
          %get3A_261 = arith.constant 48 : index
          %get3A_262 = tpu.vector_load %arg4[%get3A_260, %get3A_261] {strides = array<i32>} : memref<64x64xf32, #tpu.memory_space<vmem>>, vector<16xf32>,
          %mul3A_263 = arith.mulf %select_n3A_184, %get3A_113 : vector<16xf32>
          %sub3A_264 = arith.subf %get3A_262, %mul3A_263 : vector<16xf32>
          %swap3A_265 = arith.index_cast %select_n3A_179 : i32 to index
          %swap3A_266 = arith.constant 48 : index
          %swap3A_267 = tpu.vector_load %arg4[%swap3A_265, %swap3A_266] {strides = array<i32>} : memref<64x64xf32, #tpu.memory_space<vmem>>, vector<16xf32>,
          tpu.vector_store %arg4[%swap3A_265, %swap3A_266], %sub3A_264 {strides = array<i32>} : memref<64x64xf32, #tpu.memory_space<vmem>>, vector<16xf32>,
          %get3A_268 = arith.index_cast %select_n3A_190 : i32 to index
          %get3A_269 = arith.constant 16 : index
          %get3A_270 = tpu.vector_load %arg4[%get3A_268, %get3A_269] {strides = array<i32>} : memref<64x64xf32, #tpu.memory_space<vmem>>, vector<16xf32>,
          %mul3A_271 = arith.mulf %select_n3A_195, %select_n3A_107 : vector<16xf32>
          %sub3A_272 = arith.subf %get3A_270, %mul3A_271 : vector<16xf32>
          %swap3A_273 = arith.index_cast %select_n3A_190 : i32 to index
          %swap3A_274 = arith.constant 16 : index
          %swap3A_275 = tpu.vector_load %arg4[%swap3A_273, %swap3A_274] {strides = array<i32>} : memref<64x64xf32, #tpu.memory_space<vmem>>, vector<16xf32>,
          tpu.vector_store %arg4[%swap3A_273, %swap3A_274], %sub3A_272 {strides = array<i32>} : memref<64x64xf32, #tpu.memory_space<vmem>>, vector<16xf32>,
          %get3A_276 = arith.index_cast %select_n3A_190 : i32 to index
          %get3A_277 = arith.constant 32 : index
          %get3A_278 = tpu.vector_load %arg4[%get3A_276, %get3A_277] {strides = array<i32>} : memref<64x64xf32, #tpu.memory_space<vmem>>, vector<16xf32>,
          %mul3A_279 = arith.mulf %select_n3A_195, %get3A_110 : vector<16xf32>
          %sub3A_280 = arith.subf %get3A_278, %mul3A_279 : vector<16xf32>
          %swap3A_281 = arith.index_cast %select_n3A_190 : i32 to index
          %swap3A_282 = arith.constant 32 : index
          %swap3A_283 = tpu.vector_load %arg4[%swap3A_281, %swap3A_282] {strides = array<i32>} : memref<64x64xf32, #tpu.memory_space<vmem>>, vector<16xf32>,
          tpu.vector_store %arg4[%swap3A_281, %swap3A_282], %sub3A_280 {strides = array<i32>} : memref<64x64xf32, #tpu.memory_space<vmem>>, vector<16xf32>,
          %get3A_284 = arith.index_cast %select_n3A_190 : i32 to index
          %get3A_285 = arith.constant 48 : index
          %get3A_286 = tpu.vector_load %arg4[%get3A_284, %get3A_285] {strides = array<i32>} : memref<64x64xf32, #tpu.memory_space<vmem>>, vector<16xf32>,
          %mul3A_287 = arith.mulf %select_n3A_195, %get3A_113 : vector<16xf32>
          %sub3A_288 = arith.subf %get3A_286, %mul3A_287 : vector<16xf32>
          %swap3A_289 = arith.index_cast %select_n3A_190 : i32 to index
          %swap3A_290 = arith.constant 48 : index
          %swap3A_291 = tpu.vector_load %arg4[%swap3A_289, %swap3A_290] {strides = array<i32>} : memref<64x64xf32, #tpu.memory_space<vmem>>, vector<16xf32>,
          tpu.vector_store %arg4[%swap3A_289, %swap3A_290], %sub3A_288 {strides = array<i32>} : memref<64x64xf32, #tpu.memory_space<vmem>>, vector<16xf32>,
        }
      }
      %scan3A_70 = arith.constant 16 : i32
      %scan3A_71 = arith.constant 0 : i32
      %scan3A_72 = arith.constant 32 : i32
      %scan3A_73 = arith.constant 16 : i32
      %scan3A_74 = arith.addi %scan3A_72, %scan3A_73 : i32
      %scan3A_75 = arith.constant 1 : i32
      scf.for %scan3A_83 = %scan3A_72 to %scan3A_74 step %scan3A_75  : i32 {
        %broadcast_in_dim3A = vector.broadcast %scan3A_83 : i32 to vector<16xi32>
        %gather3A = tpu.vector_load_idx %arg4[%broadcast_in_dim3A, %broadcast_in_dim3A] : memref<64x64xf32, #tpu.memory_space<vmem>>[vector<16xi32>, vector<16xi32>], vector<16xf32>,
        %add3A = arith.constant 32 : i32
        %add3A_84 = vector.broadcast %add3A : i32 to vector<16xi32>
        %add3A_85 = arith.addi %iota3A_59, %add3A_84 : vector<16xi32>
        %gt3A = vector.broadcast %scan3A_83 : i32 to vector<16xi32>
        %gt3A_86 = arith.cmpi sgt, %add3A_85, %gt3A : vector<16xi32>
        %gather3A_87 = tpu.vector_load_idx %arg4[%add3A_85, %broadcast_in_dim3A] masked %gt3A_86 : memref<64x64xf32, #tpu.memory_space<vmem>>[vector<16xi32>, vector<16xi32>], vector<16xf32>, vector<16xi1>
        %div3A = arith.divf %gather3A_87, %gather3A : vector<16xf32>
        tpu.vector_store_idx %arg4[%add3A_85, %broadcast_in_dim3A], %div3A masked %gt3A_86 : memref<64x64xf32, #tpu.memory_space<vmem>>[vector<16xi32>, vector<16xi32>], vector<16xf32>, vector<16xi1>
        %add3A_88 = arith.constant 48 : i32
        %add3A_89 = vector.broadcast %add3A_88 : i32 to vector<16xi32>
        %add3A_90 = arith.addi %iota3A_59, %add3A_89 : vector<16xi32>
        %gather3A_91 = tpu.vector_load_idx %arg4[%add3A_90, %broadcast_in_dim3A] : memref<64x64xf32, #tpu.memory_space<vmem>>[vector<16xi32>, vector<16xi32>], vector<16xf32>,
        %div3A_92 = arith.divf %gather3A_91, %gather3A : vector<16xf32>
        tpu.vector_store_idx %arg4[%add3A_90, %broadcast_in_dim3A], %div3A_92 : memref<64x64xf32, #tpu.memory_space<vmem>>[vector<16xi32>, vector<16xi32>], vector<16xf32>,
        %get3A = arith.index_cast %scan3A_83 : i32 to index
        %get3A_93 = arith.constant 32 : index
        %get3A_94 = tpu.vector_load %arg4[%get3A, %get3A_93] {strides = array<i32>} : memref<64x64xf32, #tpu.memory_space<vmem>>, vector<16xf32>,
        %add3A_95 = arith.constant 32 : i32
        %add3A_96 = vector.broadcast %add3A_95 : i32 to vector<16xi32>
        %add3A_97 = arith.addi %iota3A_59, %add3A_96 : vector<16xi32>
        %gt3A_98 = vector.broadcast %scan3A_83 : i32 to vector<16xi32>
        %gt3A_99 = arith.cmpi sgt, %add3A_97, %gt3A_98 : vector<16xi32>
        %jit3A_100 = arith.constant 0.000000e+00 : f32
        %broadcast_in_dim3A_101 = vector.broadcast %jit3A_100 : f32 to vector<16xf32>
        %select_n3A_102 = arith.select %gt3A_99, %get3A_94, %broadcast_in_dim3A_101 : vector<16xi1>, vector<16xf32>
        %get3A_103 = arith.index_cast %scan3A_83 : i32 to index
        %get3A_104 = arith.constant 48 : index
        %get3A_105 = tpu.vector_load %arg4[%get3A_103, %get3A_104] {strides = array<i32>} : memref<64x64xf32, #tpu.memory_space<vmem>>, vector<16xf32>,
        %sub3A = arith.constant 64 : i32
        %sub3A_106 = arith.subi %sub3A, %scan3A_83 : i32
        %add3A_107 = arith.constant 2 : i32
        %add3A_108 = arith.addi %sub3A_106, %add3A_107 : i32
        %jit3A_109 = arith.constant 4 : i32
        %div3A_110 = arith.divsi %add3A_108, %jit3A_109 : i32
        %sign3A = arith.constant 0 : i32
        %sign3A_111 = arith.cmpi sgt, %add3A_108, %sign3A : i32
        %sign3A_112 = arith.extui %sign3A_111 : i1 to i32
        %sign3A_113 = arith.constant 0 : i32
        %sign3A_114 = arith.cmpi slt, %add3A_108, %sign3A_113 : i32
        %sign3A_115 = arith.extui %sign3A_114 : i1 to i32
        %sign3A_116 = arith.subi %sign3A_112, %sign3A_115 : i32
        %sign3A_117 = arith.constant 0 : i32
        %sign3A_118 = arith.cmpi sgt, %jit3A_109, %sign3A_117 : i32
        %sign3A_119 = arith.extui %sign3A_118 : i1 to i32
        %sign3A_120 = arith.constant 0 : i32
        %sign3A_121 = arith.cmpi slt, %jit3A_109, %sign3A_120 : i32
        %sign3A_122 = arith.extui %sign3A_121 : i1 to i32
        %sign3A_123 = arith.subi %sign3A_119, %sign3A_122 : i32
        %ne3A_124 = arith.cmpi ne, %sign3A_116, %sign3A_123 : i32
        %rem3A = arith.remsi %add3A_108, %jit3A_109 : i32
        %ne3A_125 = arith.constant 0 : i32
        %ne3A_126 = arith.cmpi ne, %rem3A, %ne3A_125 : i32
        %and3A_127 = arith.andi %ne3A_124, %ne3A_126 : i1
        %sub3A_128 = arith.constant 1 : i32
        %sub3A_129 = arith.subi %div3A_110, %sub3A_128 : i32
        %select_n3A_130 = arith.select %and3A_127, %sub3A_129, %div3A_110 : i32
        %while3A = arith.constant 0 : i32
        %while3A_131 = arith.constant 0 : i32
        %while3A_132 = arith.subi %select_n3A_130, %while3A_131 : i32
        %while3A_133 = arith.addi %while3A_131, %while3A_132 : i32
        %while3A_134 = arith.constant 1 : i32
        %while3A_135 = arith.divsi %while3A_132, %while3A_134 : i32
        %while3A_136 = arith.muli %while3A_135, %while3A_134 : i32
        %while3A_137 = arith.addi %while3A_131, %while3A_136 : i32
        %while3A_138 = arith.constant 1 : i32
        scf.for %while3A_140 = %while3A_131 to %while3A_137 step %while3A_138  : i32 {
          %add3A_141 = arith.constant 1 : i32
          %add3A_142 = arith.addi %scan3A_83, %add3A_141 : i32
          %mul3A = arith.constant 4 : i32
          %mul3A_143 = arith.muli %mul3A, %while3A_140 : i32
          %add3A_144 = arith.addi %add3A_142, %mul3A_143 : i32
          %add3A_145 = arith.constant 0 : i32
          %add3A_146 = arith.addi %add3A_144, %add3A_145 : i32
          %lt3A = arith.constant 64 : i32
          %lt3A_147 = arith.cmpi slt, %add3A_146, %lt3A : i32
          %jit3A_148 = arith.constant 63 : i32
          %select_n3A_149 = arith.select %lt3A_147, %add3A_146, %jit3A_148 : i32
          %broadcast_in_dim3A_150 = vector.broadcast %select_n3A_149 : i32 to vector<16xi32>
          %gather3A_151 = tpu.vector_load_idx %arg4[%broadcast_in_dim3A_150, %broadcast_in_dim3A] : memref<64x64xf32, #tpu.memory_space<vmem>>[vector<16xi32>, vector<16xi32>], vector<16xf32>,
          %jit3A_152 = arith.constant 0.000000e+00 : f32
          %broadcast_in_dim3A_153 = vector.broadcast %jit3A_152 : f32 to vector<16xf32>
          %select_n3A_154 = arith.select %lt3A_147, %gather3A_151, %broadcast_in_dim3A_153 : vector<16xf32>
          %add3A_155 = arith.constant 1 : i32
          %add3A_156 = arith.addi %add3A_144, %add3A_155 : i32
          %lt3A_157 = arith.constant 64 : i32
          %lt3A_158 = arith.cmpi slt, %add3A_156, %lt3A_157 : i32
          %jit3A_159 = arith.constant 63 : i32
          %select_n3A_160 = arith.select %lt3A_158, %add3A_156, %jit3A_159 : i32
          %broadcast_in_dim3A_161 = vector.broadcast %select_n3A_160 : i32 to vector<16xi32>
          %gather3A_162 = tpu.vector_load_idx %arg4[%broadcast_in_dim3A_161, %broadcast_in_dim3A] : memref<64x64xf32, #tpu.memory_space<vmem>>[vector<16xi32>, vector<16xi32>], vector<16xf32>,
          %jit3A_163 = arith.constant 0.000000e+00 : f32
          %broadcast_in_dim3A_164 = vector.broadcast %jit3A_163 : f32 to vector<16xf32>
          %select_n3A_165 = arith.select %lt3A_158, %gather3A_162, %broadcast_in_dim3A_164 : vector<16xf32>
          %add3A_166 = arith.constant 2 : i32
          %add3A_167 = arith.addi %add3A_144, %add3A_166 : i32
          %lt3A_168 = arith.constant 64 : i32
          %lt3A_169 = arith.cmpi slt, %add3A_167, %lt3A_168 : i32
          %jit3A_170 = arith.constant 63 : i32
          %select_n3A_171 = arith.select %lt3A_169, %add3A_167, %jit3A_170 : i32
          %broadcast_in_dim3A_172 = vector.broadcast %select_n3A_171 : i32 to vector<16xi32>
          %gather3A_173 = tpu.vector_load_idx %arg4[%broadcast_in_dim3A_172, %broadcast_in_dim3A] : memref<64x64xf32, #tpu.memory_space<vmem>>[vector<16xi32>, vector<16xi32>], vector<16xf32>,
          %jit3A_174 = arith.constant 0.000000e+00 : f32
          %broadcast_in_dim3A_175 = vector.broadcast %jit3A_174 : f32 to vector<16xf32>
          %select_n3A_176 = arith.select %lt3A_169, %gather3A_173, %broadcast_in_dim3A_175 : vector<16xf32>
          %add3A_177 = arith.constant 3 : i32
          %add3A_178 = arith.addi %add3A_144, %add3A_177 : i32
          %lt3A_179 = arith.constant 64 : i32
          %lt3A_180 = arith.cmpi slt, %add3A_178, %lt3A_179 : i32
          %jit3A_181 = arith.constant 63 : i32
          %select_n3A_182 = arith.select %lt3A_180, %add3A_178, %jit3A_181 : i32
          %broadcast_in_dim3A_183 = vector.broadcast %select_n3A_182 : i32 to vector<16xi32>
          %gather3A_184 = tpu.vector_load_idx %arg4[%broadcast_in_dim3A_183, %broadcast_in_dim3A] : memref<64x64xf32, #tpu.memory_space<vmem>>[vector<16xi32>, vector<16xi32>], vector<16xf32>,
          %jit3A_185 = arith.constant 0.000000e+00 : f32
          %broadcast_in_dim3A_186 = vector.broadcast %jit3A_185 : f32 to vector<16xf32>
          %select_n3A_187 = arith.select %lt3A_180, %gather3A_184, %broadcast_in_dim3A_186 : vector<16xf32>
          %get3A_188 = arith.index_cast %select_n3A_149 : i32 to index
          %get3A_189 = arith.constant 32 : index
          %get3A_190 = tpu.vector_load %arg4[%get3A_188, %get3A_189] {strides = array<i32>} : memref<64x64xf32, #tpu.memory_space<vmem>>, vector<16xf32>,
          %mul3A_191 = arith.mulf %select_n3A_154, %select_n3A_102 : vector<16xf32>
          %sub3A_192 = arith.subf %get3A_190, %mul3A_191 : vector<16xf32>
          %swap3A_193 = arith.index_cast %select_n3A_149 : i32 to index
          %swap3A_194 = arith.constant 32 : index
          %swap3A_195 = tpu.vector_load %arg4[%swap3A_193, %swap3A_194] {strides = array<i32>} : memref<64x64xf32, #tpu.memory_space<vmem>>, vector<16xf32>,
          tpu.vector_store %arg4[%swap3A_193, %swap3A_194], %sub3A_192 {strides = array<i32>} : memref<64x64xf32, #tpu.memory_space<vmem>>, vector<16xf32>,
          %get3A_196 = arith.index_cast %select_n3A_149 : i32 to index
          %get3A_197 = arith.constant 48 : index
          %get3A_198 = tpu.vector_load %arg4[%get3A_196, %get3A_197] {strides = array<i32>} : memref<64x64xf32, #tpu.memory_space<vmem>>, vector<16xf32>,
          %mul3A_199 = arith.mulf %select_n3A_154, %get3A_105 : vector<16xf32>
          %sub3A_200 = arith.subf %get3A_198, %mul3A_199 : vector<16xf32>
          %swap3A_201 = arith.index_cast %select_n3A_149 : i32 to index
          %swap3A_202 = arith.constant 48 : index
          %swap3A_203 = tpu.vector_load %arg4[%swap3A_201, %swap3A_202] {strides = array<i32>} : memref<64x64xf32, #tpu.memory_space<vmem>>, vector<16xf32>,
          tpu.vector_store %arg4[%swap3A_201, %swap3A_202], %sub3A_200 {strides = array<i32>} : memref<64x64xf32, #tpu.memory_space<vmem>>, vector<16xf32>,
          %get3A_204 = arith.index_cast %select_n3A_160 : i32 to index
          %get3A_205 = arith.constant 32 : index
          %get3A_206 = tpu.vector_load %arg4[%get3A_204, %get3A_205] {strides = array<i32>} : memref<64x64xf32, #tpu.memory_space<vmem>>, vector<16xf32>,
          %mul3A_207 = arith.mulf %select_n3A_165, %select_n3A_102 : vector<16xf32>
          %sub3A_208 = arith.subf %get3A_206, %mul3A_207 : vector<16xf32>
          %swap3A_209 = arith.index_cast %select_n3A_160 : i32 to index
          %swap3A_210 = arith.constant 32 : index
          %swap3A_211 = tpu.vector_load %arg4[%swap3A_209, %swap3A_210] {strides = array<i32>} : memref<64x64xf32, #tpu.memory_space<vmem>>, vector<16xf32>,
          tpu.vector_store %arg4[%swap3A_209, %swap3A_210], %sub3A_208 {strides = array<i32>} : memref<64x64xf32, #tpu.memory_space<vmem>>, vector<16xf32>,
          %get3A_212 = arith.index_cast %select_n3A_160 : i32 to index
          %get3A_213 = arith.constant 48 : index
          %get3A_214 = tpu.vector_load %arg4[%get3A_212, %get3A_213] {strides = array<i32>} : memref<64x64xf32, #tpu.memory_space<vmem>>, vector<16xf32>,
          %mul3A_215 = arith.mulf %select_n3A_165, %get3A_105 : vector<16xf32>
          %sub3A_216 = arith.subf %get3A_214, %mul3A_215 : vector<16xf32>
          %swap3A_217 = arith.index_cast %select_n3A_160 : i32 to index
          %swap3A_218 = arith.constant 48 : index
          %swap3A_219 = tpu.vector_load %arg4[%swap3A_217, %swap3A_218] {strides = array<i32>} : memref<64x64xf32, #tpu.memory_space<vmem>>, vector<16xf32>,
          tpu.vector_store %arg4[%swap3A_217, %swap3A_218], %sub3A_216 {strides = array<i32>} : memref<64x64xf32, #tpu.memory_space<vmem>>, vector<16xf32>,
          %get3A_220 = arith.index_cast %select_n3A_171 : i32 to index
          %get3A_221 = arith.constant 32 : index
          %get3A_222 = tpu.vector_load %arg4[%get3A_220, %get3A_221] {strides = array<i32>} : memref<64x64xf32, #tpu.memory_space<vmem>>, vector<16xf32>,
          %mul3A_223 = arith.mulf %select_n3A_176, %select_n3A_102 : vector<16xf32>
          %sub3A_224 = arith.subf %get3A_222, %mul3A_223 : vector<16xf32>
          %swap3A_225 = arith.index_cast %select_n3A_171 : i32 to index
          %swap3A_226 = arith.constant 32 : index
          %swap3A_227 = tpu.vector_load %arg4[%swap3A_225, %swap3A_226] {strides = array<i32>} : memref<64x64xf32, #tpu.memory_space<vmem>>, vector<16xf32>,
          tpu.vector_store %arg4[%swap3A_225, %swap3A_226], %sub3A_224 {strides = array<i32>} : memref<64x64xf32, #tpu.memory_space<vmem>>, vector<16xf32>,
          %get3A_228 = arith.index_cast %select_n3A_171 : i32 to index
          %get3A_229 = arith.constant 48 : index
          %get3A_230 = tpu.vector_load %arg4[%get3A_228, %get3A_229] {strides = array<i32>} : memref<64x64xf32, #tpu.memory_space<vmem>>, vector<16xf32>,
          %mul3A_231 = arith.mulf %select_n3A_176, %get3A_105 : vector<16xf32>
          %sub3A_232 = arith.subf %get3A_230, %mul3A_231 : vector<16xf32>
          %swap3A_233 = arith.index_cast %select_n3A_171 : i32 to index
          %swap3A_234 = arith.constant 48 : index
          %swap3A_235 = tpu.vector_load %arg4[%swap3A_233, %swap3A_234] {strides = array<i32>} : memref<64x64xf32, #tpu.memory_space<vmem>>, vector<16xf32>,
          tpu.vector_store %arg4[%swap3A_233, %swap3A_234], %sub3A_232 {strides = array<i32>} : memref<64x64xf32, #tpu.memory_space<vmem>>, vector<16xf32>,
          %get3A_236 = arith.index_cast %select_n3A_182 : i32 to index
          %get3A_237 = arith.constant 32 : index
          %get3A_238 = tpu.vector_load %arg4[%get3A_236, %get3A_237] {strides = array<i32>} : memref<64x64xf32, #tpu.memory_space<vmem>>, vector<16xf32>,
          %mul3A_239 = arith.mulf %select_n3A_187, %select_n3A_102 : vector<16xf32>
          %sub3A_240 = arith.subf %get3A_238, %mul3A_239 : vector<16xf32>
          %swap3A_241 = arith.index_cast %select_n3A_182 : i32 to index
          %swap3A_242 = arith.constant 32 : index
          %swap3A_243 = tpu.vector_load %arg4[%swap3A_241, %swap3A_242] {strides = array<i32>} : memref<64x64xf32, #tpu.memory_space<vmem>>, vector<16xf32>,
          tpu.vector_store %arg4[%swap3A_241, %swap3A_242], %sub3A_240 {strides = array<i32>} : memref<64x64xf32, #tpu.memory_space<vmem>>, vector<16xf32>,
          %get3A_244 = arith.index_cast %select_n3A_182 : i32 to index
          %get3A_245 = arith.constant 48 : index
          %get3A_246 = tpu.vector_load %arg4[%get3A_244, %get3A_245] {strides = array<i32>} : memref<64x64xf32, #tpu.memory_space<vmem>>, vector<16xf32>,
          %mul3A_247 = arith.mulf %select_n3A_187, %get3A_105 : vector<16xf32>
          %sub3A_248 = arith.subf %get3A_246, %mul3A_247 : vector<16xf32>
          %swap3A_249 = arith.index_cast %select_n3A_182 : i32 to index
          %swap3A_250 = arith.constant 48 : index
          %swap3A_251 = tpu.vector_load %arg4[%swap3A_249, %swap3A_250] {strides = array<i32>} : memref<64x64xf32, #tpu.memory_space<vmem>>, vector<16xf32>,
          tpu.vector_store %arg4[%swap3A_249, %swap3A_250], %sub3A_248 {strides = array<i32>} : memref<64x64xf32, #tpu.memory_space<vmem>>, vector<16xf32>,
        }
        %while3A_139 = arith.constant 1 : i32
        scf.for %while3A_140 = %while3A_137 to %while3A_133 step %while3A_139  : i32 {
          %add3A_141 = arith.constant 1 : i32
          %add3A_142 = arith.addi %scan3A_83, %add3A_141 : i32
          %mul3A = arith.constant 4 : i32
          %mul3A_143 = arith.muli %mul3A, %while3A_140 : i32
          %add3A_144 = arith.addi %add3A_142, %mul3A_143 : i32
          %add3A_145 = arith.constant 0 : i32
          %add3A_146 = arith.addi %add3A_144, %add3A_145 : i32
          %lt3A = arith.constant 64 : i32
          %lt3A_147 = arith.cmpi slt, %add3A_146, %lt3A : i32
          %jit3A_148 = arith.constant 63 : i32
          %select_n3A_149 = arith.select %lt3A_147, %add3A_146, %jit3A_148 : i32
          %broadcast_in_dim3A_150 = vector.broadcast %select_n3A_149 : i32 to vector<16xi32>
          %gather3A_151 = tpu.vector_load_idx %arg4[%broadcast_in_dim3A_150, %broadcast_in_dim3A] : memref<64x64xf32, #tpu.memory_space<vmem>>[vector<16xi32>, vector<16xi32>], vector<16xf32>,
          %jit3A_152 = arith.constant 0.000000e+00 : f32
          %broadcast_in_dim3A_153 = vector.broadcast %jit3A_152 : f32 to vector<16xf32>
          %select_n3A_154 = arith.select %lt3A_147, %gather3A_151, %broadcast_in_dim3A_153 : vector<16xf32>
          %add3A_155 = arith.constant 1 : i32
          %add3A_156 = arith.addi %add3A_144, %add3A_155 : i32
          %lt3A_157 = arith.constant 64 : i32
          %lt3A_158 = arith.cmpi slt, %add3A_156, %lt3A_157 : i32
          %jit3A_159 = arith.constant 63 : i32
          %select_n3A_160 = arith.select %lt3A_158, %add3A_156, %jit3A_159 : i32
          %broadcast_in_dim3A_161 = vector.broadcast %select_n3A_160 : i32 to vector<16xi32>
          %gather3A_162 = tpu.vector_load_idx %arg4[%broadcast_in_dim3A_161, %broadcast_in_dim3A] : memref<64x64xf32, #tpu.memory_space<vmem>>[vector<16xi32>, vector<16xi32>], vector<16xf32>,
          %jit3A_163 = arith.constant 0.000000e+00 : f32
          %broadcast_in_dim3A_164 = vector.broadcast %jit3A_163 : f32 to vector<16xf32>
          %select_n3A_165 = arith.select %lt3A_158, %gather3A_162, %broadcast_in_dim3A_164 : vector<16xf32>
          %add3A_166 = arith.constant 2 : i32
          %add3A_167 = arith.addi %add3A_144, %add3A_166 : i32
          %lt3A_168 = arith.constant 64 : i32
          %lt3A_169 = arith.cmpi slt, %add3A_167, %lt3A_168 : i32
          %jit3A_170 = arith.constant 63 : i32
          %select_n3A_171 = arith.select %lt3A_169, %add3A_167, %jit3A_170 : i32
          %broadcast_in_dim3A_172 = vector.broadcast %select_n3A_171 : i32 to vector<16xi32>
          %gather3A_173 = tpu.vector_load_idx %arg4[%broadcast_in_dim3A_172, %broadcast_in_dim3A] : memref<64x64xf32, #tpu.memory_space<vmem>>[vector<16xi32>, vector<16xi32>], vector<16xf32>,
          %jit3A_174 = arith.constant 0.000000e+00 : f32
          %broadcast_in_dim3A_175 = vector.broadcast %jit3A_174 : f32 to vector<16xf32>
          %select_n3A_176 = arith.select %lt3A_169, %gather3A_173, %broadcast_in_dim3A_175 : vector<16xf32>
          %add3A_177 = arith.constant 3 : i32
          %add3A_178 = arith.addi %add3A_144, %add3A_177 : i32
          %lt3A_179 = arith.constant 64 : i32
          %lt3A_180 = arith.cmpi slt, %add3A_178, %lt3A_179 : i32
          %jit3A_181 = arith.constant 63 : i32
          %select_n3A_182 = arith.select %lt3A_180, %add3A_178, %jit3A_181 : i32
          %broadcast_in_dim3A_183 = vector.broadcast %select_n3A_182 : i32 to vector<16xi32>
          %gather3A_184 = tpu.vector_load_idx %arg4[%broadcast_in_dim3A_183, %broadcast_in_dim3A] : memref<64x64xf32, #tpu.memory_space<vmem>>[vector<16xi32>, vector<16xi32>], vector<16xf32>,
          %jit3A_185 = arith.constant 0.000000e+00 : f32
          %broadcast_in_dim3A_186 = vector.broadcast %jit3A_185 : f32 to vector<16xf32>
          %select_n3A_187 = arith.select %lt3A_180, %gather3A_184, %broadcast_in_dim3A_186 : vector<16xf32>
          %get3A_188 = arith.index_cast %select_n3A_149 : i32 to index
          %get3A_189 = arith.constant 32 : index
          %get3A_190 = tpu.vector_load %arg4[%get3A_188, %get3A_189] {strides = array<i32>} : memref<64x64xf32, #tpu.memory_space<vmem>>, vector<16xf32>,
          %mul3A_191 = arith.mulf %select_n3A_154, %select_n3A_102 : vector<16xf32>
          %sub3A_192 = arith.subf %get3A_190, %mul3A_191 : vector<16xf32>
          %swap3A_193 = arith.index_cast %select_n3A_149 : i32 to index
          %swap3A_194 = arith.constant 32 : index
          %swap3A_195 = tpu.vector_load %arg4[%swap3A_193, %swap3A_194] {strides = array<i32>} : memref<64x64xf32, #tpu.memory_space<vmem>>, vector<16xf32>,
          tpu.vector_store %arg4[%swap3A_193, %swap3A_194], %sub3A_192 {strides = array<i32>} : memref<64x64xf32, #tpu.memory_space<vmem>>, vector<16xf32>,
          %get3A_196 = arith.index_cast %select_n3A_149 : i32 to index
          %get3A_197 = arith.constant 48 : index
          %get3A_198 = tpu.vector_load %arg4[%get3A_196, %get3A_197] {strides = array<i32>} : memref<64x64xf32, #tpu.memory_space<vmem>>, vector<16xf32>,
          %mul3A_199 = arith.mulf %select_n3A_154, %get3A_105 : vector<16xf32>
          %sub3A_200 = arith.subf %get3A_198, %mul3A_199 : vector<16xf32>
          %swap3A_201 = arith.index_cast %select_n3A_149 : i32 to index
          %swap3A_202 = arith.constant 48 : index
          %swap3A_203 = tpu.vector_load %arg4[%swap3A_201, %swap3A_202] {strides = array<i32>} : memref<64x64xf32, #tpu.memory_space<vmem>>, vector<16xf32>,
          tpu.vector_store %arg4[%swap3A_201, %swap3A_202], %sub3A_200 {strides = array<i32>} : memref<64x64xf32, #tpu.memory_space<vmem>>, vector<16xf32>,
          %get3A_204 = arith.index_cast %select_n3A_160 : i32 to index
          %get3A_205 = arith.constant 32 : index
          %get3A_206 = tpu.vector_load %arg4[%get3A_204, %get3A_205] {strides = array<i32>} : memref<64x64xf32, #tpu.memory_space<vmem>>, vector<16xf32>,
          %mul3A_207 = arith.mulf %select_n3A_165, %select_n3A_102 : vector<16xf32>
          %sub3A_208 = arith.subf %get3A_206, %mul3A_207 : vector<16xf32>
          %swap3A_209 = arith.index_cast %select_n3A_160 : i32 to index
          %swap3A_210 = arith.constant 32 : index
          %swap3A_211 = tpu.vector_load %arg4[%swap3A_209, %swap3A_210] {strides = array<i32>} : memref<64x64xf32, #tpu.memory_space<vmem>>, vector<16xf32>,
          tpu.vector_store %arg4[%swap3A_209, %swap3A_210], %sub3A_208 {strides = array<i32>} : memref<64x64xf32, #tpu.memory_space<vmem>>, vector<16xf32>,
          %get3A_212 = arith.index_cast %select_n3A_160 : i32 to index
          %get3A_213 = arith.constant 48 : index
          %get3A_214 = tpu.vector_load %arg4[%get3A_212, %get3A_213] {strides = array<i32>} : memref<64x64xf32, #tpu.memory_space<vmem>>, vector<16xf32>,
          %mul3A_215 = arith.mulf %select_n3A_165, %get3A_105 : vector<16xf32>
          %sub3A_216 = arith.subf %get3A_214, %mul3A_215 : vector<16xf32>
          %swap3A_217 = arith.index_cast %select_n3A_160 : i32 to index
          %swap3A_218 = arith.constant 48 : index
          %swap3A_219 = tpu.vector_load %arg4[%swap3A_217, %swap3A_218] {strides = array<i32>} : memref<64x64xf32, #tpu.memory_space<vmem>>, vector<16xf32>,
          tpu.vector_store %arg4[%swap3A_217, %swap3A_218], %sub3A_216 {strides = array<i32>} : memref<64x64xf32, #tpu.memory_space<vmem>>, vector<16xf32>,
          %get3A_220 = arith.index_cast %select_n3A_171 : i32 to index
          %get3A_221 = arith.constant 32 : index
          %get3A_222 = tpu.vector_load %arg4[%get3A_220, %get3A_221] {strides = array<i32>} : memref<64x64xf32, #tpu.memory_space<vmem>>, vector<16xf32>,
          %mul3A_223 = arith.mulf %select_n3A_176, %select_n3A_102 : vector<16xf32>
          %sub3A_224 = arith.subf %get3A_222, %mul3A_223 : vector<16xf32>
          %swap3A_225 = arith.index_cast %select_n3A_171 : i32 to index
          %swap3A_226 = arith.constant 32 : index
          %swap3A_227 = tpu.vector_load %arg4[%swap3A_225, %swap3A_226] {strides = array<i32>} : memref<64x64xf32, #tpu.memory_space<vmem>>, vector<16xf32>,
          tpu.vector_store %arg4[%swap3A_225, %swap3A_226], %sub3A_224 {strides = array<i32>} : memref<64x64xf32, #tpu.memory_space<vmem>>, vector<16xf32>,
          %get3A_228 = arith.index_cast %select_n3A_171 : i32 to index
          %get3A_229 = arith.constant 48 : index
          %get3A_230 = tpu.vector_load %arg4[%get3A_228, %get3A_229] {strides = array<i32>} : memref<64x64xf32, #tpu.memory_space<vmem>>, vector<16xf32>,
          %mul3A_231 = arith.mulf %select_n3A_176, %get3A_105 : vector<16xf32>
          %sub3A_232 = arith.subf %get3A_230, %mul3A_231 : vector<16xf32>
          %swap3A_233 = arith.index_cast %select_n3A_171 : i32 to index
          %swap3A_234 = arith.constant 48 : index
          %swap3A_235 = tpu.vector_load %arg4[%swap3A_233, %swap3A_234] {strides = array<i32>} : memref<64x64xf32, #tpu.memory_space<vmem>>, vector<16xf32>,
          tpu.vector_store %arg4[%swap3A_233, %swap3A_234], %sub3A_232 {strides = array<i32>} : memref<64x64xf32, #tpu.memory_space<vmem>>, vector<16xf32>,
          %get3A_236 = arith.index_cast %select_n3A_182 : i32 to index
          %get3A_237 = arith.constant 32 : index
          %get3A_238 = tpu.vector_load %arg4[%get3A_236, %get3A_237] {strides = array<i32>} : memref<64x64xf32, #tpu.memory_space<vmem>>, vector<16xf32>,
          %mul3A_239 = arith.mulf %select_n3A_187, %select_n3A_102 : vector<16xf32>
          %sub3A_240 = arith.subf %get3A_238, %mul3A_239 : vector<16xf32>
          %swap3A_241 = arith.index_cast %select_n3A_182 : i32 to index
          %swap3A_242 = arith.constant 32 : index
          %swap3A_243 = tpu.vector_load %arg4[%swap3A_241, %swap3A_242] {strides = array<i32>} : memref<64x64xf32, #tpu.memory_space<vmem>>, vector<16xf32>,
          tpu.vector_store %arg4[%swap3A_241, %swap3A_242], %sub3A_240 {strides = array<i32>} : memref<64x64xf32, #tpu.memory_space<vmem>>, vector<16xf32>,
          %get3A_244 = arith.index_cast %select_n3A_182 : i32 to index
          %get3A_245 = arith.constant 48 : index
          %get3A_246 = tpu.vector_load %arg4[%get3A_244, %get3A_245] {strides = array<i32>} : memref<64x64xf32, #tpu.memory_space<vmem>>, vector<16xf32>,
          %mul3A_247 = arith.mulf %select_n3A_187, %get3A_105 : vector<16xf32>
          %sub3A_248 = arith.subf %get3A_246, %mul3A_247 : vector<16xf32>
          %swap3A_249 = arith.index_cast %select_n3A_182 : i32 to index
          %swap3A_250 = arith.constant 48 : index
          %swap3A_251 = tpu.vector_load %arg4[%swap3A_249, %swap3A_250] {strides = array<i32>} : memref<64x64xf32, #tpu.memory_space<vmem>>, vector<16xf32>,
          tpu.vector_store %arg4[%swap3A_249, %swap3A_250], %sub3A_248 {strides = array<i32>} : memref<64x64xf32, #tpu.memory_space<vmem>>, vector<16xf32>,
        }
      }
      %scan3A_76 = arith.constant 16 : i32
      %scan3A_77 = arith.constant 0 : i32
      %scan3A_78 = arith.constant 48 : i32
      %scan3A_79 = arith.constant 16 : i32
      %scan3A_80 = arith.addi %scan3A_78, %scan3A_79 : i32
      %scan3A_81 = arith.constant 1 : i32
      scf.for %scan3A_83 = %scan3A_78 to %scan3A_80 step %scan3A_81  : i32 {
        %broadcast_in_dim3A = vector.broadcast %scan3A_83 : i32 to vector<16xi32>
        %gather3A = tpu.vector_load_idx %arg4[%broadcast_in_dim3A, %broadcast_in_dim3A] : memref<64x64xf32, #tpu.memory_space<vmem>>[vector<16xi32>, vector<16xi32>], vector<16xf32>,
        %add3A = arith.constant 48 : i32
        %add3A_84 = vector.broadcast %add3A : i32 to vector<16xi32>
        %add3A_85 = arith.addi %iota3A_59, %add3A_84 : vector<16xi32>
        %gt3A = vector.broadcast %scan3A_83 : i32 to vector<16xi32>
        %gt3A_86 = arith.cmpi sgt, %add3A_85, %gt3A : vector<16xi32>
        %gather3A_87 = tpu.vector_load_idx %arg4[%add3A_85, %broadcast_in_dim3A] masked %gt3A_86 : memref<64x64xf32, #tpu.memory_space<vmem>>[vector<16xi32>, vector<16xi32>], vector<16xf32>, vector<16xi1>
        %div3A = arith.divf %gather3A_87, %gather3A : vector<16xf32>
        tpu.vector_store_idx %arg4[%add3A_85, %broadcast_in_dim3A], %div3A masked %gt3A_86 : memref<64x64xf32, #tpu.memory_space<vmem>>[vector<16xi32>, vector<16xi32>], vector<16xf32>, vector<16xi1>
        %get3A = arith.index_cast %scan3A_83 : i32 to index
        %get3A_88 = arith.constant 48 : index
        %get3A_89 = tpu.vector_load %arg4[%get3A, %get3A_88] {strides = array<i32>} : memref<64x64xf32, #tpu.memory_space<vmem>>, vector<16xf32>,
        %add3A_90 = arith.constant 48 : i32
        %add3A_91 = vector.broadcast %add3A_90 : i32 to vector<16xi32>
        %add3A_92 = arith.addi %iota3A_59, %add3A_91 : vector<16xi32>
        %gt3A_93 = vector.broadcast %scan3A_83 : i32 to vector<16xi32>
        %gt3A_94 = arith.cmpi sgt, %add3A_92, %gt3A_93 : vector<16xi32>
        %jit3A_95 = arith.constant 0.000000e+00 : f32
        %broadcast_in_dim3A_96 = vector.broadcast %jit3A_95 : f32 to vector<16xf32>
        %select_n3A_97 = arith.select %gt3A_94, %get3A_89, %broadcast_in_dim3A_96 : vector<16xi1>, vector<16xf32>
        %sub3A = arith.constant 64 : i32
        %sub3A_98 = arith.subi %sub3A, %scan3A_83 : i32
        %add3A_99 = arith.constant 2 : i32
        %add3A_100 = arith.addi %sub3A_98, %add3A_99 : i32
        %jit3A_101 = arith.constant 4 : i32
        %div3A_102 = arith.divsi %add3A_100, %jit3A_101 : i32
        %sign3A = arith.constant 0 : i32
        %sign3A_103 = arith.cmpi sgt, %add3A_100, %sign3A : i32
        %sign3A_104 = arith.extui %sign3A_103 : i1 to i32
        %sign3A_105 = arith.constant 0 : i32
        %sign3A_106 = arith.cmpi slt, %add3A_100, %sign3A_105 : i32
        %sign3A_107 = arith.extui %sign3A_106 : i1 to i32
        %sign3A_108 = arith.subi %sign3A_104, %sign3A_107 : i32
        %sign3A_109 = arith.constant 0 : i32
        %sign3A_110 = arith.cmpi sgt, %jit3A_101, %sign3A_109 : i32
        %sign3A_111 = arith.extui %sign3A_110 : i1 to i32
        %sign3A_112 = arith.constant 0 : i32
        %sign3A_113 = arith.cmpi slt, %jit3A_101, %sign3A_112 : i32
        %sign3A_114 = arith.extui %sign3A_113 : i1 to i32
        %sign3A_115 = arith.subi %sign3A_111, %sign3A_114 : i32
        %ne3A_116 = arith.cmpi ne, %sign3A_108, %sign3A_115 : i32
        %rem3A = arith.remsi %add3A_100, %jit3A_101 : i32
        %ne3A_117 = arith.constant 0 : i32
        %ne3A_118 = arith.cmpi ne, %rem3A, %ne3A_117 : i32
        %and3A_119 = arith.andi %ne3A_116, %ne3A_118 : i1
        %sub3A_120 = arith.constant 1 : i32
        %sub3A_121 = arith.subi %div3A_102, %sub3A_120 : i32
        %select_n3A_122 = arith.select %and3A_119, %sub3A_121, %div3A_102 : i32
        %while3A = arith.constant 0 : i32
        %while3A_123 = arith.constant 0 : i32
        %while3A_124 = arith.subi %select_n3A_122, %while3A_123 : i32
        %while3A_125 = arith.addi %while3A_123, %while3A_124 : i32
        %while3A_126 = arith.constant 1 : i32
        %while3A_127 = arith.divsi %while3A_124, %while3A_126 : i32
        %while3A_128 = arith.muli %while3A_127, %while3A_126 : i32
        %while3A_129 = arith.addi %while3A_123, %while3A_128 : i32
        %while3A_130 = arith.constant 1 : i32
        scf.for %while3A_132 = %while3A_123 to %while3A_129 step %while3A_130  : i32 {
          %add3A_133 = arith.constant 1 : i32
          %add3A_134 = arith.addi %scan3A_83, %add3A_133 : i32
          %mul3A = arith.constant 4 : i32
          %mul3A_135 = arith.muli %mul3A, %while3A_132 : i32
          %add3A_136 = arith.addi %add3A_134, %mul3A_135 : i32
          %add3A_137 = arith.constant 0 : i32
          %add3A_138 = arith.addi %add3A_136, %add3A_137 : i32
          %lt3A = arith.constant 64 : i32
          %lt3A_139 = arith.cmpi slt, %add3A_138, %lt3A : i32
          %jit3A_140 = arith.constant 63 : i32
          %select_n3A_141 = arith.select %lt3A_139, %add3A_138, %jit3A_140 : i32
          %broadcast_in_dim3A_142 = vector.broadcast %select_n3A_141 : i32 to vector<16xi32>
          %gather3A_143 = tpu.vector_load_idx %arg4[%broadcast_in_dim3A_142, %broadcast_in_dim3A] : memref<64x64xf32, #tpu.memory_space<vmem>>[vector<16xi32>, vector<16xi32>], vector<16xf32>,
          %jit3A_144 = arith.constant 0.000000e+00 : f32
          %broadcast_in_dim3A_145 = vector.broadcast %jit3A_144 : f32 to vector<16xf32>
          %select_n3A_146 = arith.select %lt3A_139, %gather3A_143, %broadcast_in_dim3A_145 : vector<16xf32>
          %add3A_147 = arith.constant 1 : i32
          %add3A_148 = arith.addi %add3A_136, %add3A_147 : i32
          %lt3A_149 = arith.constant 64 : i32
          %lt3A_150 = arith.cmpi slt, %add3A_148, %lt3A_149 : i32
          %jit3A_151 = arith.constant 63 : i32
          %select_n3A_152 = arith.select %lt3A_150, %add3A_148, %jit3A_151 : i32
          %broadcast_in_dim3A_153 = vector.broadcast %select_n3A_152 : i32 to vector<16xi32>
          %gather3A_154 = tpu.vector_load_idx %arg4[%broadcast_in_dim3A_153, %broadcast_in_dim3A] : memref<64x64xf32, #tpu.memory_space<vmem>>[vector<16xi32>, vector<16xi32>], vector<16xf32>,
          %jit3A_155 = arith.constant 0.000000e+00 : f32
          %broadcast_in_dim3A_156 = vector.broadcast %jit3A_155 : f32 to vector<16xf32>
          %select_n3A_157 = arith.select %lt3A_150, %gather3A_154, %broadcast_in_dim3A_156 : vector<16xf32>
          %add3A_158 = arith.constant 2 : i32
          %add3A_159 = arith.addi %add3A_136, %add3A_158 : i32
          %lt3A_160 = arith.constant 64 : i32
          %lt3A_161 = arith.cmpi slt, %add3A_159, %lt3A_160 : i32
          %jit3A_162 = arith.constant 63 : i32
          %select_n3A_163 = arith.select %lt3A_161, %add3A_159, %jit3A_162 : i32
          %broadcast_in_dim3A_164 = vector.broadcast %select_n3A_163 : i32 to vector<16xi32>
          %gather3A_165 = tpu.vector_load_idx %arg4[%broadcast_in_dim3A_164, %broadcast_in_dim3A] : memref<64x64xf32, #tpu.memory_space<vmem>>[vector<16xi32>, vector<16xi32>], vector<16xf32>,
          %jit3A_166 = arith.constant 0.000000e+00 : f32
          %broadcast_in_dim3A_167 = vector.broadcast %jit3A_166 : f32 to vector<16xf32>
          %select_n3A_168 = arith.select %lt3A_161, %gather3A_165, %broadcast_in_dim3A_167 : vector<16xf32>
          %add3A_169 = arith.constant 3 : i32
          %add3A_170 = arith.addi %add3A_136, %add3A_169 : i32
          %lt3A_171 = arith.constant 64 : i32
          %lt3A_172 = arith.cmpi slt, %add3A_170, %lt3A_171 : i32
          %jit3A_173 = arith.constant 63 : i32
          %select_n3A_174 = arith.select %lt3A_172, %add3A_170, %jit3A_173 : i32
          %broadcast_in_dim3A_175 = vector.broadcast %select_n3A_174 : i32 to vector<16xi32>
          %gather3A_176 = tpu.vector_load_idx %arg4[%broadcast_in_dim3A_175, %broadcast_in_dim3A] : memref<64x64xf32, #tpu.memory_space<vmem>>[vector<16xi32>, vector<16xi32>], vector<16xf32>,
          %jit3A_177 = arith.constant 0.000000e+00 : f32
          %broadcast_in_dim3A_178 = vector.broadcast %jit3A_177 : f32 to vector<16xf32>
          %select_n3A_179 = arith.select %lt3A_172, %gather3A_176, %broadcast_in_dim3A_178 : vector<16xf32>
          %get3A_180 = arith.index_cast %select_n3A_141 : i32 to index
          %get3A_181 = arith.constant 48 : index
          %get3A_182 = tpu.vector_load %arg4[%get3A_180, %get3A_181] {strides = array<i32>} : memref<64x64xf32, #tpu.memory_space<vmem>>, vector<16xf32>,
          %mul3A_183 = arith.mulf %select_n3A_146, %select_n3A_97 : vector<16xf32>
          %sub3A_184 = arith.subf %get3A_182, %mul3A_183 : vector<16xf32>
          %swap3A_185 = arith.index_cast %select_n3A_141 : i32 to index
          %swap3A_186 = arith.constant 48 : index
          %swap3A_187 = tpu.vector_load %arg4[%swap3A_185, %swap3A_186] {strides = array<i32>} : memref<64x64xf32, #tpu.memory_space<vmem>>, vector<16xf32>,
          tpu.vector_store %arg4[%swap3A_185, %swap3A_186], %sub3A_184 {strides = array<i32>} : memref<64x64xf32, #tpu.memory_space<vmem>>, vector<16xf32>,
          %get3A_188 = arith.index_cast %select_n3A_152 : i32 to index
          %get3A_189 = arith.constant 48 : index
          %get3A_190 = tpu.vector_load %arg4[%get3A_188, %get3A_189] {strides = array<i32>} : memref<64x64xf32, #tpu.memory_space<vmem>>, vector<16xf32>,
          %mul3A_191 = arith.mulf %select_n3A_157, %select_n3A_97 : vector<16xf32>
          %sub3A_192 = arith.subf %get3A_190, %mul3A_191 : vector<16xf32>
          %swap3A_193 = arith.index_cast %select_n3A_152 : i32 to index
          %swap3A_194 = arith.constant 48 : index
          %swap3A_195 = tpu.vector_load %arg4[%swap3A_193, %swap3A_194] {strides = array<i32>} : memref<64x64xf32, #tpu.memory_space<vmem>>, vector<16xf32>,
          tpu.vector_store %arg4[%swap3A_193, %swap3A_194], %sub3A_192 {strides = array<i32>} : memref<64x64xf32, #tpu.memory_space<vmem>>, vector<16xf32>,
          %get3A_196 = arith.index_cast %select_n3A_163 : i32 to index
          %get3A_197 = arith.constant 48 : index
          %get3A_198 = tpu.vector_load %arg4[%get3A_196, %get3A_197] {strides = array<i32>} : memref<64x64xf32, #tpu.memory_space<vmem>>, vector<16xf32>,
          %mul3A_199 = arith.mulf %select_n3A_168, %select_n3A_97 : vector<16xf32>
          %sub3A_200 = arith.subf %get3A_198, %mul3A_199 : vector<16xf32>
          %swap3A_201 = arith.index_cast %select_n3A_163 : i32 to index
          %swap3A_202 = arith.constant 48 : index
          %swap3A_203 = tpu.vector_load %arg4[%swap3A_201, %swap3A_202] {strides = array<i32>} : memref<64x64xf32, #tpu.memory_space<vmem>>, vector<16xf32>,
          tpu.vector_store %arg4[%swap3A_201, %swap3A_202], %sub3A_200 {strides = array<i32>} : memref<64x64xf32, #tpu.memory_space<vmem>>, vector<16xf32>,
          %get3A_204 = arith.index_cast %select_n3A_174 : i32 to index
          %get3A_205 = arith.constant 48 : index
          %get3A_206 = tpu.vector_load %arg4[%get3A_204, %get3A_205] {strides = array<i32>} : memref<64x64xf32, #tpu.memory_space<vmem>>, vector<16xf32>,
          %mul3A_207 = arith.mulf %select_n3A_179, %select_n3A_97 : vector<16xf32>
          %sub3A_208 = arith.subf %get3A_206, %mul3A_207 : vector<16xf32>
          %swap3A_209 = arith.index_cast %select_n3A_174 : i32 to index
          %swap3A_210 = arith.constant 48 : index
          %swap3A_211 = tpu.vector_load %arg4[%swap3A_209, %swap3A_210] {strides = array<i32>} : memref<64x64xf32, #tpu.memory_space<vmem>>, vector<16xf32>,
          tpu.vector_store %arg4[%swap3A_209, %swap3A_210], %sub3A_208 {strides = array<i32>} : memref<64x64xf32, #tpu.memory_space<vmem>>, vector<16xf32>,
        }
        %while3A_131 = arith.constant 1 : i32
        scf.for %while3A_132 = %while3A_129 to %while3A_125 step %while3A_131  : i32 {
          %add3A_133 = arith.constant 1 : i32
          %add3A_134 = arith.addi %scan3A_83, %add3A_133 : i32
          %mul3A = arith.constant 4 : i32
          %mul3A_135 = arith.muli %mul3A, %while3A_132 : i32
          %add3A_136 = arith.addi %add3A_134, %mul3A_135 : i32
          %add3A_137 = arith.constant 0 : i32
          %add3A_138 = arith.addi %add3A_136, %add3A_137 : i32
          %lt3A = arith.constant 64 : i32
          %lt3A_139 = arith.cmpi slt, %add3A_138, %lt3A : i32
          %jit3A_140 = arith.constant 63 : i32
          %select_n3A_141 = arith.select %lt3A_139, %add3A_138, %jit3A_140 : i32
          %broadcast_in_dim3A_142 = vector.broadcast %select_n3A_141 : i32 to vector<16xi32>
          %gather3A_143 = tpu.vector_load_idx %arg4[%broadcast_in_dim3A_142, %broadcast_in_dim3A] : memref<64x64xf32, #tpu.memory_space<vmem>>[vector<16xi32>, vector<16xi32>], vector<16xf32>,
          %jit3A_144 = arith.constant 0.000000e+00 : f32
          %broadcast_in_dim3A_145 = vector.broadcast %jit3A_144 : f32 to vector<16xf32>
          %select_n3A_146 = arith.select %lt3A_139, %gather3A_143, %broadcast_in_dim3A_145 : vector<16xf32>
          %add3A_147 = arith.constant 1 : i32
          %add3A_148 = arith.addi %add3A_136, %add3A_147 : i32
          %lt3A_149 = arith.constant 64 : i32
          %lt3A_150 = arith.cmpi slt, %add3A_148, %lt3A_149 : i32
          %jit3A_151 = arith.constant 63 : i32
          %select_n3A_152 = arith.select %lt3A_150, %add3A_148, %jit3A_151 : i32
          %broadcast_in_dim3A_153 = vector.broadcast %select_n3A_152 : i32 to vector<16xi32>
          %gather3A_154 = tpu.vector_load_idx %arg4[%broadcast_in_dim3A_153, %broadcast_in_dim3A] : memref<64x64xf32, #tpu.memory_space<vmem>>[vector<16xi32>, vector<16xi32>], vector<16xf32>,
          %jit3A_155 = arith.constant 0.000000e+00 : f32
          %broadcast_in_dim3A_156 = vector.broadcast %jit3A_155 : f32 to vector<16xf32>
          %select_n3A_157 = arith.select %lt3A_150, %gather3A_154, %broadcast_in_dim3A_156 : vector<16xf32>
          %add3A_158 = arith.constant 2 : i32
          %add3A_159 = arith.addi %add3A_136, %add3A_158 : i32
          %lt3A_160 = arith.constant 64 : i32
          %lt3A_161 = arith.cmpi slt, %add3A_159, %lt3A_160 : i32
          %jit3A_162 = arith.constant 63 : i32
          %select_n3A_163 = arith.select %lt3A_161, %add3A_159, %jit3A_162 : i32
          %broadcast_in_dim3A_164 = vector.broadcast %select_n3A_163 : i32 to vector<16xi32>
          %gather3A_165 = tpu.vector_load_idx %arg4[%broadcast_in_dim3A_164, %broadcast_in_dim3A] : memref<64x64xf32, #tpu.memory_space<vmem>>[vector<16xi32>, vector<16xi32>], vector<16xf32>,
          %jit3A_166 = arith.constant 0.000000e+00 : f32
          %broadcast_in_dim3A_167 = vector.broadcast %jit3A_166 : f32 to vector<16xf32>
          %select_n3A_168 = arith.select %lt3A_161, %gather3A_165, %broadcast_in_dim3A_167 : vector<16xf32>
          %add3A_169 = arith.constant 3 : i32
          %add3A_170 = arith.addi %add3A_136, %add3A_169 : i32
          %lt3A_171 = arith.constant 64 : i32
          %lt3A_172 = arith.cmpi slt, %add3A_170, %lt3A_171 : i32
          %jit3A_173 = arith.constant 63 : i32
          %select_n3A_174 = arith.select %lt3A_172, %add3A_170, %jit3A_173 : i32
          %broadcast_in_dim3A_175 = vector.broadcast %select_n3A_174 : i32 to vector<16xi32>
          %gather3A_176 = tpu.vector_load_idx %arg4[%broadcast_in_dim3A_175, %broadcast_in_dim3A] : memref<64x64xf32, #tpu.memory_space<vmem>>[vector<16xi32>, vector<16xi32>], vector<16xf32>,
          %jit3A_177 = arith.constant 0.000000e+00 : f32
          %broadcast_in_dim3A_178 = vector.broadcast %jit3A_177 : f32 to vector<16xf32>
          %select_n3A_179 = arith.select %lt3A_172, %gather3A_176, %broadcast_in_dim3A_178 : vector<16xf32>
          %get3A_180 = arith.index_cast %select_n3A_141 : i32 to index
          %get3A_181 = arith.constant 48 : index
          %get3A_182 = tpu.vector_load %arg4[%get3A_180, %get3A_181] {strides = array<i32>} : memref<64x64xf32, #tpu.memory_space<vmem>>, vector<16xf32>,
          %mul3A_183 = arith.mulf %select_n3A_146, %select_n3A_97 : vector<16xf32>
          %sub3A_184 = arith.subf %get3A_182, %mul3A_183 : vector<16xf32>
          %swap3A_185 = arith.index_cast %select_n3A_141 : i32 to index
          %swap3A_186 = arith.constant 48 : index
          %swap3A_187 = tpu.vector_load %arg4[%swap3A_185, %swap3A_186] {strides = array<i32>} : memref<64x64xf32, #tpu.memory_space<vmem>>, vector<16xf32>,
          tpu.vector_store %arg4[%swap3A_185, %swap3A_186], %sub3A_184 {strides = array<i32>} : memref<64x64xf32, #tpu.memory_space<vmem>>, vector<16xf32>,
          %get3A_188 = arith.index_cast %select_n3A_152 : i32 to index
          %get3A_189 = arith.constant 48 : index
          %get3A_190 = tpu.vector_load %arg4[%get3A_188, %get3A_189] {strides = array<i32>} : memref<64x64xf32, #tpu.memory_space<vmem>>, vector<16xf32>,
          %mul3A_191 = arith.mulf %select_n3A_157, %select_n3A_97 : vector<16xf32>
          %sub3A_192 = arith.subf %get3A_190, %mul3A_191 : vector<16xf32>
          %swap3A_193 = arith.index_cast %select_n3A_152 : i32 to index
          %swap3A_194 = arith.constant 48 : index
          %swap3A_195 = tpu.vector_load %arg4[%swap3A_193, %swap3A_194] {strides = array<i32>} : memref<64x64xf32, #tpu.memory_space<vmem>>, vector<16xf32>,
          tpu.vector_store %arg4[%swap3A_193, %swap3A_194], %sub3A_192 {strides = array<i32>} : memref<64x64xf32, #tpu.memory_space<vmem>>, vector<16xf32>,
          %get3A_196 = arith.index_cast %select_n3A_163 : i32 to index
          %get3A_197 = arith.constant 48 : index
          %get3A_198 = tpu.vector_load %arg4[%get3A_196, %get3A_197] {strides = array<i32>} : memref<64x64xf32, #tpu.memory_space<vmem>>, vector<16xf32>,
          %mul3A_199 = arith.mulf %select_n3A_168, %select_n3A_97 : vector<16xf32>
          %sub3A_200 = arith.subf %get3A_198, %mul3A_199 : vector<16xf32>
          %swap3A_201 = arith.index_cast %select_n3A_163 : i32 to index
          %swap3A_202 = arith.constant 48 : index
          %swap3A_203 = tpu.vector_load %arg4[%swap3A_201, %swap3A_202] {strides = array<i32>} : memref<64x64xf32, #tpu.memory_space<vmem>>, vector<16xf32>,
          tpu.vector_store %arg4[%swap3A_201, %swap3A_202], %sub3A_200 {strides = array<i32>} : memref<64x64xf32, #tpu.memory_space<vmem>>, vector<16xf32>,
          %get3A_204 = arith.index_cast %select_n3A_174 : i32 to index
          %get3A_205 = arith.constant 48 : index
          %get3A_206 = tpu.vector_load %arg4[%get3A_204, %get3A_205] {strides = array<i32>} : memref<64x64xf32, #tpu.memory_space<vmem>>, vector<16xf32>,
          %mul3A_207 = arith.mulf %select_n3A_179, %select_n3A_97 : vector<16xf32>
          %sub3A_208 = arith.subf %get3A_206, %mul3A_207 : vector<16xf32>
          %swap3A_209 = arith.index_cast %select_n3A_174 : i32 to index
          %swap3A_210 = arith.constant 48 : index
          %swap3A_211 = tpu.vector_load %arg4[%swap3A_209, %swap3A_210] {strides = array<i32>} : memref<64x64xf32, #tpu.memory_space<vmem>>, vector<16xf32>,
          tpu.vector_store %arg4[%swap3A_209, %swap3A_210], %sub3A_208 {strides = array<i32>} : memref<64x64xf32, #tpu.memory_space<vmem>>, vector<16xf32>,
        }
      }
      %scan3A_82 = arith.constant 16 : i32
      "tpu.region"() ({
        %run_scoped3A = tpu.sem_alloc : memref<!tpu.dma_semaphore, #tpu.memory_space<semaphore_mem>>
        %dma_start3A = arith.constant 0 : i32
        %dma_start3A_83 = arith.constant 0 : i32
        %dma_start3A_84 = tpu.memref_slice %arg3[%arg1, %dma_start3A, %dma_start3A_83] : memref<9x64x64xf32, #tpu.memory_space<hbm>> -> memref<1x64x64xf32, #tpu.memory_space<hbm>>
        %dma_start3A_85 = tpu.memref_squeeze %dma_start3A_84 : memref<1x64x64xf32, #tpu.memory_space<hbm>> -> memref<64x64xf32, #tpu.memory_space<hbm>>
        %dma_start3A_86 = arith.constant 0 : i32
        %dma_start3A_87 = arith.constant 0 : i32
        %dma_start3A_88 = tpu.memref_slice %arg3[%arg1, %dma_start3A_86, %dma_start3A_87] : memref<9x64x64xf32, #tpu.memory_space<hbm>> -> memref<1x64x64xf32, #tpu.memory_space<hbm>>
        %dma_start3A_89 = tpu.memref_squeeze %dma_start3A_88 : memref<1x64x64xf32, #tpu.memory_space<hbm>> -> memref<64x64xf32, #tpu.memory_space<hbm>>
        tpu.enqueue_dma source(%arg4 : memref<64x64xf32, #tpu.memory_space<vmem>>) target(%dma_start3A_89 : memref<64x64xf32, #tpu.memory_space<hbm>>) target_semaphore(%run_scoped3A : memref<!tpu.dma_semaphore, #tpu.memory_space<semaphore_mem>>)
        %dma_wait3A = arith.constant 0 : i32
        %dma_wait3A_90 = arith.constant 0 : i32
        %dma_wait3A_91 = tpu.memref_slice %arg3[%arg1, %dma_wait3A, %dma_wait3A_90] : memref<9x64x64xf32, #tpu.memory_space<hbm>> -> memref<1x64x64xf32, #tpu.memory_space<hbm>>
        %dma_wait3A_92 = tpu.memref_squeeze %dma_wait3A_91 : memref<1x64x64xf32, #tpu.memory_space<hbm>> -> memref<64x64xf32, #tpu.memory_space<hbm>>
        %dma_wait3A_93 = arith.constant 0 : i32
        %dma_wait3A_94 = arith.constant 0 : i32
        %dma_wait3A_95 = tpu.memref_slice %arg3[%arg1, %dma_wait3A_93, %dma_wait3A_94] : memref<9x64x64xf32, #tpu.memory_space<hbm>> -> memref<1x64x64xf32, #tpu.memory_space<hbm>>
        %dma_wait3A_96 = tpu.memref_squeeze %dma_wait3A_95 : memref<1x64x64xf32, #tpu.memory_space<hbm>> -> memref<64x64xf32, #tpu.memory_space<hbm>>
        tpu.wait_dma2 semaphore(%run_scoped3A : memref<!tpu.dma_semaphore, #tpu.memory_space<semaphore_mem>>) src(%arg4 : memref<64x64xf32, #tpu.memory_space<vmem>>) dst(%dma_wait3A_96 : memref<64x64xf32, #tpu.memory_space<hbm>>)
        tpu.yield
      }) : () -> ()
    } else {
    }
    return
  }
}

</mosaic_0001>

<sc_bundles>
// kernel: kernel.3.cloned.1.call-start
scs
__scs_entry_jumppad:
0x0: {  	(pc) =	sbr.rel $0x88, $3  }
0x1: {  	(tag) =	ssettag $0x0;
	lr =	simm.s32 $0x1  }
0x2: {  	[smem:$0x3FA0] =	sst lr;
	_ =	strace $0xD0000000  }
0x3: {  	_ = 	snop  }
0x4: {  	_ = 	snop  }
0x5: {  	_ = 	snop  }
0x6: {  	_ = 	snop  }
0x7: {  	_ = 	snop  }
__scs_overlays_trampoline_lowered:
0x8: {  	[smem:$0x3FAF] =	sst s0  }
0x9: {  	[smem:$0x3FB0] =	sst s1  }
0xa: {  	[smem:$0x3FB1] =	sst s2  }
0xb: {  	[smem:$0x3FB2] =	sst s3  }
0xc: {  	[smem:$0x3FB3] =	sst s4  }
0xd: {  	[smem:$0x3FB4] =	sst s5  }
0xe: {  	[smem:$0x3FB5] =	sst s6  }
0xf: {  	[smem:$0x3FB6] =	sst s7  }
0x10: {  	[smem:$0x3FB7] =	sst s8  }
0x11: {  	[smem:$0x3FB8] =	sst s9;
	s0 =	simm.s32 @!p0 $0x0  }
0x12: {  	s1 =	sld [smem:$0x3F9E];
	s0 =	simm.s32 @p0 $0x1  }
0x13: {  	[smem:$0x3FB9] =	sst s0;
	s0 =	simm.s32 @!p1 $0x0  }
0x14: {  	s2 =	sld [smem:$0x3F9D];
	s0 =	simm.s32 @p1 $0x1  }
0x15: {  	[smem:$0x3FBA] =	sst s0;
	s0 =	simm.s32 @!p2 $0x0  }
0x16: {  	s3 =	sld [smem:$0x3FDB];
	s0 =	simm.s32 @p2 $0x1  }
0x17: {  	s4 =	simm.s32 $0x1BF5;
	[smem:$0x3FBC] =	sst s0  }
0x18: {  	s0 =	sld [smem:$0x3F9F];
	_ =	swait.ge [sflag:s4], $0x0  }
0x19: {  	s7 =	sld [smem:$0x3FA0]  }
0x1a: {  	s8 =	sadd.s32 $0xFFFFE003, lr  }
0x1b: {  	s9 =	sadd.s32 $0xFFFFFEF7, lr;
	s5 =	simm.s32 $0xFFFFFFFF;
	p2 =	slt.u32 s8, $0xFFFFF086  }
0x1c: {  	p1 =	slt.u32 s9, $0xF7A;
	s5 =	simm.s32 @!p2 $0x0  }
0x1d: {  	s5 =	simm.s32 @p1 $0x1;
	p0 =	seq.s32 s7, s2  }
0x1e: {  	s7 =	smul.u32 @!p0 $0xF7A, s2;
	p2 =	seq.s32 @!p0 s5, $0x0  }
0x1f: {  	s9 =	smul.u32 $0xF7A, s1;
	s8 =	simm.s32 @!p0 $0x1BF5;
	p2 =	por !p2, p0  }
0x20: {  	[sflag:s8] =	ssyncset.s32 @!p0 $0xFFFFF086;
	s6 =	sadd.s32 @!p0 s3, s7;
	s7 =	simm.s32 @!p0 $0x108  }
0x21: {  	s3 =	sadd.s32 s3, s9;
	s6 =	sadd.s32 @!p0 $0x88, s6;
	s7 =	simm.s32 @p2 $0x1082  }
0x22: {  	[simem:s7], [sflag:s8] =	dma.local @!p0 [hbm:s6], $0xF7A  }
0x23: {  	s9 =	sor.u32 $0xD0000000, s2;
	s6 =	simm.s32 $0x108;
	_ =	swait.ge @!p0 [sflag:s8], $0x0  }
0x24: {  	s3 =	sadd.s32 $0x88, s3;
	s6 =	simm.s32 @!p1 $0x1082;
	[sflag:s4] =	ssyncset.s32 $0xFFFFF086  }
0x25: {  	[simem:s6], [sflag:s4] =	dma.local [hbm:s3], $0xF7A  }
0x26: {  	[smem:$0x3FA0] =	sst s1;
	(tag) =	ssettag s2;
	_ =	strace s9  }
0x27: {  	s1 =	sld [smem:$0x3FB0]  }
0x28: {  	s2 =	sld [smem:$0x3FB1]  }
0x29: {  	s4 =	sld [smem:$0x3FB3]  }
0x2a: {  	p0 =	seq.s32 s5, $0x0;
	s5 =	sld [smem:$0x3FB4]  }
0x2b: {  	s6 =	sld [smem:$0x3FB5]  }
0x2c: {  	s7 =	sld [smem:$0x3FB6]  }
0x2d: {  	s3 =	simm.s32 $0x108;
	s8 =	sld [smem:$0x3FB7]  }
0x2e: {  	s3 =	simm.s32 @!p0 $0x1082;
	s9 =	sld [smem:$0x3FB8]  }
0x2f: {  	lr =	sadd.s32 s0, s3;
	s0 =	sld [smem:$0x3FAF]  }
0x30: {  	s3 =	sld [smem:$0x3FB2]  }
0x31: {  	[smem:$0x3FBB] =	sst s10  }
0x32: {  	s10 =	sld [smem:$0x3FB9];
	_ =	sdelay $0x3  }
0x33: {  	p0 =	seq.s32 s10, $0x1;
	s10 =	sld [smem:$0x3FBB];
	_ =	sdelay $0x3  }
0x34: {  	[smem:$0x3FBB] =	sst s10  }
0x35: {  	s10 =	sld [smem:$0x3FBA];
	_ =	sdelay $0x3  }
0x36: {  	p1 =	seq.s32 s10, $0x1;
	s10 =	sld [smem:$0x3FBB];
	_ =	sdelay $0x3  }
0x37: {  	[smem:$0x3FBB] =	sst s10  }
0x38: {  	s10 =	sld [smem:$0x3FBC]  }
0x39: {  	_ = 	snop;
	(pc) =	sbr.ind lr, $3  }
0x3a: {  	_ = 	snop  }
0x3b: {  	_ = 	snop  }
0x3c: {  	p2 =	seq.s32 s10, $0x1;
	s10 =	sld [smem:$0x3FBB]  }
0x3d: {  	_ =	shalt  }
0x3e: {  	_ =	shalt  }
0x3f: {  	_ =	shalt  }
0x40: {  	_ =	shalt  }
0x41: {  	_ =	shalt  }
0x42: {  	_ =	shalt  }
0x43: {  	_ =	shalt  }
0x44: {  	_ =	shalt  }
0x45: {  	_ =	shalt  }
0x46: {  	_ =	shalt  }
0x47: {  	_ =	shalt  }
0x48: {  	_ =	shalt  }
0x49: {  	_ =	shalt  }
0x4a: {  	_ =	shalt  }
0x4b: {  	_ =	shalt  }
0x4c: {  	_ =	shalt  }
0x4d: {  	_ =	shalt  }
0x4e: {  	_ =	shalt  }
0x4f: {  	_ =	shalt  }
0x50: {  	_ =	shalt  }
0x51: {  	_ =	shalt  }
0x52: {  	_ =	shalt  }
0x53: {  	_ =	shalt  }
0x54: {  	_ =	shalt  }
0x55: {  	_ =	shalt  }
0x56: {  	_ =	shalt  }
0x57: {  	_ =	shalt  }
0x58: {  	_ =	shalt  }
0x59: {  	_ =	shalt  }
0x5a: {  	_ =	shalt  }
0x5b: {  	_ =	shalt  }
0x5c: {  	_ =	shalt  }
0x5d: {  	_ =	shalt  }
0x5e: {  	_ =	shalt  }
0x5f: {  	_ =	shalt  }
0x60: {  	_ =	shalt  }
0x61: {  	_ =	shalt  }
0x62: {  	_ =	shalt  }
0x63: {  	_ =	shalt  }
0x64: {  	_ =	shalt  }
0x65: {  	_ =	shalt  }
0x66: {  	_ =	shalt  }
0x67: {  	_ =	shalt  }
0x68: {  	_ =	shalt  }
0x69: {  	_ =	shalt  }
0x6a: {  	_ =	shalt  }
0x6b: {  	_ =	shalt  }
0x6c: {  	_ =	shalt  }
0x6d: {  	_ =	shalt  }
0x6e: {  	_ =	shalt  }
0x6f: {  	_ =	shalt  }
0x70: {  	_ =	shalt  }
0x71: {  	_ =	shalt  }
0x72: {  	_ =	shalt  }
0x73: {  	_ =	shalt  }
0x74: {  	_ =	shalt  }
0x75: {  	_ =	shalt  }
0x76: {  	_ =	shalt  }
0x77: {  	_ =	shalt  }
0x78: {  	_ =	shalt  }
0x79: {  	_ =	shalt  }
0x7a: {  	_ =	shalt  }
0x7b: {  	_ =	shalt  }
0x7c: {  	_ =	shalt  }
0x7d: {  	_ =	shalt  }
0x7e: {  	_ =	shalt  }
0x7f: {  	_ =	shalt  }
0x80: {  	_ =	shalt  }
0x81: {  	_ =	shalt  }
0x82: {  	_ =	shalt  }
0x83: {  	_ =	shalt  }
0x84: {  	_ =	shalt  }
0x85: {  	_ =	shalt  }
0x86: {  	_ =	shalt  }
0x87: {  	_ =	shalt  }
.Lfunc_end0:
.L_simem_size_0:
called_computation_lowered:
.L_overlay_start_0:
0x88: {  	s2 =	sld [smem:$0x3FD9]  }
0x89: {  	s3 =	sld [smem:$0x3FFE];
	_ =	sdelay $0x1  }
0x8a: {  	s1 =	srdreg.scid  }
0x8b: {  	s0 =	sand.u32 $0x1, s1  }
0x8c: {  	s18 =	sshll.u32 s0, $0xA;
	s2 =	sadd.s32 s3, s2  }
0x8d: {  	s2 =	sadd.s32 s2, s18  }
0x8e: {  	[smem:$0x3FC7] =	sst s2  }
0x8f: {  	_ = 	snop  }
0x90: {  	s2 =	sld [smem:$0x3FC9]  }
0x91: {  	s19 =	sld [smem:$0x3FD0];
	(tm) =	ssettm $0x1  }
0x92: {  	s4 =	sld [smem:$0x3FFB];
	_ =	sdelay $0x3  }
0x93: {  	_ =	strace s4  }
0x94: {  	s4 =	sld [smem:$0x3FFC];
	_ =	sdelay $0x3  }
0x95: {  	_ =	strace s4  }
0x96: {  	s4 =	sld [smem:$0x3FFD];
	_ =	sdelay $0x3  }
0x97: {  	_ =	strace s4  }
0x98: {  	_ =	strace $0x8FFFFFFF  }
0x99: {  	s20 =	sld [smem:$0x3FDB];
	_ =	sdelay $0x1  }
0x9a: {  	s5 =	simm.s32 $_scs_section_size  }
0x9b: {  	s6 =	simm.s32 $_size__tile_overlayer_lowered;
	s7 =	simm.s32 $_tile_overlayer_lowered  }
0x9c: {  	s23 =	simm.s32 $0x1BFF;
	s22 =	sshll.u32 s7, $0x1;
	s4 =	sadd.s32 s5, s20  }
0x9d: {  	s8 =	simm.s32 $0x0;
	s21 =	sshll.u32 s6, $0x1;
	s6 =	sadd.s32 s22, s4  }
0x9e: {  	[timem:s8], [sflag:s23] =	dma.local [hbm:s6], s21  }
0x9f: {  	_ =	swait.ge [sflag:s23], s21  }
0xa0: {  	s5 =	ssub.s32 $0x0, s21;
	[sflag:s23] =	ssyncset.done $0x0  }
0xa1: {  	[sflag:s23] =	ssyncadd.s32 s5;
	_ =	sdelay $0x1  }
0xa2: {  	s24 =	simm.s32 $0x1B8B  }
0xa3: {  	_ =	swait.ge [sflag:s24], $0x1  }
0xa4: {  	[sflag:s24] =	ssyncset.done $0x0  }
0xa5: {  	s25 =	simm.s32 $0x1B8E;
	[sflag:s24] =	ssyncadd.s32 $0xFFFFFFFF  }
0xa6: {  	s26 =	simm.s32 $execute0_lowered;
	[smem:$0x3FD2] =	sst s25  }
0xa7: {  	s5 =	sshll.u32 s26, $0x1;
	_ =	strace $0x80000046;
	[dreg:$0x1] =	wrdreg $0xFFFFFFFF  }
0xa8: {  	s28 =	simm.s32 $_size_execute0_lowered;
	s4 =	sadd.s32 s4, s5;
	[dreg:$0x0] =	wrdreg $0x0  }
0xa9: {  	s5 =	sshll.u32 s28, $0x1;
	[dreg:$0x2] =	wrdreg s4  }
0xaa: {  	[dreg:$0x3] =	wrdreg s5  }
0xab: {  	[dreg:$0x4] =	wrdreg $0xC0  }
0xac: {  	_ =	task [dreg:s8], $0x5FFFF  }
0xad: {  	[dreg:$0x1] =	wrdreg $0xFFFFFFFF  }
0xae: {  	[dreg:$0x0] =	wrdreg $0x60  }
0xaf: {  	[dreg:$0x2] =	wrdreg s2  }
0xb0: {  	[dreg:$0x3] =	wrdreg s19  }
0xb1: {  	[dreg:$0x4] =	wrdreg $0x28000  }
0xb2: {  	[dreg:$0x5] =	wrdreg $0x9  }
0xb3: {  	_ =	task.clear_ibuf [dreg:s8], $0x6FFFF;
	_ =	strace $0x90000046  }
0xb4: {  	s29 =	simm.s32 $0x9;
	_ =	strace $0x80000048  }
0xb5: {  	_ =	swait.ge [sflag:s29], $0x1  }
0xb6: {  	[sflag:s29] =	ssyncadd.s32 $0xFFFFFFFF  }
0xb7: {  	_ =	strace $0x90000048  }
0xb8: {  	_ =	sfence  }
0xb9: {  	s30 =	sld [smem:$0x0];
	_ =	sdelay $0x2  }
0xba: {  	s31 =	sshll.u32 s1, $0xD;
	s1 =	sshrl.u32 s1, $0x2  }
0xbb: {  	s3 =	sand.u32 $0x4000, s31;
	s1 =	sadd.s32 s1, s30  }
0xbc: {  	s0 =	sor.u32 s3, s0;
	s1 =	sshll.u32 s1, $0x11  }
0xbd: {  	s0 =	sor.u32 s1, s0  }
0xbe: {  	s0 =	sadd.s32 $0x8F2B, s0  }
0xbf: {  	[sflag:s0] =	ssyncadd.remote.s32 $0x1  }
0xc0: {  	_ =	sfence.sel $0xFFFF  }
0xc1: {  	[dreg:$0x0] =	wrdreg $0xFFFFFFFF;
	(pc) =	sbr.abs _section_cstart, $3  }
0xc2: {  	[dreg:$0x1] =	wrdreg $0xFFFFFFFF  }
0xc3: {  	_ =	task.clear_ibuf [dreg:s8], $0x2FFFF;
	_ =	strace $0x9FFFFFFF  }
0xc4: {  	(tm) =	ssettm $0x7FFFFFFF  }
0xc5: {  	_ =	shalt  }
tec
execute0_lowered:
.L_overlay_start_1:
0x0: {  	(tag) =	ssettag $0x1  }
0x1: {  	s1 =	rddreg [dreg:$0x0]  }
0x2: {  	s0 =	rddreg [dreg:$0x1]  }
0x3: {  	s7 =	rddreg [dreg:$0x2]  }
0x4: {  	s3 =	simm.s32 $0x0;
	s2 =	srdreg.scid;
	s11 =	stileid.u32  }
0x5: {  	s4 =	simm.s32 $0x3;
	s5 =	simm.s32 $0x3;
	s12 =	simm.s32 $0x2  }
0x6: {  	s17 =	simm.s32 $0x1;
	s19 =	simm.s32 $0x2000;
	s20 =	simm.s32 $0x2400  }
0x7: {  	s21 =	simm.s32 $0x80000;
	s22 =	simm.s32 $0x0;
	[smem:$0x7FF] =	sst s3  }
0x8: {  	s2 =	sand.u32 $0x1, s2;
	p0 =	slt.u32 s11, $0x9;
	p1 =	seq.s32 s11, $0x3  }
0x9: {  	p3 =	seq.s32 s11, $0x7;
	p4 =	seq.s32 s11, $0x6;
	p6 =	seq.s32 s11, $0x4  }
0xa: {  	s10 =	sshll.u32 s11, $0xA;
	s16 =	sadd.s32 $0x1000, s0;
	s30 =	sadd.s32 $0xC00, s7  }
0xb: {  	s31 =	sadd.s32 $0x1C00, s7;
	s18 =	sshll.u32 s11, $0x10;
	s6 =	ssub.s32 $0x2, s2  }
0xc: {  	p2 =	seq.s32 s2, $0x0;
	s4 =	simm.s32 @!p4 $0x0;
	p4 =	slt.u32 s11, $0x3  }
0xd: {  	p5 =	por p1, p3;
	_ =	strace $0x80000047;
	s8 =	sadd.s32 s1, s10  }
0xe: {  	s12 =	simm.s32 @!p1 $0x3;
	s9 =	sadd.s32 s10, s7;
	[dreg:$0x6] =	wrdreg s30  }
0xf: {  	[dreg:$0x7] =	wrdreg s31;
	s0 =	sadd.s32 s0, s10;
	s26 =	sshrl.u32 s6, $0x1  }
0x10: {  	p0 =	por !p2, !p0;
	s5 =	simm.s32 @!p4 $0x7;
	p4 =	seq.s32 s11, $0x2  }
0x11: {  	p5 =	por !p2, !p5;
	s28 =	sshll.u32 s12, $0x7;
	s13 =	sadd.s32 $0xFFFFF800, s9  }
0x12: {  	s29 =	sadd.s32 $0xFFFFFC00, s9;
	[dreg:$0x8] =	wrdreg s0;
	s4 =	simm.s32 @p4 $0x2  }
0x13: {  	p4 =	seq.s32 s11, $0x0;
	s5 =	simm.s32 @p1 $0x8;
	p0 =	por !p0, !p0  }
0x14: {  	s2 =	ssub.s32 s6, s26;
	s5 =	simm.s32 @p4 $0x8;
	p4 =	seq.s32 s11, $0x8  }
0x15: {  	p4 =	por !p2, !p4;
	p2 =	por !p2, !p6;
	p6 =	sne.s32 s11, $0x4  }
0x16: {  	v0 =	vimm.s32 $0x0;
	vm0 =	vcmask $0x704;
	s6 =	simm.s32 @!p0 $0x0;
	s5 =	simm.s32 @p3 $0x8;
	p3 =	por !p6, !p0  }
0x17: {  	v0 =	vsel vm0, $0x1, v0;
	[dreg:$0x4] =	wrdreg s13;
	s6 =	simm.s32 @p0 $0x1;
	p0 =	por !p3, !p3  }
0x18: {  	v1 =	vmov s12;
	v2 =	vadd.s32 s12, v0;
	s12 =	simm.s32 $0x2;
	[smem:$0x7FA] =	sst s6;
	s6 =	simm.s32 @!p0 $0x0  }
0x19: {  	[dreg:$0x5] =	wrdreg s29;
	s6 =	simm.s32 @p0 $0x1;
	p0 =	por !p5, !p5  }
.Ltmp0:
0x1a: {  	v4 =	vimm.s32 $0x81;
	vm1 =	vmmov $0x1;
	[smem:$0x7FB] =	sst s6;
	s6 =	simm.s32 @!p0 $0x0;
	(pc) =	sbr.rel .LBB2_1-.Ltmp0, $4  }
0x1b: {  	vm0 =	vmmov $0x3;
	v0 =	vlaneseq.u32;
	v1 =	vshll.u32 v1, $0x7;
	s1 =	sadd.s32 $0x80, s28;
	s6 =	simm.s32 @p0 $0x1;
	p0 =	por !p4, !p4  }
0x1c: {  	v3 =	vmul.u32 $0x80, v0;
	v1 =	vor.u32 v2, v1;
	v2 =	vor.u32 s1, v2;
	s1 =	smax.u32 s2, $0x1;
	[smem:$0x7FC] =	sst s6;
	s6 =	simm.s32 @!p0 $0x0  }
0x1d: {  	v8 =	vor.u32 $0x10, v0;
	v9 =	vor.u32 $0x20, v0;
	v10 =	vor.u32 $0x30, v0;
	[dreg:$0x9] =	wrdreg s1;
	p5 =	sgt.u32 s11, $0x7;
	s6 =	simm.s32 @p0 $0x1  }
0x1e: {  	v5 =	vor.u32 $0x800, v3;
	v6 =	vor.u32 $0x1000, v3;
	v7 =	vor.u32 $0x1800, v3;
	p4 =	por !p2, !p2;
	[smem:$0x7FD] =	sst s6;
	s6 =	simm.s32 $0x3  }
.LBB2_41:
0x1f: {  	s0 =	rddreg [dreg:$0x8]  }
0x20: {  	[hbm4b:s0+s3] =	stream.linear.scatter [tilespmem:s3], [sflag:$0x3], $0x2000, $0x38;
	[tilespmem:$0x2920] =	vst v63  }
0x21: {  	_ =	swait.ge [sflag:s6], $0x2000  }
0x22: {  	[sflag:s6] =	ssyncset.done $0x0  }
0x23: {  	s1 =	rddreg [dreg:$0x9];
	[sflag:s6] =	ssyncadd.s32 $0xFFFFE000  }
.LBB2_42:
0x24: {  	s22 =	sadd.s32 $0x1, s22  }
0x25: {  	p0 =	sne.s32 s22, s1  }
.Ltmp1:
0x26: {  	_ = 	snop;
	(pc) =	sbr.rel @!p0 .LBB2_43-.Ltmp1, $1  }
0x27: {  	_ =	sdelay $0x3  }
.LBB2_1:
0x28: {  	[smem:$0x0] =	sst s3  }
0x29: {  	[bflag:$0x0] =	sbarrier.arrive $0xFFFF  }
0x2a: {  	s0 =	sld [smem:$0x7FA];
	_ =	sdelay $0x2  }
0x2b: {  	p0 =	seq.s32 s0, $0x1  }
0x2c: {  	s0 =	simm.s32 @p0 $0x0  }
0x2d: {  	[tilespmem:s0], [sflag:$0x3] =	stream.linear.gather @p0 [hbm4b:s8+s0], $0x2000, $0x38;
	[tilespmem:$0x2920] =	vst v63  }
0x2e: {  	s0 =	simm.s32 @p0 $0x3  }
0x2f: {  	_ =	swait.ge @p0 [sflag:s0], $0x2000  }
0x30: {  	[sflag:s0] =	ssyncset.done @p0 $0x0  }
0x31: {  	[sflag:s0] =	ssyncadd.s32 @p0 $0xFFFFE000;
	s0 =	simm.s32 @p4 $0x0  }
0x32: {  	[hbm4b:s16+s0] =	stream.linear.scatter @p4 [tilespmem:s0], [sflag:$0x3], $0x2000, $0x38;
	[tilespmem:$0x2920] =	vst v63  }
0x33: {  	s0 =	simm.s32 @p4 $0x3  }
0x34: {  	_ =	swait.ge @p4 [sflag:s0], $0x2000  }
0x35: {  	s31 =	sld [smem:$0x7FC];
	_ =	sdelay $0x2  }
0x36: {  	p0 =	seq.s32 s31, $0x1  }
.Ltmp2:
0x37: {  	_ = 	snop;
	(pc) =	sbr.rel @!p0 .LBB2_4-.Ltmp2, $3  }
0x38: {  	_ =	sdelay $0x1  }
0x39: {  	[sflag:s0] =	ssyncset.done @p4 $0x0  }
0x3a: {  	[sflag:s0] =	ssyncadd.s32 @p4 $0xFFFFE000  }
.LBB2_2:
0x3b: {  	[sflag:s17] =	ssyncset.done $0x0  }
0x3c: {  	[smem:s18], [sflag:$0x1] =	smem.add.s32 $0x0  }
0x3d: {  	_ =	swait.done [sflag:s17]  }
0x3e: {  	s0 =	ssyncread [sflag:$0x1];
	_ =	sdelay $0x2  }
0x3f: {  	p1 =	slt.s32 s0, $0x2  }
.Ltmp3:
0x40: {  	_ = 	snop;
	(pc) =	sbr.rel @p1 .LBB2_2-.Ltmp3, $3  }
0x41: {  	_ =	sdelay $0x1  }
0x42: {  	[sflag:s17] =	ssyncset.s32 $0x0  }
0x43: {  	[sflag:s17] =	ssyncset.done $0x0  }
0x44: {  	s0 =	rddreg [dreg:$0x4]  }
0x45: {  	[tilespmem:s19], [sflag:$0x3] =	stream.linear.gather [spmem:s0], $0x400, $0x38;
	[tilespmem:$0x2920] =	vst v63  }
0x46: {  	_ =	swait.ge [sflag:s6], $0x400  }
0x47: {  	[sflag:s6] =	ssyncset.done $0x0  }
0x48: {  	s31 =	rddreg [dreg:$0x5];
	[sflag:s6] =	ssyncadd.s32 $0xFFFFFC00  }
0x49: {  	[tilespmem:s20], [sflag:$0x3] =	stream.linear.gather [spmem:s31], $0x400, $0x38;
	[tilespmem:$0x2920] =	vst v63  }
0x4a: {  	_ =	swait.ge [sflag:s6], $0x400  }
0x4b: {  	[sflag:s6] =	ssyncset.done $0x0  }
0x4c: {  	[sflag:s6] =	ssyncadd.s32 $0xFFFFFC00  }
0x4d: {  	v11 =	vld.idx.msk [tilespmem:v1+s20+$0x0], $0xffff  }
0x4e: {  	v12 =	vld.idx.msk [tilespmem:v4+s19+$0x0], $0xffff  }
0x4f: {  	v13 =	vld.idx.msk [tilespmem:v2+s20+$0x0], $0xffff  }
0x50: {  	v15 =	vld [tilespmem:$0x80]  }
0x51: {  	v14 =	vld [tilespmem:$0x0];
	_ =	sdelay $0x1  }
0x52: {  	v11 =	vnsel vm0, $0x0, v11;
	v12 =	vnsel vm1, $0x0, v12  }
0x53: {  	v63 =	vnsel vm0, $0x0, v13;
	v11 =	vadd.f32 v12, v11  }
0x54: {  	v12 =	vsub.f32 v15, v63  }
0x55: {  	v11 =	vsub.f32 v14, v11  }
0x56: {  	[tilespmem:$0x80] =	vst v12  }
0x57: {  	[tilespmem:$0x0] =	vst v11  }
.LBB2_4:
0x58: {  	s0 =	sld [smem:$0x7FD];
	_ =	sdelay $0x2  }
0x59: {  	p0 =	seq.s32 s0, $0x1  }
.Ltmp4:
0x5a: {  	_ = 	snop;
	(pc) =	sbr.rel @!p0 .LBB2_7-.Ltmp4, $1  }
0x5b: {  	_ =	sdelay $0x3  }
.LBB2_5:
0x5c: {  	[sflag:s12] =	ssyncset.done $0x0  }
0x5d: {  	[smem:s21], [sflag:$0x2] =	smem.add.s32 $0x0  }
0x5e: {  	_ =	swait.done [sflag:s12]  }
0x5f: {  	s0 =	ssyncread [sflag:$0x2];
	_ =	sdelay $0x2  }
0x60: {  	p1 =	slt.s32 s0, $0x3  }
.Ltmp5:
0x61: {  	_ = 	snop;
	(pc) =	sbr.rel @p1 .LBB2_5-.Ltmp5, $3  }
0x62: {  	_ =	sdelay $0x1  }
0x63: {  	[sflag:s12] =	ssyncset.s32 $0x0  }
0x64: {  	[sflag:s12] =	ssyncset.done $0x0  }
0x65: {  	s0 =	rddreg [dreg:$0x2]  }
0x66: {  	[tilespmem:s19], [sflag:$0x3] =	stream.linear.gather [spmem:s0], $0x400, $0x38;
	[tilespmem:$0x2920] =	vst v63  }
0x67: {  	_ =	swait.ge [sflag:s6], $0x400  }
0x68: {  	[sflag:s6] =	ssyncset.done $0x0  }
0x69: {  	s30 =	rddreg [dreg:$0x6];
	[sflag:s6] =	ssyncadd.s32 $0xFFFFFC00  }
0x6a: {  	[tilespmem:s20], [sflag:$0x3] =	stream.linear.gather [spmem:s30], $0x400, $0x38;
	[tilespmem:$0x2920] =	vst v63  }
0x6b: {  	_ =	swait.ge [sflag:s6], $0x400  }
0x6c: {  	[sflag:s6] =	ssyncset.done $0x0  }
0x6d: {  	[sflag:s6] =	ssyncadd.s32 $0xFFFFFC00  }
0x6e: {  	s31 =	rddreg [dreg:$0x7];
	v11 =	vld.idx.msk [tilespmem:v4+s19+$0x0], $0xffff  }
0x6f: {  	v12 =	vld.idx.msk [tilespmem:v4+s20+$0x0], $0xffff;
	[tilespmem:s19], [sflag:$0x3] =	stream.linear.gather [spmem:s31], $0x400, $0x38  }
0x70: {  	_ =	swait.ge [sflag:s6], $0x400  }
0x71: {  	[sflag:s6] =	ssyncset.done $0x0  }
0x72: {  	[sflag:s6] =	ssyncadd.s32 $0xFFFFFC00  }
0x73: {  	v13 =	vld.idx.msk [tilespmem:v4+s19+$0x0], $0xffff;
	_ =	sdelay $0x2  }
0x74: {  	v63 =	vld [tilespmem:$0x0];
	v11 =	vadd.f32 v12, v11;
	_ =	sdelay $0x1  }
0x75: {  	v11 =	vadd.f32 v13, v11;
	_ =	sdelay $0x1  }
0x76: {  	v11 =	vnsel vm1, $0x0, v11  }
0x77: {  	v11 =	vsub.f32 v63, v11;
	_ =	sdelay $0x1  }
0x78: {  	[tilespmem:$0x0] =	vst v11  }
.LBB2_7:
0x79: {  	s0 =	sld [smem:$0x7FB];
	_ =	sdelay $0x2  }
0x7a: {  	p0 =	seq.s32 s0, $0x1  }
.Ltmp6:
0x7b: {  	_ = 	snop;
	(pc) =	sbr.rel @!p0 .LBB2_42-.Ltmp6, $1  }
0x7c: {  	_ =	sdelay $0x3  }
.Ltmp7:
0x7d: {  	(pc) =	sbr.rel .LBB2_9-.Ltmp7, $2  }
0x7e: {  	_ =	sdelay $0x2  }
0x7f: {  	s23 =	simm.s32 $0x0;
	s24 =	simm.s32 $0x42;
	s25 =	simm.s32 $0x1  }
.LBB2_11:
0x80: {  	s28 =	smov.u32 s25  }
.LBB2_16:
0x81: {  	v18 =	vsub.f32 @p1 v18, v22;
	v22 =	vmul.f32 @p1 v16, v12  }
0x82: {  	v16 =	vmul.f32 @p1 v16, v13;
	v17 =	vsub.f32 @p1 v19, v17  }
0x83: {  	[tilespmem:s26+$0x190] =	vst @p1 v18;
	v18 =	vsub.f32 @p1 v20, v22  }
0x84: {  	[tilespmem:s26+$0x180] =	vst @p1 v17;
	v16 =	vsub.f32 @p1 v21, v16  }
0x85: {  	[tilespmem:s26+$0x1A0] =	vst @p1 v18  }
0x86: {  	[tilespmem:s26+$0x1B0] =	vst @p1 v16  }
0x87: {  	s1 =	sshll.u32 s1, $0x7;
	v15 =	vld.idx.msk [tilespmem:v15+s3+$0x0], $0xffff  }
0x88: {  	s0 =	smin.u32 s28, $0x3C;
	s10 =	sshll.u32 s31, $0x7;
	s11 =	sadd.s32 $0x100, s1  }
0x89: {  	s0 =	sshll.u32 s0, $0x7;
	s13 =	sadd.s32 $0x80, s10;
	s11 =	sadd.s32 s23, s11  }
0x8a: {  	s7 =	sadd.s32 $0x180, s0;
	s31 =	sadd.s32 s23, s13;
	v39 =	vmov s11;
	v17 =	vld [tilespmem:s2+$0x30]  }
0x8b: {  	s7 =	sadd.s32 s23, s7;
	v41 =	vmov s31;
	v40 =	vld [tilespmem:s2+$0x0]  }
0x8c: {  	v38 =	vmov s7;
	v42 =	vld [tilespmem:s2+$0x20];
	v15 =	vpsel !p6, $0x0, v15  }
0x8d: {  	v43 =	vld [tilespmem:s2+$0x10];
	v23 =	vmul.f32 v15, v13  }
0x8e: {  	v24 =	vmul.f32 v15, v14  }
0x8f: {  	v18 =	vld.idx.msk [tilespmem:v39+s3+$0x0], $0xffff;
	v25 =	vmul.f32 v15, v12;
	v17 =	vsub.f32 v17, v23  }
0x90: {  	v20 =	vld.idx.msk [tilespmem:v41+s3+$0x0], $0xffff;
	v15 =	vmul.f32 v15, v11;
	v19 =	vsub.f32 v40, v24  }
0x91: {  	v16 =	vld.idx.msk [tilespmem:v38+s3+$0x0], $0xffff;
	v21 =	vsub.f32 v42, v25;
	[tilespmem:s2+$0x30] =	vst v17  }
0x92: {  	v15 =	vsub.f32 v43, v15;
	[tilespmem:s2+$0x0] =	vst v19  }
0x93: {  	[tilespmem:s2+$0x20] =	vst v21  }
0x94: {  	[tilespmem:s2+$0x10] =	vst v15  }
0x95: {  	v15 =	vld [tilespmem:s10+$0xA0]  }
0x96: {  	p0 =	slt.u32 s28, $0x3F;
	v17 =	vld [tilespmem:s10+$0x80]  }
0x97: {  	v44 =	vpsel !p0, $0x0, v20;
	v45 =	vld [tilespmem:s10+$0xB0]  }
0x98: {  	v46 =	vmul.f32 v44, v12;
	v21 =	vld [tilespmem:s10+$0x90]  }
0x99: {  	v47 =	vmul.f32 v44, v14  }
0x9a: {  	v48 =	vmul.f32 v44, v13;
	v15 =	vsub.f32 v15, v46  }
0x9b: {  	v19 =	vmul.f32 v44, v11;
	v17 =	vsub.f32 v17, v47  }
0x9c: {  	v49 =	vsub.f32 v45, v48;
	[tilespmem:s10+$0xA0] =	vst v15  }
0x9d: {  	v50 =	vsub.f32 v21, v19;
	[tilespmem:s10+$0x80] =	vst v17  }
0x9e: {  	[tilespmem:s10+$0xB0] =	vst v49  }
0x9f: {  	[tilespmem:s10+$0x90] =	vst v50  }
0xa0: {  	v15 =	vld [tilespmem:s1+$0x100]  }
0xa1: {  	p3 =	slt.u32 s28, $0x3E;
	v17 =	vld [tilespmem:s1+$0x110]  }
0xa2: {  	v18 =	vpsel !p3, $0x0, v18;
	v51 =	vld [tilespmem:s1+$0x120]  }
0xa3: {  	v52 =	vmul.f32 v18, v14;
	v53 =	vld [tilespmem:s1+$0x130]  }
0xa4: {  	v54 =	vmul.f32 v18, v11  }
0xa5: {  	v55 =	vmul.f32 v18, v12;
	v15 =	vsub.f32 v15, v52  }
0xa6: {  	v18 =	vmul.f32 v18, v13;
	v17 =	vsub.f32 v17, v54  }
0xa7: {  	v56 =	vsub.f32 v51, v55;
	[tilespmem:s1+$0x100] =	vst v15  }
0xa8: {  	v57 =	vsub.f32 v53, v18;
	[tilespmem:s1+$0x110] =	vst v17  }
0xa9: {  	[tilespmem:s1+$0x120] =	vst v56  }
0xaa: {  	[tilespmem:s1+$0x130] =	vst v57  }
0xab: {  	v15 =	vld [tilespmem:s0+$0x190]  }
0xac: {  	p6 =	slt.u32 s28, $0x3D;
	v17 =	vld [tilespmem:s0+$0x180]  }
0xad: {  	v16 =	vpsel !p6, $0x0, v16;
	v59 =	vld [tilespmem:s0+$0x1B0]  }
0xae: {  	v11 =	vmul.f32 v16, v11;
	v58 =	vld [tilespmem:s0+$0x1A0]  }
0xaf: {  	v60 =	vmul.f32 v16, v14  }
0xb0: {  	v62 =	vmul.f32 v16, v13;
	v11 =	vsub.f32 v15, v11  }
0xb1: {  	v61 =	vmul.f32 v16, v12;
	v14 =	vsub.f32 v17, v60  }
0xb2: {  	v63 =	vsub.f32 v59, v62;
	[tilespmem:s0+$0x190] =	vst v11  }
0xb3: {  	v11 =	vsub.f32 v58, v61;
	[tilespmem:s0+$0x180] =	vst v14  }
0xb4: {  	[tilespmem:s0+$0x1B0] =	vst v63  }
0xb5: {  	[tilespmem:s0+$0x1A0] =	vst v11  }
.LBB2_17:
0xb6: {  	p0 =	sne.s32 @!p5 s23, s4  }
0xb7: {  	p1 =	por p0, p5  }
0xb8: {  	s0 =	simm.s32 @!p1 $0x0  }
0xb9: {  	[spmem:s9] =	stream.linear.scatter @!p1 [tilespmem:s0], [sflag:$0x4], $0x400, $0x38;
	[tilespmem:$0x2920] =	vst v63  }
0xba: {  	s0 =	simm.s32 @!p1 $0x4  }
0xbb: {  	_ =	swait.ge @!p1 [sflag:s0], $0x400  }
0xbc: {  	s23 =	sadd.s32 $0x1, s23;
	[sflag:s0] =	ssyncset.done @!p1 $0x0  }
0xbd: {  	p0 =	sne.s32 s23, $0x10;
	[sflag:s0] =	ssyncadd.s32 @!p1 $0xFFFFFC00;
	s0 =	simm.s32 @!p1 $0x3  }
.Ltmp8:
0xbe: {  	s1 =	sshll.u32 @!p1 s5, $0x10;
	[sflag:s0] =	ssyncset.done @!p1 $0x0;
	(pc) =	sbr.rel @!p0 .LBB2_18-.Ltmp8, $4  }
0xbf: {  	[smem:s1], [sflag:$0x3] =	smem.add.s32 @!p1 $0x1  }
0xc0: {  	_ =	swait.done @!p1 [sflag:s0]  }
0xc1: {  	[sflag:s0] =	ssyncset.s32 @!p1 $0x0  }
0xc2: {  	s24 =	sadd.s32 $0xFFFFFFFF, s24;
	s25 =	sadd.s32 $0x1, s25;
	[sflag:s0] =	ssyncset.done @!p1 $0x0  }
.LBB2_9:
0xc3: {  	v11 =	vmov s23  }
0xc4: {  	v12 =	vmul.u32 $0x81, v11;
	_ =	sdelay $0x5  }
0xc5: {  	v12 =	vld.idx.msk [tilespmem:v12+s3+$0x0], $0xffff;
	_ =	sdelay $0x3  }
0xc6: {  	vm2 =	vlt.u32 v11, v0  }
0xc7: {  	v11 =	vor.u32 s23, v3;
	(erf) = vrcp.f32 v12;
	_ =	sdelay $0x4  }
0xc8: {  	v61 =	vld.idx.msk [tilespmem:v11+s3+$0x0], vm2;
	_ =	sdelay $0x2  }
0xc9: {  	v13 =	vor.u32 s23, v5  }
0xca: {  	v14 =	vpop (erf)  }
0xcb: {  	v12 =	vmul.f32 v14, v61;
	_ =	sdelay $0x1  }
0xcc: {  	[tilespmem:v11+s3+$0x0] =	vst.idx.msk vm2, v12  }
0xcd: {  	v11 =	vld.idx.msk [tilespmem:v13+s3+$0x0], $0xffff;
	_ =	sdelay $0x2  }
0xce: {  	v62 =	vor.u32 s23, v6;
	_ =	sdelay $0x1  }
0xcf: {  	v11 =	vmul.f32 v11, v14;
	_ =	sdelay $0x1  }
0xd0: {  	[tilespmem:v13+s3+$0x0] =	vst.idx.msk $0xffff, v11  }
0xd1: {  	v11 =	vld.idx.msk [tilespmem:v62+s3+$0x0], $0xffff;
	_ =	sdelay $0x2  }
0xd2: {  	v63 =	vor.u32 s23, v7;
	_ =	sdelay $0x1  }
0xd3: {  	v11 =	vmul.f32 v11, v14;
	_ =	sdelay $0x1  }
0xd4: {  	[tilespmem:v62+s3+$0x0] =	vst.idx.msk $0xffff, v11  }
0xd5: {  	v11 =	vld.idx.msk [tilespmem:v63+s3+$0x0], $0xffff;
	_ =	sdelay $0x1  }
0xd6: {  	p1 =	sgt.u32 s23, $0x3E  }
.Ltmp9:
0xd7: {  	_ = 	snop;
	(pc) =	sbr.rel @p1 .LBB2_17-.Ltmp9, $3  }
0xd8: {  	_ = 	snop  }
0xd9: {  	v11 =	vmul.f32 v11, v14;
	_ =	sdelay $0x1  }
0xda: {  	[tilespmem:v63+s3+$0x0] =	vst.idx.msk $0xffff, v11  }
0xdb: {  	s0 =	sshll.u32 s23, $0x7  }
0xdc: {  	s30 =	sshrl.u32 s24, $0x2;
	s2 =	sand.u32 $0x3FFFFF80, s0  }
0xdd: {  	p2 =	sne.s32 s30, $0x1;
	v14 =	vld [tilespmem:s2+$0x0]  }
.Ltmp10:
0xde: {  	p1 =	slt.u32 s25, $0x40;
	s10 =	smov.u32 s25;
	v12 =	vld [tilespmem:s2+$0x20];
	(pc) =	sbr.rel @!p2 .LBB2_11-.Ltmp10, $4  }
0xdf: {  	s10 =	simm.s32 @!p1 $0x3F;
	v13 =	vld [tilespmem:s2+$0x30]  }
0xe0: {  	s31 =	smin.u32 s25, $0x3E;
	s1 =	smin.u32 s25, $0x3D;
	s26 =	sshll.u32 s10, $0x7  }
0xe1: {  	s0 =	sadd.s32 $0xFFFFFFFF, s30;
	s10 =	sshll.u32 s10, $0x9;
	s26 =	sadd.s32 s23, s26  }
0xe2: {  	p6 =	por p1, p1;
	p1 =	por $0x0, $0x0;
	v11 =	vld [tilespmem:s2+$0x10];
	s2 =	sshra.s32 s10, $0x2;
	v15 =	vmov s26;
	v14 =	vnsel vm2, $0x0, v14  }
0xe3: {  	_ =	sdelay $0x3  }
0xe4: {  	v15 =	vld.idx.msk [tilespmem:v15+s3+$0x0], $0xffff;
	s1 =	sshll.u32 s1, $0x7  }
0xe5: {  	s10 =	smin.u32 s25, $0x3C;
	s28 =	sshll.u32 s31, $0x7;
	s29 =	sadd.s32 $0x100, s1  }
0xe6: {  	s26 =	sshll.u32 s10, $0x7;
	s30 =	sadd.s32 $0x80, s28;
	s29 =	sadd.s32 s23, s29  }
0xe7: {  	v17 =	vld [tilespmem:s2+$0x30];
	s10 =	sadd.s32 $0x180, s26;
	s14 =	sadd.s32 s23, s30;
	v18 =	vmov s29  }
0xe8: {  	v19 =	vld [tilespmem:s2+$0x0];
	s10 =	sadd.s32 s23, s10;
	v20 =	vmov s14  }
0xe9: {  	v21 =	vld [tilespmem:s2+$0x20];
	v16 =	vmov s10;
	v15 =	vpsel !p6, $0x0, v15  }
0xea: {  	v22 =	vld [tilespmem:s2+$0x10];
	v23 =	vmul.f32 v15, v13  }
0xeb: {  	v24 =	vmul.f32 v15, v14  }
0xec: {  	v25 =	vmul.f32 v15, v12;
	v18 =	vld.idx.msk [tilespmem:v18+s3+$0x0], $0xffff;
	v17 =	vsub.f32 v17, v23  }
0xed: {  	v15 =	vmul.f32 v15, v11;
	v20 =	vld.idx.msk [tilespmem:v20+s3+$0x0], $0xffff;
	v19 =	vsub.f32 v19, v24  }
0xee: {  	v21 =	vsub.f32 v21, v25;
	v16 =	vld.idx.msk [tilespmem:v16+s3+$0x0], $0xffff;
	[tilespmem:s2+$0x30] =	vst v17  }
0xef: {  	v15 =	vsub.f32 v22, v15;
	[tilespmem:s2+$0x0] =	vst v19  }
0xf0: {  	[tilespmem:s2+$0x20] =	vst v21  }
0xf1: {  	[tilespmem:s2+$0x10] =	vst v15  }
0xf2: {  	v15 =	vld [tilespmem:s28+$0xA0]  }
0xf3: {  	p1 =	slt.u32 s25, $0x3F;
	v17 =	vld [tilespmem:s28+$0x80]  }
0xf4: {  	v19 =	vpsel !p1, $0x0, v20;
	v20 =	vld [tilespmem:s28+$0xB0]  }
0xf5: {  	v21 =	vld [tilespmem:s28+$0x90];
	v22 =	vmul.f32 v19, v12  }
0xf6: {  	v23 =	vmul.f32 v19, v14  }
0xf7: {  	v15 =	vsub.f32 v15, v22;
	v22 =	vmul.f32 v19, v13  }
0xf8: {  	v17 =	vsub.f32 v17, v23;
	v19 =	vmul.f32 v19, v11  }
0xf9: {  	[tilespmem:s28+$0xA0] =	vst v15;
	v15 =	vsub.f32 v20, v22  }
0xfa: {  	[tilespmem:s28+$0x80] =	vst v17;
	v17 =	vsub.f32 v21, v19  }
0xfb: {  	[tilespmem:s28+$0xB0] =	vst v15  }
0xfc: {  	[tilespmem:s28+$0x90] =	vst v17  }
0xfd: {  	v15 =	vld [tilespmem:s1+$0x100]  }
0xfe: {  	p6 =	slt.u32 s25, $0x3E;
	v17 =	vld [tilespmem:s1+$0x110]  }
0xff: {  	v18 =	vpsel !p6, $0x0, v18;
	v19 =	vld [tilespmem:s1+$0x120]  }
0x100: {  	v20 =	vmul.f32 v18, v14;
	v21 =	vld [tilespmem:s1+$0x130]  }
0x101: {  	v22 =	vmul.f32 v18, v11  }
0x102: {  	v15 =	vsub.f32 v15, v20;
	v20 =	vmul.f32 v18, v12  }
0x103: {  	v17 =	vsub.f32 v17, v22;
	v18 =	vmul.f32 v18, v13  }
0x104: {  	[tilespmem:s1+$0x100] =	vst v15;
	v15 =	vsub.f32 v19, v20  }
0x105: {  	[tilespmem:s1+$0x110] =	vst v17;
	v17 =	vsub.f32 v21, v18  }
0x106: {  	[tilespmem:s1+$0x120] =	vst v15  }
0x107: {  	p2 =	sne.s32 s0, $0x1;
	s29 =	sadd.s32 $0x4, s25;
	[tilespmem:s1+$0x130] =	vst v17  }
.Ltmp11:
0x108: {  	s2 =	smov.u32 s29;
	p1 =	slt.u32 s29, $0x40;
	v18 =	vld [tilespmem:s26+$0x190];
	(pc) =	sbr.rel @!p2 .LBB2_13-.Ltmp11, $4  }
0x109: {  	p3 =	slt.u32 s25, $0x3D;
	s30 =	sadd.s32 $0xFFFFFFFF, s0;
	s2 =	simm.s32 @!p1 $0x3F;
	v19 =	vld [tilespmem:s26+$0x180]  }
0x10a: {  	s31 =	smin.u32 s29, $0x3E;
	s0 =	smin.u32 s29, $0x3D;
	v16 =	vpsel !p3, $0x0, v16;
	s15 =	sshll.u32 s2, $0x7;
	v20 =	vld [tilespmem:s26+$0x1A0]  }
0x10b: {  	p6 =	por p1, p1;
	s2 =	sshll.u32 s2, $0x9;
	v22 =	vmul.f32 v16, v11;
	s1 =	sadd.s32 s23, s15;
	v21 =	vld [tilespmem:s26+$0x1B0]  }
0x10c: {  	p1 =	por $0x1, $0x1;
	s2 =	sshra.s32 s2, $0x2;
	s28 =	smov.u32 s29;
	v17 =	vmul.f32 v16, v14;
	v15 =	vmov s1  }
.LBB2_14:
0x10d: {  	p2 =	sne.s32 s30, $0x1;
	s30 =	sadd.s32 $0xFFFFFFFF, s30;
	s29 =	sadd.s32 $0x4, s29  }
0x10e: {  	s11 =	smin.u32 s29, $0x3E;
	s10 =	smin.u32 s29, $0x3D;
	v18 =	vsub.f32 v18, v22;
	v22 =	vmul.f32 v16, v12  }
0x10f: {  	v16 =	vmul.f32 v16, v13;
	v17 =	vsub.f32 v19, v17  }
0x110: {  	[tilespmem:s26+$0x190] =	vst v18;
	v18 =	vsub.f32 v20, v22  }
0x111: {  	p3 =	slt.u32 s29, $0x40;
	s1 =	smov.u32 s29;
	[tilespmem:s26+$0x180] =	vst v17;
	v16 =	vsub.f32 v21, v16  }
0x112: {  	s1 =	simm.s32 @!p3 $0x3F;
	[tilespmem:s26+$0x1A0] =	vst v18  }
0x113: {  	s13 =	sshll.u32 s1, $0x7;
	s14 =	sshll.u32 s1, $0x9;
	s1 =	smin.u32 s28, $0x3C;
	[tilespmem:s26+$0x1B0] =	vst v16  }
0x114: {  	s13 =	sadd.s32 s23, s13;
	s26 =	sshll.u32 s1, $0x7;
	v16 =	vld.idx.msk [tilespmem:v15+s3+$0x0], $0xffff  }
0x115: {  	s1 =	sshll.u32 s0, $0x7;
	s0 =	smov.u32 s10;
	v15 =	vmov s13;
	s13 =	sadd.s32 $0x180, s26;
	v17 =	vld [tilespmem:s2+$0x10]  }
0x116: {  	s10 =	sshll.u32 s31, $0x7;
	s31 =	sadd.s32 $0x100, s1;
	s13 =	sadd.s32 s23, s13;
	v18 =	vld [tilespmem:s2+$0x30]  }
0x117: {  	s15 =	sadd.s32 $0x80, s10;
	s7 =	sadd.s32 s23, s31;
	s31 =	smov.u32 s11;
	v19 =	vmov s13;
	v20 =	vld [tilespmem:s2+$0x0]  }
0x118: {  	s11 =	sadd.s32 s23, s15;
	v21 =	vmov s7;
	v22 =	vld [tilespmem:s2+$0x20]  }
0x119: {  	v23 =	vmov s11  }
0x11a: {  	v16 =	vpsel !p6, $0x0, v16;
	p6 =	por p3, p3  }
0x11b: {  	s7 =	sshra.s32 s14, $0x2;
	v24 =	vmul.f32 v16, v12;
	v25 =	vmul.f32 v16, v13  }
0x11c: {  	v26 =	vmul.f32 v16, v14;
	v16 =	vmul.f32 v16, v11;
	v19 =	vld.idx.msk [tilespmem:v19+s3+$0x0], $0xffff  }
0x11d: {  	v18 =	vsub.f32 v18, v25;
	v21 =	vld.idx.msk [tilespmem:v21+s3+$0x0], $0xffff;
	v22 =	vsub.f32 v22, v24  }
0x11e: {  	v20 =	vsub.f32 v20, v26;
	v17 =	vsub.f32 v17, v16;
	v23 =	vld.idx.msk [tilespmem:v23+s3+$0x0], $0xffff  }
0x11f: {  	[tilespmem:s2+$0x30] =	vst v18  }
0x120: {  	[tilespmem:s2+$0x0] =	vst v20  }
0x121: {  	p3 =	slt.u32 s28, $0x3D;
	[tilespmem:s2+$0x20] =	vst v22  }
0x122: {  	p0 =	slt.u32 s28, $0x3E;
	v16 =	vpsel !p3, $0x0, v19;
	[tilespmem:s2+$0x10] =	vst v17;
	s2 =	smov.u32 s7  }
0x123: {  	v18 =	vpsel !p0, $0x0, v21;
	v17 =	vmul.f32 v16, v14;
	v19 =	vld [tilespmem:s10+$0xA0]  }
0x124: {  	p0 =	slt.u32 s28, $0x3F;
	s28 =	smov.u32 s29;
	v20 =	vld [tilespmem:s10+$0x80]  }
0x125: {  	v21 =	vpsel !p0, $0x0, v23;
	v22 =	vld [tilespmem:s10+$0xB0]  }
0x126: {  	v24 =	vmul.f32 v21, v12;
	v23 =	vld [tilespmem:s10+$0x90]  }
0x127: {  	v25 =	vmul.f32 v21, v14  }
0x128: {  	v19 =	vsub.f32 v19, v24;
	v24 =	vmul.f32 v21, v13  }
0x129: {  	v21 =	vmul.f32 v21, v11;
	v20 =	vsub.f32 v20, v25  }
0x12a: {  	[tilespmem:s10+$0xA0] =	vst v19;
	v19 =	vsub.f32 v22, v24  }
0x12b: {  	[tilespmem:s10+$0x80] =	vst v20;
	v20 =	vsub.f32 v23, v21  }
0x12c: {  	[tilespmem:s10+$0xB0] =	vst v19  }
0x12d: {  	[tilespmem:s10+$0x90] =	vst v20  }
0x12e: {  	v19 =	vld [tilespmem:s1+$0x100]  }
0x12f: {  	v20 =	vld [tilespmem:s1+$0x110]  }
0x130: {  	v21 =	vld [tilespmem:s1+$0x120]  }
0x131: {  	v22 =	vmul.f32 v18, v14;
	v23 =	vld [tilespmem:s1+$0x130]  }
0x132: {  	v24 =	vmul.f32 v18, v11  }
0x133: {  	v19 =	vsub.f32 v19, v22;
	v22 =	vmul.f32 v18, v12  }
0x134: {  	v18 =	vmul.f32 v18, v13;
	v20 =	vsub.f32 v20, v24  }
0x135: {  	[tilespmem:s1+$0x100] =	vst v19;
	v19 =	vsub.f32 v21, v22  }
0x136: {  	[tilespmem:s1+$0x110] =	vst v20;
	v18 =	vsub.f32 v23, v18  }
0x137: {  	[tilespmem:s1+$0x120] =	vst v19  }
.Ltmp12:
0x138: {  	[tilespmem:s1+$0x130] =	vst v18;
	(pc) =	sbr.rel @p2 .LBB2_14-.Ltmp12, $4  }
0x139: {  	v18 =	vld [tilespmem:s26+$0x190]  }
0x13a: {  	v19 =	vld [tilespmem:s26+$0x180]  }
0x13b: {  	v20 =	vld [tilespmem:s26+$0x1A0]  }
0x13c: {  	v22 =	vmul.f32 v16, v11;
	v21 =	vld [tilespmem:s26+$0x1B0]  }
.Ltmp13:
0x13d: {  	(pc) =	sbr.rel .LBB2_16-.Ltmp13, $2  }
0x13e: {  	_ =	sdelay $0x2  }
0x13f: {  	s1 =	smov.u32 s0  }
.LBB2_13:
.Ltmp14:
0x140: {  	(pc) =	sbr.rel .LBB2_16-.Ltmp14, $2  }
0x141: {  	_ =	sdelay $0x2  }
0x142: {  	s28 =	smov.u32 s29;
	s1 =	smov.u32 s0  }
.LBB2_18:
.Ltmp15:
0x143: {  	(pc) =	sbr.rel .LBB2_19-.Ltmp15, $2  }
0x144: {  	_ =	sdelay $0x2  }
0x145: {  	s23 =	simm.s32 $0x10;
	s24 =	simm.s32 $0x32;
	s25 =	simm.s32 $0x11  }
.LBB2_23:
0x146: {  	v15 =	vld @p1 [tilespmem:s28+$0x1B0]  }
0x147: {  	p2 =	slt.u32 s26, $0x40;
	s0 =	smov.u32 s26;
	v16 =	vld @p1 [tilespmem:s28+$0x190]  }
0x148: {  	v17 =	vld @p1 [tilespmem:s28+$0x1A0];
	s0 =	simm.s32 @!p2 $0x3F  }
0x149: {  	v18 =	vmul.f32 @p1 v14, v13;
	s1 =	sshll.u32 s0, $0x7  }
0x14a: {  	v19 =	vmul.f32 @p1 v14, v12;
	s1 =	sadd.s32 s23, s1  }
0x14b: {  	v14 =	vmul.f32 @p1 v14, v11;
	v20 =	vmov s1;
	v15 =	vsub.f32 @p1 v15, v18  }
0x14c: {  	v16 =	vsub.f32 @p1 v16, v19  }
0x14d: {  	v14 =	vsub.f32 @p1 v17, v14;
	[tilespmem:s28+$0x1B0] =	vst @p1 v15  }
0x14e: {  	[tilespmem:s28+$0x190] =	vst @p1 v16  }
0x14f: {  	s15 =	smin.u32 s26, $0x3C;
	s7 =	smin.u32 s26, $0x3D;
	[tilespmem:s28+$0x1A0] =	vst @p1 v14  }
0x150: {  	s30 =	smin.u32 s26, $0x3E;
	s29 =	sshll.u32 s15, $0x7;
	s7 =	sshll.u32 s7, $0x7;
	v14 =	vld.idx.msk [tilespmem:v20+s3+$0x0], $0xffff  }
0x151: {  	s2 =	sshll.u32 s0, $0x9;
	s10 =	sadd.s32 s23, s29;
	s11 =	sadd.s32 s23, s7  }
0x152: {  	s10 =	sadd.s32 $0x180, s10;
	s2 =	sshra.s32 s2, $0x2;
	s1 =	sshll.u32 s30, $0x7  }
0x153: {  	s11 =	sadd.s32 $0x100, s11;
	v47 =	vmov s10;
	s13 =	sadd.s32 s23, s1;
	v16 =	vld [tilespmem:s2+$0x10]  }
0x154: {  	v48 =	vmov s11;
	s31 =	sadd.s32 $0x80, s13;
	v49 =	vld [tilespmem:s2+$0x30]  }
0x155: {  	v50 =	vmov s31;
	v51 =	vld [tilespmem:s2+$0x20];
	v14 =	vpsel !p2, $0x0, v14  }
0x156: {  	v21 =	vmul.f32 v14, v12  }
0x157: {  	v22 =	vmul.f32 v14, v13  }
0x158: {  	v15 =	vld.idx.msk [tilespmem:v47+s3+$0x0], $0xffff;
	v14 =	vmul.f32 v14, v11;
	v16 =	vsub.f32 v16, v21  }
0x159: {  	v17 =	vld.idx.msk [tilespmem:v48+s3+$0x0], $0xffff;
	v18 =	vsub.f32 v49, v22  }
0x15a: {  	v19 =	vld.idx.msk [tilespmem:v50+s3+$0x0], $0xffff;
	v14 =	vsub.f32 v51, v14;
	[tilespmem:s2+$0x10] =	vst v16  }
0x15b: {  	[tilespmem:s2+$0x30] =	vst v18  }
0x15c: {  	[tilespmem:s2+$0x20] =	vst v14  }
0x15d: {  	v14 =	vld [tilespmem:s1+$0x90]  }
0x15e: {  	p0 =	slt.u32 s26, $0x3F;
	v16 =	vld [tilespmem:s1+$0xA0]  }
0x15f: {  	v52 =	vpsel !p0, $0x0, v19;
	v53 =	vld [tilespmem:s1+$0xB0]  }
0x160: {  	v54 =	vmul.f32 v52, v12  }
0x161: {  	v55 =	vmul.f32 v52, v11  }
0x162: {  	v18 =	vmul.f32 v52, v13;
	v14 =	vsub.f32 v14, v54  }
0x163: {  	v16 =	vsub.f32 v16, v55  }
0x164: {  	v56 =	vsub.f32 v53, v18;
	[tilespmem:s1+$0x90] =	vst v14  }
0x165: {  	[tilespmem:s1+$0xA0] =	vst v16  }
0x166: {  	[tilespmem:s1+$0xB0] =	vst v56  }
0x167: {  	v14 =	vld [tilespmem:s7+$0x110]  }
0x168: {  	p3 =	slt.u32 s26, $0x3E;
	v16 =	vld [tilespmem:s7+$0x120]  }
0x169: {  	v17 =	vpsel !p3, $0x0, v17;
	v57 =	vld [tilespmem:s7+$0x130]  }
0x16a: {  	v58 =	vmul.f32 v17, v12  }
0x16b: {  	v59 =	vmul.f32 v17, v11  }
0x16c: {  	v17 =	vmul.f32 v17, v13;
	v14 =	vsub.f32 v14, v58  }
0x16d: {  	v16 =	vsub.f32 v16, v59  }
0x16e: {  	v60 =	vsub.f32 v57, v17;
	[tilespmem:s7+$0x110] =	vst v14  }
0x16f: {  	[tilespmem:s7+$0x120] =	vst v16  }
0x170: {  	[tilespmem:s7+$0x130] =	vst v60  }
0x171: {  	v14 =	vld [tilespmem:s29+$0x1B0]  }
0x172: {  	p6 =	slt.u32 s26, $0x3D;
	v16 =	vld [tilespmem:s29+$0x190]  }
0x173: {  	v15 =	vpsel !p6, $0x0, v15;
	v61 =	vld [tilespmem:s29+$0x1A0]  }
0x174: {  	v62 =	vmul.f32 v15, v13  }
0x175: {  	v63 =	vmul.f32 v15, v12  }
0x176: {  	v11 =	vmul.f32 v15, v11;
	v13 =	vsub.f32 v14, v62  }
0x177: {  	v12 =	vsub.f32 v16, v63  }
0x178: {  	v11 =	vsub.f32 v61, v11;
	[tilespmem:s29+$0x1B0] =	vst v13  }
0x179: {  	[tilespmem:s29+$0x190] =	vst v12  }
0x17a: {  	[tilespmem:s29+$0x1A0] =	vst v11  }
.LBB2_24:
0x17b: {  	s23 =	sadd.s32 $0x1, s23  }
0x17c: {  	p0 =	sne.s32 s23, $0x20  }
.Ltmp16:
0x17d: {  	_ = 	snop;
	(pc) =	sbr.rel @!p0 .LBB2_25-.Ltmp16, $2  }
0x17e: {  	_ =	sdelay $0x2  }
0x17f: {  	s24 =	sadd.s32 $0xFFFFFFFF, s24;
	s25 =	sadd.s32 $0x1, s25  }
.LBB2_19:
0x180: {  	v11 =	vmov s23  }
0x181: {  	v12 =	vmul.u32 $0x81, v11;
	_ =	sdelay $0x5  }
0x182: {  	v12 =	vld.idx.msk [tilespmem:v12+s3+$0x0], $0xffff;
	_ =	sdelay $0x3  }
0x183: {  	vm2 =	vlt.u32 v11, v8  }
0x184: {  	v11 =	vor.u32 s23, v5;
	(erf) = vrcp.f32 v12;
	_ =	sdelay $0x4  }
0x185: {  	v62 =	vld.idx.msk [tilespmem:v11+s3+$0x0], vm2;
	_ =	sdelay $0x2  }
0x186: {  	v13 =	vor.u32 s23, v6  }
0x187: {  	v14 =	vpop (erf)  }
0x188: {  	v12 =	vmul.f32 v14, v62;
	_ =	sdelay $0x1  }
0x189: {  	[tilespmem:v11+s3+$0x0] =	vst.idx.msk vm2, v12  }
0x18a: {  	v11 =	vld.idx.msk [tilespmem:v13+s3+$0x0], $0xffff;
	_ =	sdelay $0x2  }
0x18b: {  	v63 =	vor.u32 s23, v7;
	_ =	sdelay $0x1  }
0x18c: {  	v11 =	vmul.f32 v11, v14;
	_ =	sdelay $0x1  }
0x18d: {  	[tilespmem:v13+s3+$0x0] =	vst.idx.msk $0xffff, v11  }
0x18e: {  	v11 =	vld.idx.msk [tilespmem:v63+s3+$0x0], $0xffff;
	_ =	sdelay $0x1  }
0x18f: {  	p0 =	sgt.u32 s23, $0x3E  }
.Ltmp17:
0x190: {  	_ = 	snop;
	(pc) =	sbr.rel @p0 .LBB2_24-.Ltmp17, $3  }
0x191: {  	_ = 	snop  }
0x192: {  	v11 =	vmul.f32 v11, v14;
	_ =	sdelay $0x1  }
0x193: {  	[tilespmem:v63+s3+$0x0] =	vst.idx.msk $0xffff, v11  }
0x194: {  	s0 =	sshll.u32 s23, $0x7  }
0x195: {  	s1 =	sshrl.u32 s24, $0x2;
	s0 =	sand.u32 $0x3FFFFF80, s0  }
0x196: {  	p0 =	sne.s32 s1, $0x1;
	v12 =	vld [tilespmem:s0+$0x10]  }
.Ltmp18:
0x197: {  	_ = 	snop;
	(pc) =	sbr.rel @!p0 .LBB2_23-.Ltmp18, $3  }
0x198: {  	_ =	sdelay $0x1  }
0x199: {  	v13 =	vld [tilespmem:s0+$0x30]  }
0x19a: {  	p1 =	por $0x0, $0x0;
	s26 =	smov.u32 s25;
	v11 =	vld [tilespmem:s0+$0x20];
	s0 =	sadd.s32 $0xFFFFFFFF, s1;
	v12 =	vnsel vm2, $0x0, v12  }
0x19b: {  	p1 =	slt.u32 s25, $0x40;
	s1 =	smov.u32 s25  }
0x19c: {  	s1 =	simm.s32 @!p1 $0x3F  }
0x19d: {  	s2 =	sshll.u32 s1, $0x7  }
0x19e: {  	s2 =	sadd.s32 s23, s2  }
0x19f: {  	v14 =	vmov s2;
	_ =	sdelay $0x3  }
0x1a0: {  	s29 =	smin.u32 s25, $0x3C;
	s7 =	smin.u32 s25, $0x3D  }
0x1a1: {  	s30 =	smin.u32 s25, $0x3E;
	s28 =	sshll.u32 s29, $0x7;
	s7 =	sshll.u32 s7, $0x7;
	v14 =	vld.idx.msk [tilespmem:v14+s3+$0x0], $0xffff  }
0x1a2: {  	s1 =	sshll.u32 s1, $0x9;
	s10 =	sadd.s32 s23, s28;
	s11 =	sadd.s32 s23, s7  }
0x1a3: {  	s10 =	sadd.s32 $0x180, s10;
	s1 =	sshra.s32 s1, $0x2;
	s2 =	sshll.u32 s30, $0x7  }
0x1a4: {  	s11 =	sadd.s32 $0x100, s11;
	v15 =	vmov s10;
	v16 =	vld [tilespmem:s1+$0x10];
	s13 =	sadd.s32 s23, s2  }
0x1a5: {  	v17 =	vmov s11;
	v18 =	vld [tilespmem:s1+$0x30];
	s31 =	sadd.s32 $0x80, s13  }
0x1a6: {  	v20 =	vld [tilespmem:s1+$0x20];
	v19 =	vmov s31;
	v14 =	vpsel !p1, $0x0, v14  }
0x1a7: {  	v21 =	vmul.f32 v14, v12  }
0x1a8: {  	v22 =	vmul.f32 v14, v13  }
0x1a9: {  	v15 =	vld.idx.msk [tilespmem:v15+s3+$0x0], $0xffff;
	v14 =	vmul.f32 v14, v11;
	v16 =	vsub.f32 v16, v21  }
0x1aa: {  	v17 =	vld.idx.msk [tilespmem:v17+s3+$0x0], $0xffff;
	v18 =	vsub.f32 v18, v22  }
0x1ab: {  	v19 =	vld.idx.msk [tilespmem:v19+s3+$0x0], $0xffff;
	v14 =	vsub.f32 v20, v14;
	[tilespmem:s1+$0x10] =	vst v16  }
0x1ac: {  	[tilespmem:s1+$0x30] =	vst v18  }
0x1ad: {  	[tilespmem:s1+$0x20] =	vst v14  }
0x1ae: {  	v14 =	vld [tilespmem:s2+$0x90]  }
0x1af: {  	p0 =	slt.u32 s25, $0x3F;
	v16 =	vld [tilespmem:s2+$0xA0]  }
0x1b0: {  	v57 =	vpsel !p0, $0x0, v19;
	v58 =	vld [tilespmem:s2+$0xB0]  }
0x1b1: {  	v59 =	vmul.f32 v57, v12  }
0x1b2: {  	v60 =	vmul.f32 v57, v11  }
0x1b3: {  	v18 =	vmul.f32 v57, v13;
	v14 =	vsub.f32 v14, v59  }
0x1b4: {  	v16 =	vsub.f32 v16, v60  }
0x1b5: {  	[tilespmem:s2+$0x90] =	vst v14;
	v14 =	vsub.f32 v58, v18  }
0x1b6: {  	[tilespmem:s2+$0xA0] =	vst v16  }
0x1b7: {  	[tilespmem:s2+$0xB0] =	vst v14  }
0x1b8: {  	v14 =	vld [tilespmem:s7+$0x110]  }
0x1b9: {  	p3 =	slt.u32 s25, $0x3E;
	v16 =	vld [tilespmem:s7+$0x120]  }
0x1ba: {  	v17 =	vpsel !p3, $0x0, v17;
	v61 =	vld [tilespmem:s7+$0x130]  }
0x1bb: {  	v62 =	vmul.f32 v17, v12  }
0x1bc: {  	v63 =	vmul.f32 v17, v11;
	p0 =	sne.s32 s0, $0x1  }
.Ltmp19:
0x1bd: {  	v17 =	vmul.f32 v17, v13;
	v14 =	vsub.f32 v14, v62;
	(pc) =	sbr.rel @!p0 .LBB2_23-.Ltmp19, $4  }
0x1be: {  	v16 =	vsub.f32 v16, v63  }
0x1bf: {  	v17 =	vsub.f32 v61, v17;
	[tilespmem:s7+$0x110] =	vst v14  }
0x1c0: {  	p6 =	slt.u32 s25, $0x3D;
	[tilespmem:s7+$0x120] =	vst v16  }
0x1c1: {  	s26 =	sadd.s32 $0x4, s25;
	p1 =	por $0x1, $0x1;
	s0 =	sadd.s32 $0xFFFFFFFF, s0;
	v14 =	vpsel !p6, $0x0, v15;
	[tilespmem:s7+$0x130] =	vst v17  }
.LBB2_22:
0x1c2: {  	p2 =	sne.s32 s0, $0x1  }
0x1c3: {  	s0 =	sadd.s32 $0xFFFFFFFF, s0;
	p6 =	slt.u32 s26, $0x40;
	v15 =	vld [tilespmem:s28+$0x1B0];
	s1 =	smov.u32 s26  }
0x1c4: {  	s1 =	simm.s32 @!p6 $0x3F;
	v16 =	vld [tilespmem:s28+$0x190]  }
0x1c5: {  	s2 =	sshll.u32 s1, $0x7;
	s7 =	sshll.u32 s1, $0x9;
	v17 =	vld [tilespmem:s28+$0x1A0]  }
0x1c6: {  	v18 =	vmul.f32 v14, v13;
	s1 =	sadd.s32 s23, s2  }
0x1c7: {  	v20 =	vmul.f32 v14, v12;
	v19 =	vmov s1  }
0x1c8: {  	v14 =	vmul.f32 v14, v11;
	v15 =	vsub.f32 v15, v18  }
0x1c9: {  	v16 =	vsub.f32 v16, v20  }
0x1ca: {  	v14 =	vsub.f32 v17, v14;
	[tilespmem:s28+$0x1B0] =	vst v15  }
0x1cb: {  	[tilespmem:s28+$0x190] =	vst v16  }
0x1cc: {  	s1 =	smin.u32 s26, $0x3C;
	[tilespmem:s28+$0x1A0] =	vst v14  }
0x1cd: {  	s10 =	smin.u32 s26, $0x3D;
	s2 =	smin.u32 s26, $0x3E;
	s28 =	sshll.u32 s1, $0x7;
	v14 =	vld.idx.msk [tilespmem:v19+s3+$0x0], $0xffff  }
0x1ce: {  	s7 =	sshra.s32 s7, $0x2;
	s1 =	sshll.u32 s10, $0x7;
	s10 =	sadd.s32 s23, s28  }
0x1cf: {  	s2 =	sshll.u32 s2, $0x7;
	s11 =	sadd.s32 s23, s1;
	s10 =	sadd.s32 $0x180, s10;
	v15 =	vld [tilespmem:s7+$0x20]  }
0x1d0: {  	s13 =	sadd.s32 s23, s2;
	s11 =	sadd.s32 $0x100, s11;
	v16 =	vmov s10;
	v17 =	vld [tilespmem:s7+$0x10]  }
0x1d1: {  	s10 =	sadd.s32 $0x80, s13;
	v18 =	vmov s11;
	v19 =	vld [tilespmem:s7+$0x30]  }
0x1d2: {  	v20 =	vmov s10  }
0x1d3: {  	v14 =	vpsel !p6, $0x0, v14  }
0x1d4: {  	v21 =	vmul.f32 v14, v12;
	v22 =	vmul.f32 v14, v13  }
0x1d5: {  	v14 =	vmul.f32 v14, v11;
	v16 =	vld.idx.msk [tilespmem:v16+s3+$0x0], $0xffff  }
0x1d6: {  	v17 =	vsub.f32 v17, v21;
	v18 =	vld.idx.msk [tilespmem:v18+s3+$0x0], $0xffff;
	v19 =	vsub.f32 v19, v22  }
0x1d7: {  	v14 =	vsub.f32 v15, v14;
	v20 =	vld.idx.msk [tilespmem:v20+s3+$0x0], $0xffff  }
0x1d8: {  	[tilespmem:s7+$0x10] =	vst v17  }
0x1d9: {  	[tilespmem:s7+$0x30] =	vst v19  }
0x1da: {  	p0 =	slt.u32 s26, $0x3D;
	[tilespmem:s7+$0x20] =	vst v14  }
0x1db: {  	p3 =	slt.u32 s26, $0x3E;
	v14 =	vpsel !p0, $0x0, v16;
	v15 =	vld [tilespmem:s2+$0x90]  }
0x1dc: {  	p0 =	slt.u32 s26, $0x3F;
	v16 =	vpsel !p3, $0x0, v18;
	v17 =	vld [tilespmem:s2+$0xA0]  }
0x1dd: {  	v18 =	vpsel !p0, $0x0, v20;
	v19 =	vld [tilespmem:s2+$0xB0]  }
0x1de: {  	v20 =	vmul.f32 v18, v12  }
0x1df: {  	v21 =	vmul.f32 v18, v11  }
0x1e0: {  	v18 =	vmul.f32 v18, v13;
	v15 =	vsub.f32 v15, v20  }
0x1e1: {  	v17 =	vsub.f32 v17, v21  }
0x1e2: {  	[tilespmem:s2+$0x90] =	vst v15;
	v15 =	vsub.f32 v19, v18  }
0x1e3: {  	[tilespmem:s2+$0xA0] =	vst v17  }
0x1e4: {  	[tilespmem:s2+$0xB0] =	vst v15  }
0x1e5: {  	v15 =	vld [tilespmem:s1+$0x110]  }
0x1e6: {  	v17 =	vld [tilespmem:s1+$0x120]  }
0x1e7: {  	v18 =	vld [tilespmem:s1+$0x130]  }
0x1e8: {  	v19 =	vmul.f32 v16, v12  }
0x1e9: {  	v20 =	vmul.f32 v16, v11  }
.Ltmp20:
0x1ea: {  	v16 =	vmul.f32 v16, v13;
	v15 =	vsub.f32 v15, v19;
	(pc) =	sbr.rel @p2 .LBB2_22-.Ltmp20, $4  }
0x1eb: {  	v17 =	vsub.f32 v17, v20  }
0x1ec: {  	[tilespmem:s1+$0x110] =	vst v15;
	v15 =	vsub.f32 v18, v16  }
0x1ed: {  	[tilespmem:s1+$0x120] =	vst v17  }
0x1ee: {  	s26 =	sadd.s32 $0x4, s26;
	[tilespmem:s1+$0x130] =	vst v15  }
.Ltmp21:
0x1ef: {  	_ = 	snop;
	(pc) =	sbr.rel .LBB2_23-.Ltmp21, $1  }
0x1f0: {  	_ =	sdelay $0x3  }
.LBB2_25:
.Ltmp22:
0x1f1: {  	(pc) =	sbr.rel .LBB2_26-.Ltmp22, $2  }
0x1f2: {  	_ =	sdelay $0x2  }
0x1f3: {  	s23 =	simm.s32 $0x20;
	s24 =	simm.s32 $0x22;
	s25 =	simm.s32 $0x21  }
.LBB2_28:
0x1f4: {  	s26 =	smov.u32 s25  }
.LBB2_31:
0x1f5: {  	v17 =	vmov s2  }
0x1f6: {  	v13 =	vsub.f32 @p2 v15, v13  }
0x1f7: {  	v14 =	vsub.f32 @p2 v16, v14  }
0x1f8: {  	[tilespmem:s28+$0x1A0] =	vst @p2 v13  }
0x1f9: {  	s0 =	smin.u32 s26, $0x3E;
	[tilespmem:s28+$0x1B0] =	vst @p2 v14  }
0x1fa: {  	s15 =	smin.u32 s26, $0x3C;
	s10 =	smin.u32 s26, $0x3D;
	s0 =	sshll.u32 s0, $0x7;
	v13 =	vld.idx.msk [tilespmem:v17+s3+$0x0], $0xffff  }
0x1fb: {  	s1 =	sshra.s32 s1, $0x2;
	s2 =	sshll.u32 s15, $0x7;
	s7 =	sadd.s32 s23, s0  }
0x1fc: {  	s10 =	sshll.u32 s10, $0x7;
	s11 =	sadd.s32 s23, s2;
	s7 =	sadd.s32 $0x80, s7  }
0x1fd: {  	s30 =	sadd.s32 s23, s10;
	s29 =	sadd.s32 $0x180, s11;
	v58 =	vld [tilespmem:s1+$0x20];
	v56 =	vmov s7  }
0x1fe: {  	s31 =	sadd.s32 $0x100, s30;
	v59 =	vld [tilespmem:s1+$0x30];
	v57 =	vmov s29  }
0x1ff: {  	v18 =	vmov s31;
	v13 =	vpsel !p1, $0x0, v13  }
0x200: {  	v19 =	vmul.f32 v13, v11  }
0x201: {  	v13 =	vmul.f32 v13, v12  }
0x202: {  	v14 =	vld.idx.msk [tilespmem:v56+s3+$0x0], $0xffff;
	v16 =	vsub.f32 v58, v19  }
0x203: {  	v15 =	vld.idx.msk [tilespmem:v57+s3+$0x0], $0xffff;
	v13 =	vsub.f32 v59, v13  }
0x204: {  	v60 =	vld.idx.msk [tilespmem:v18+s3+$0x0], $0xffff;
	[tilespmem:s1+$0x20] =	vst v16  }
0x205: {  	[tilespmem:s1+$0x30] =	vst v13  }
0x206: {  	v13 =	vld [tilespmem:s0+$0xA0]  }
0x207: {  	p0 =	slt.u32 s26, $0x3F;
	v16 =	vld [tilespmem:s0+$0xB0]  }
0x208: {  	v14 =	vpsel !p0, $0x0, v14  }
0x209: {  	v61 =	vmul.f32 v14, v11  }
0x20a: {  	v14 =	vmul.f32 v14, v12  }
0x20b: {  	v13 =	vsub.f32 v13, v61  }
0x20c: {  	v14 =	vsub.f32 v16, v14  }
0x20d: {  	[tilespmem:s0+$0xA0] =	vst v13  }
0x20e: {  	[tilespmem:s0+$0xB0] =	vst v14  }
0x20f: {  	v13 =	vld [tilespmem:s10+$0x120]  }
0x210: {  	p3 =	slt.u32 s26, $0x3E;
	v14 =	vld [tilespmem:s10+$0x130]  }
0x211: {  	v62 =	vpsel !p3, $0x0, v60  }
0x212: {  	v17 =	vmul.f32 v62, v11  }
0x213: {  	v16 =	vmul.f32 v62, v12  }
0x214: {  	v13 =	vsub.f32 v13, v17  }
0x215: {  	v14 =	vsub.f32 v14, v16  }
0x216: {  	[tilespmem:s10+$0x120] =	vst v13  }
0x217: {  	[tilespmem:s10+$0x130] =	vst v14  }
0x218: {  	v13 =	vld [tilespmem:s2+$0x1A0]  }
0x219: {  	p6 =	slt.u32 s26, $0x3D;
	v14 =	vld [tilespmem:s2+$0x1B0]  }
0x21a: {  	v15 =	vpsel !p6, $0x0, v15  }
0x21b: {  	v11 =	vmul.f32 v15, v11  }
0x21c: {  	v63 =	vmul.f32 v15, v12  }
0x21d: {  	v11 =	vsub.f32 v13, v11  }
0x21e: {  	v12 =	vsub.f32 v14, v63  }
0x21f: {  	[tilespmem:s2+$0x1A0] =	vst v11  }
0x220: {  	[tilespmem:s2+$0x1B0] =	vst v12  }
.LBB2_32:
0x221: {  	s23 =	sadd.s32 $0x1, s23  }
0x222: {  	p0 =	sne.s32 s23, $0x30  }
.Ltmp23:
0x223: {  	_ = 	snop;
	(pc) =	sbr.rel @!p0 .LBB2_33-.Ltmp23, $2  }
0x224: {  	_ =	sdelay $0x2  }
0x225: {  	s24 =	sadd.s32 $0xFFFFFFFF, s24;
	s25 =	sadd.s32 $0x1, s25  }
.LBB2_26:
0x226: {  	v11 =	vmov s23  }
0x227: {  	v12 =	vmul.u32 $0x81, v11;
	_ =	sdelay $0x5  }
0x228: {  	v12 =	vld.idx.msk [tilespmem:v12+s3+$0x0], $0xffff;
	_ =	sdelay $0x3  }
0x229: {  	vm2 =	vlt.u32 v11, v9  }
0x22a: {  	v11 =	vor.u32 s23, v6;
	(erf) = vrcp.f32 v12;
	_ =	sdelay $0x4  }
0x22b: {  	v63 =	vld.idx.msk [tilespmem:v11+s3+$0x0], vm2;
	_ =	sdelay $0x2  }
0x22c: {  	v13 =	vor.u32 s23, v7  }
0x22d: {  	v14 =	vpop (erf)  }
0x22e: {  	v12 =	vmul.f32 v14, v63;
	_ =	sdelay $0x1  }
0x22f: {  	[tilespmem:v11+s3+$0x0] =	vst.idx.msk vm2, v12  }
0x230: {  	v11 =	vld.idx.msk [tilespmem:v13+s3+$0x0], $0xffff;
	_ =	sdelay $0x1  }
0x231: {  	p0 =	sgt.u32 s23, $0x3E  }
.Ltmp24:
0x232: {  	_ = 	snop;
	(pc) =	sbr.rel @p0 .LBB2_32-.Ltmp24, $3  }
0x233: {  	_ = 	snop  }
0x234: {  	v11 =	vmul.f32 v11, v14;
	_ =	sdelay $0x1  }
0x235: {  	[tilespmem:v13+s3+$0x0] =	vst.idx.msk $0xffff, v11  }
0x236: {  	s0 =	sshll.u32 s23, $0x7  }
0x237: {  	s31 =	sshrl.u32 s24, $0x2;
	s1 =	sand.u32 $0x3FFFFF80, s0  }
0x238: {  	p0 =	sne.s32 s31, $0x1;
	v11 =	vld [tilespmem:s1+$0x20]  }
.Ltmp25:
0x239: {  	_ = 	snop;
	(pc) =	sbr.rel @!p0 .LBB2_28-.Ltmp25, $4  }
0x23a: {  	p1 =	slt.u32 s25, $0x40;
	s2 =	smov.u32 s25  }
0x23b: {  	s2 =	simm.s32 @!p1 $0x3F  }
0x23c: {  	p2 =	por $0x0, $0x0;
	s7 =	sshll.u32 s2, $0x7  }
0x23d: {  	s0 =	sadd.s32 $0xFFFFFFFF, s31;
	v12 =	vld [tilespmem:s1+$0x30];
	s1 =	sshll.u32 s2, $0x9;
	s2 =	sadd.s32 s23, s7;
	v11 =	vnsel vm2, $0x0, v11  }
0x23e: {  	v13 =	vmov s2;
	_ =	sdelay $0x3  }
0x23f: {  	s13 =	smin.u32 s25, $0x3E  }
0x240: {  	s7 =	smin.u32 s25, $0x3C;
	s11 =	smin.u32 s25, $0x3D;
	s2 =	sshll.u32 s13, $0x7;
	v13 =	vld.idx.msk [tilespmem:v13+s3+$0x0], $0xffff  }
0x241: {  	s1 =	sshra.s32 s1, $0x2;
	s28 =	sshll.u32 s7, $0x7;
	s10 =	sadd.s32 s23, s2  }
0x242: {  	s11 =	sshll.u32 s11, $0x7;
	s15 =	sadd.s32 s23, s28;
	s14 =	sadd.s32 $0x80, s10  }
0x243: {  	v16 =	vld [tilespmem:s1+$0x20];
	s29 =	sadd.s32 s23, s11;
	s26 =	sadd.s32 $0x180, s15;
	v14 =	vmov s14  }
0x244: {  	v17 =	vld [tilespmem:s1+$0x30];
	s30 =	sadd.s32 $0x100, s29;
	v15 =	vmov s26  }
0x245: {  	v18 =	vmov s30;
	v13 =	vpsel !p1, $0x0, v13  }
0x246: {  	v19 =	vmul.f32 v13, v11  }
0x247: {  	v13 =	vmul.f32 v13, v12  }
0x248: {  	v14 =	vld.idx.msk [tilespmem:v14+s3+$0x0], $0xffff;
	v16 =	vsub.f32 v16, v19  }
0x249: {  	v15 =	vld.idx.msk [tilespmem:v15+s3+$0x0], $0xffff;
	v13 =	vsub.f32 v17, v13  }
0x24a: {  	v17 =	vld.idx.msk [tilespmem:v18+s3+$0x0], $0xffff;
	[tilespmem:s1+$0x20] =	vst v16  }
0x24b: {  	[tilespmem:s1+$0x30] =	vst v13  }
0x24c: {  	v13 =	vld [tilespmem:s2+$0xA0]  }
0x24d: {  	p0 =	slt.u32 s25, $0x3F;
	v16 =	vld [tilespmem:s2+$0xB0]  }
0x24e: {  	v14 =	vpsel !p0, $0x0, v14  }
0x24f: {  	v18 =	vmul.f32 v14, v11  }
0x250: {  	v14 =	vmul.f32 v14, v12  }
0x251: {  	v13 =	vsub.f32 v13, v18  }
0x252: {  	v14 =	vsub.f32 v16, v14  }
0x253: {  	[tilespmem:s2+$0xA0] =	vst v13  }
0x254: {  	[tilespmem:s2+$0xB0] =	vst v14  }
0x255: {  	v13 =	vld [tilespmem:s11+$0x120]  }
0x256: {  	p3 =	slt.u32 s25, $0x3E;
	v14 =	vld [tilespmem:s11+$0x130]  }
0x257: {  	v16 =	vpsel !p3, $0x0, v17  }
0x258: {  	v17 =	vmul.f32 v16, v11  }
0x259: {  	v16 =	vmul.f32 v16, v12  }
0x25a: {  	v13 =	vsub.f32 v13, v17  }
0x25b: {  	v14 =	vsub.f32 v14, v16  }
0x25c: {  	p3 =	sne.s32 s0, $0x1;
	[tilespmem:s11+$0x120] =	vst v13  }
.Ltmp26:
0x25d: {  	p6 =	slt.u32 s25, $0x3D;
	s26 =	sadd.s32 $0x4, s25;
	[tilespmem:s11+$0x130] =	vst v14;
	(pc) =	sbr.rel @!p3 .LBB2_31-.Ltmp26, $4  }
0x25e: {  	p1 =	slt.u32 s26, $0x40;
	s1 =	smov.u32 s26;
	v14 =	vpsel !p6, $0x0, v15;
	v15 =	vld [tilespmem:s28+$0x1A0]  }
0x25f: {  	s1 =	simm.s32 @!p1 $0x3F;
	v16 =	vld [tilespmem:s28+$0x1B0]  }
0x260: {  	p2 =	por $0x1, $0x1;
	s31 =	sshll.u32 s1, $0x7  }
0x261: {  	s1 =	sshll.u32 s1, $0x9;
	s0 =	sadd.s32 $0xFFFFFFFF, s0;
	s2 =	sadd.s32 s23, s31;
	v13 =	vmul.f32 v14, v11;
	v14 =	vmul.f32 v14, v12  }
.LBB2_30:
0x262: {  	p6 =	sne.s32 s0, $0x1;
	s0 =	sadd.s32 $0xFFFFFFFF, s0;
	v17 =	vmov s2;
	_ =	sdelay $0x1  }
0x263: {  	v13 =	vsub.f32 v15, v13  }
0x264: {  	v14 =	vsub.f32 v16, v14  }
0x265: {  	s2 =	smin.u32 s26, $0x3E;
	[tilespmem:s28+$0x1A0] =	vst v13  }
0x266: {  	s7 =	smin.u32 s26, $0x3C;
	s2 =	sshll.u32 s2, $0x7;
	[tilespmem:s28+$0x1B0] =	vst v14  }
0x267: {  	s11 =	smin.u32 s26, $0x3D;
	s10 =	sadd.s32 s23, s2;
	s28 =	sshll.u32 s7, $0x7;
	v13 =	vld.idx.msk [tilespmem:v17+s3+$0x0], $0xffff  }
0x268: {  	s13 =	sshra.s32 s1, $0x2;
	s7 =	sadd.s32 $0x80, s10;
	s10 =	sadd.s32 s23, s28  }
0x269: {  	s1 =	sshll.u32 s11, $0x7;
	v14 =	vmov s7;
	s7 =	sadd.s32 $0x180, s10;
	v15 =	vld [tilespmem:s13+$0x30]  }
0x26a: {  	s10 =	sadd.s32 s23, s1;
	v16 =	vmov s7;
	v17 =	vld [tilespmem:s13+$0x20]  }
0x26b: {  	s7 =	sadd.s32 $0x100, s10  }
0x26c: {  	v18 =	vmov s7  }
0x26d: {  	v13 =	vpsel !p1, $0x0, v13  }
0x26e: {  	v19 =	vmul.f32 v13, v11;
	v13 =	vmul.f32 v13, v12;
	v14 =	vld.idx.msk [tilespmem:v14+s3+$0x0], $0xffff  }
0x26f: {  	v16 =	vld.idx.msk [tilespmem:v16+s3+$0x0], $0xffff  }
0x270: {  	v17 =	vsub.f32 v17, v19;
	v13 =	vsub.f32 v15, v13  }
0x271: {  	v15 =	vld.idx.msk [tilespmem:v18+s3+$0x0], $0xffff  }
0x272: {  	[tilespmem:s13+$0x20] =	vst v17  }
0x273: {  	p0 =	slt.u32 s26, $0x3F;
	[tilespmem:s13+$0x30] =	vst v13  }
0x274: {  	v17 =	vpsel !p0, $0x0, v14;
	p0 =	slt.u32 s26, $0x3D;
	v18 =	vld [tilespmem:s2+$0xA0]  }
0x275: {  	v14 =	vpsel !p0, $0x0, v16;
	v16 =	vld [tilespmem:s2+$0xB0]  }
0x276: {  	p0 =	slt.u32 s26, $0x3E;
	v13 =	vmul.f32 v14, v11;
	v14 =	vmul.f32 v14, v12  }
0x277: {  	v19 =	vmul.f32 v17, v11;
	v15 =	vpsel !p0, $0x0, v15  }
0x278: {  	v17 =	vmul.f32 v17, v12  }
0x279: {  	v18 =	vsub.f32 v18, v19  }
0x27a: {  	v16 =	vsub.f32 v16, v17  }
0x27b: {  	[tilespmem:s2+$0xA0] =	vst v18  }
0x27c: {  	[tilespmem:s2+$0xB0] =	vst v16  }
0x27d: {  	v16 =	vld [tilespmem:s1+$0x120]  }
0x27e: {  	v17 =	vld [tilespmem:s1+$0x130];
	_ =	sdelay $0x1  }
0x27f: {  	v18 =	vmul.f32 v15, v11  }
0x280: {  	v15 =	vmul.f32 v15, v12  }
0x281: {  	v16 =	vsub.f32 v16, v18  }
0x282: {  	v15 =	vsub.f32 v17, v15  }
.Ltmp27:
0x283: {  	s26 =	sadd.s32 $0x4, s26;
	[tilespmem:s1+$0x120] =	vst v16;
	(pc) =	sbr.rel @p6 .LBB2_30-.Ltmp27, $4  }
0x284: {  	p1 =	slt.u32 s26, $0x40;
	[tilespmem:s1+$0x130] =	vst v15;
	s1 =	smov.u32 s26  }
0x285: {  	s1 =	simm.s32 @!p1 $0x3F;
	v15 =	vld [tilespmem:s28+$0x1A0]  }
0x286: {  	s2 =	sshll.u32 s1, $0x7;
	s1 =	sshll.u32 s1, $0x9;
	v16 =	vld [tilespmem:s28+$0x1B0]  }
0x287: {  	s2 =	sadd.s32 s23, s2  }
.Ltmp28:
0x288: {  	_ = 	snop;
	(pc) =	sbr.rel .LBB2_31-.Ltmp28, $1  }
0x289: {  	_ =	sdelay $0x3  }
.LBB2_33:
.Ltmp29:
0x28a: {  	(pc) =	sbr.rel .LBB2_34-.Ltmp29, $2  }
0x28b: {  	_ =	sdelay $0x2  }
0x28c: {  	s23 =	simm.s32 $0x30;
	s24 =	simm.s32 $0x12;
	s25 =	simm.s32 $0x31  }
.LBB2_36:
0x28d: {  	s0 =	smov.u32 s25  }
.LBB2_39:
0x28e: {  	_ =	sdelay $0x2  }
0x28f: {  	s1 =	smin.u32 s0, $0x3E;
	[tilespmem:s2+$0x1B0] =	vst @p2 v13  }
0x290: {  	s30 =	smin.u32 s0, $0x3C;
	s11 =	smin.u32 s0, $0x3D;
	s1 =	sshll.u32 s1, $0x7;
	v12 =	vld.idx.msk [tilespmem:v12+s3+$0x0], $0xffff  }
0x291: {  	s10 =	sshra.s32 s10, $0x2;
	s2 =	sshll.u32 s30, $0x7;
	s7 =	sadd.s32 s23, s1  }
0x292: {  	s11 =	sshll.u32 s11, $0x7;
	s13 =	sadd.s32 s23, s2;
	s7 =	sadd.s32 $0x80, s7  }
0x293: {  	v15 =	vld [tilespmem:s10+$0x30];
	s31 =	sadd.s32 s23, s11;
	s13 =	sadd.s32 $0x180, s13;
	v60 =	vmov s7  }
0x294: {  	s7 =	sadd.s32 $0x100, s31;
	v14 =	vmov s13  }
0x295: {  	v16 =	vmov s7;
	v12 =	vpsel !p1, $0x0, v12  }
0x296: {  	v12 =	vmul.f32 v12, v11;
	_ =	sdelay $0x1  }
0x297: {  	v13 =	vld.idx.msk [tilespmem:v60+s3+$0x0], $0xffff;
	v12 =	vsub.f32 v15, v12  }
0x298: {  	v14 =	vld.idx.msk [tilespmem:v14+s3+$0x0], $0xffff  }
0x299: {  	v61 =	vld.idx.msk [tilespmem:v16+s3+$0x0], $0xffff;
	[tilespmem:s10+$0x30] =	vst v12  }
0x29a: {  	v12 =	vld [tilespmem:s1+$0xB0]  }
0x29b: {  	p0 =	slt.u32 s0, $0x3F  }
0x29c: {  	v13 =	vpsel !p0, $0x0, v13  }
0x29d: {  	v13 =	vmul.f32 v13, v11;
	_ =	sdelay $0x1  }
0x29e: {  	v12 =	vsub.f32 v12, v13;
	_ =	sdelay $0x1  }
0x29f: {  	[tilespmem:s1+$0xB0] =	vst v12  }
0x2a0: {  	v12 =	vld [tilespmem:s11+$0x130]  }
0x2a1: {  	p3 =	slt.u32 s0, $0x3E  }
0x2a2: {  	v62 =	vpsel !p3, $0x0, v61  }
0x2a3: {  	v13 =	vmul.f32 v62, v11;
	_ =	sdelay $0x1  }
0x2a4: {  	v12 =	vsub.f32 v12, v13;
	_ =	sdelay $0x1  }
0x2a5: {  	[tilespmem:s11+$0x130] =	vst v12  }
0x2a6: {  	v12 =	vld [tilespmem:s2+$0x1B0]  }
0x2a7: {  	p6 =	slt.u32 s0, $0x3D  }
0x2a8: {  	v63 =	vpsel !p6, $0x0, v14  }
0x2a9: {  	v11 =	vmul.f32 v63, v11;
	_ =	sdelay $0x1  }
0x2aa: {  	v11 =	vsub.f32 v12, v11;
	_ =	sdelay $0x1  }
0x2ab: {  	[tilespmem:s2+$0x1B0] =	vst v11  }
.LBB2_40:
0x2ac: {  	s23 =	sadd.s32 $0x1, s23  }
0x2ad: {  	p0 =	sne.s32 s23, $0x40  }
.Ltmp30:
0x2ae: {  	_ = 	snop;
	(pc) =	sbr.rel @!p0 .LBB2_41-.Ltmp30, $2  }
0x2af: {  	_ =	sdelay $0x2  }
0x2b0: {  	s24 =	sadd.s32 $0xFFFFFFFF, s24;
	s25 =	sadd.s32 $0x1, s25  }
.LBB2_34:
0x2b1: {  	v11 =	vmov s23  }
0x2b2: {  	v12 =	vmul.u32 $0x81, v11;
	_ =	sdelay $0x5  }
0x2b3: {  	v12 =	vld.idx.msk [tilespmem:v12+s3+$0x0], $0xffff;
	_ =	sdelay $0x3  }
0x2b4: {  	vm2 =	vlt.u32 v11, v10  }
0x2b5: {  	v11 =	vor.u32 s23, v7;
	(erf) = vrcp.f32 v12;
	_ =	sdelay $0x4  }
0x2b6: {  	v63 =	vld.idx.msk [tilespmem:v11+s3+$0x0], vm2;
	_ =	sdelay $0x1  }
0x2b7: {  	p0 =	sgt.u32 s23, $0x3E  }
.Ltmp31:
0x2b8: {  	_ = 	snop;
	(pc) =	sbr.rel @p0 .LBB2_40-.Ltmp31, $3  }
0x2b9: {  	v13 =	vpop (erf)  }
0x2ba: {  	v12 =	vmul.f32 v13, v63;
	_ =	sdelay $0x1  }
0x2bb: {  	[tilespmem:v11+s3+$0x0] =	vst.idx.msk vm2, v12  }
0x2bc: {  	s0 =	sshll.u32 s23, $0x7  }
0x2bd: {  	s1 =	sshrl.u32 s24, $0x2;
	s0 =	sand.u32 $0x3FFFFF80, s0  }
0x2be: {  	p0 =	sne.s32 s1, $0x1;
	v11 =	vld [tilespmem:s0+$0x30]  }
.Ltmp32:
0x2bf: {  	p1 =	slt.u32 s25, $0x40;
	s0 =	smov.u32 s25;
	(pc) =	sbr.rel @!p0 .LBB2_36-.Ltmp32, $4  }
0x2c0: {  	s0 =	simm.s32 @!p1 $0x3F  }
0x2c1: {  	s2 =	sshll.u32 s0, $0x7  }
0x2c2: {  	s2 =	sadd.s32 s23, s2  }
0x2c3: {  	p2 =	por $0x0, $0x0;
	s1 =	sadd.s32 $0xFFFFFFFF, s1;
	s10 =	sshll.u32 s0, $0x9;
	v12 =	vmov s2;
	v11 =	vnsel vm2, $0x0, v11  }
0x2c4: {  	_ =	sdelay $0x2  }
0x2c5: {  	s0 =	smin.u32 s25, $0x3E  }
0x2c6: {  	s2 =	smin.u32 s25, $0x3C;
	v12 =	vld.idx.msk [tilespmem:v12+s3+$0x0], $0xffff;
	s11 =	smin.u32 s25, $0x3D;
	s0 =	sshll.u32 s0, $0x7  }
0x2c7: {  	s10 =	sshra.s32 s10, $0x2;
	s2 =	sshll.u32 s2, $0x7;
	s7 =	sadd.s32 s23, s0  }
0x2c8: {  	s11 =	sshll.u32 s11, $0x7;
	s13 =	sadd.s32 s23, s2;
	s7 =	sadd.s32 $0x80, s7  }
0x2c9: {  	v15 =	vld [tilespmem:s10+$0x30];
	s29 =	sadd.s32 s23, s11;
	s13 =	sadd.s32 $0x180, s13;
	v13 =	vmov s7  }
0x2ca: {  	s7 =	sadd.s32 $0x100, s29;
	v14 =	vmov s13  }
0x2cb: {  	v16 =	vmov s7;
	v12 =	vpsel !p1, $0x0, v12  }
0x2cc: {  	v12 =	vmul.f32 v12, v11;
	_ =	sdelay $0x1  }
0x2cd: {  	v12 =	vsub.f32 v15, v12;
	v13 =	vld.idx.msk [tilespmem:v13+s3+$0x0], $0xffff  }
0x2ce: {  	v14 =	vld.idx.msk [tilespmem:v14+s3+$0x0], $0xffff  }
0x2cf: {  	v15 =	vld.idx.msk [tilespmem:v16+s3+$0x0], $0xffff;
	[tilespmem:s10+$0x30] =	vst v12  }
0x2d0: {  	v12 =	vld [tilespmem:s0+$0xB0]  }
0x2d1: {  	p0 =	slt.u32 s25, $0x3F  }
0x2d2: {  	v13 =	vpsel !p0, $0x0, v13  }
0x2d3: {  	v13 =	vmul.f32 v13, v11;
	_ =	sdelay $0x1  }
0x2d4: {  	v12 =	vsub.f32 v12, v13;
	_ =	sdelay $0x1  }
0x2d5: {  	[tilespmem:s0+$0xB0] =	vst v12  }
0x2d6: {  	v12 =	vld [tilespmem:s11+$0x130]  }
0x2d7: {  	p3 =	slt.u32 s25, $0x3E  }
0x2d8: {  	v13 =	vpsel !p3, $0x0, v15  }
0x2d9: {  	v13 =	vmul.f32 v13, v11;
	_ =	sdelay $0x1  }
0x2da: {  	v12 =	vsub.f32 v12, v13  }
0x2db: {  	s0 =	sadd.s32 $0x4, s25  }
0x2dc: {  	p1 =	slt.u32 s0, $0x40;
	s7 =	smov.u32 s0;
	[tilespmem:s11+$0x130] =	vst v12  }
0x2dd: {  	s7 =	simm.s32 @!p1 $0x3F;
	v13 =	vld [tilespmem:s2+$0x1B0]  }
0x2de: {  	p6 =	slt.u32 s25, $0x3D;
	p0 =	sne.s32 s1, $0x1;
	s30 =	sshll.u32 s7, $0x7  }
.Ltmp33:
0x2df: {  	s31 =	sadd.s32 s23, s30;
	v12 =	vpsel !p6, $0x0, v14;
	(pc) =	sbr.rel @!p0 .LBB2_39-.Ltmp33, $3  }
0x2e0: {  	v14 =	vmul.f32 v12, v11;
	v12 =	vmov s31;
	_ =	sdelay $0x1  }
0x2e1: {  	v13 =	vsub.f32 v13, v14  }
0x2e2: {  	p2 =	por $0x1, $0x1;
	s1 =	sadd.s32 $0xFFFFFFFF, s1;
	s10 =	sshll.u32 s7, $0x9  }
.LBB2_38:
0x2e3: {  	p6 =	sne.s32 s1, $0x1;
	s1 =	sadd.s32 $0xFFFFFFFF, s1;
	s7 =	smin.u32 s0, $0x3E;
	[tilespmem:s2+$0x1B0] =	vst v13  }
0x2e4: {  	s2 =	smin.u32 s0, $0x3C;
	v12 =	vld.idx.msk [tilespmem:v12+s3+$0x0], $0xffff;
	s7 =	sshll.u32 s7, $0x7  }
0x2e5: {  	s13 =	smin.u32 s0, $0x3D;
	s2 =	sshll.u32 s2, $0x7;
	s11 =	sadd.s32 s23, s7  }
0x2e6: {  	s13 =	sshll.u32 s13, $0x7;
	s14 =	sadd.s32 s23, s2;
	s11 =	sadd.s32 $0x80, s11  }
0x2e7: {  	s10 =	sshra.s32 s10, $0x2;
	s14 =	sadd.s32 $0x180, s14;
	v13 =	vmov s11;
	s11 =	sadd.s32 s23, s13  }
0x2e8: {  	v14 =	vmov s14;
	s11 =	sadd.s32 $0x100, s11;
	v15 =	vld [tilespmem:s10+$0x30]  }
0x2e9: {  	v16 =	vmov s11  }
0x2ea: {  	v12 =	vpsel !p1, $0x0, v12  }
0x2eb: {  	v12 =	vmul.f32 v12, v11  }
0x2ec: {  	v13 =	vld.idx.msk [tilespmem:v13+s3+$0x0], $0xffff  }
0x2ed: {  	v14 =	vld.idx.msk [tilespmem:v14+s3+$0x0], $0xffff;
	v12 =	vsub.f32 v15, v12  }
0x2ee: {  	v15 =	vld.idx.msk [tilespmem:v16+s3+$0x0], $0xffff  }
0x2ef: {  	[tilespmem:s10+$0x30] =	vst v12  }
0x2f0: {  	v12 =	vld [tilespmem:s7+$0xB0]  }
0x2f1: {  	p0 =	slt.u32 s0, $0x3F  }
0x2f2: {  	v13 =	vpsel !p0, $0x0, v13;
	p0 =	slt.u32 s0, $0x3D  }
0x2f3: {  	p1 =	slt.u32 s0, $0x3E;
	v14 =	vpsel !p0, $0x0, v14;
	v13 =	vmul.f32 v13, v11  }
0x2f4: {  	v15 =	vpsel !p1, $0x0, v15  }
0x2f5: {  	v12 =	vsub.f32 v12, v13;
	_ =	sdelay $0x1  }
0x2f6: {  	[tilespmem:s7+$0xB0] =	vst v12  }
0x2f7: {  	v12 =	vld [tilespmem:s13+$0x130];
	_ =	sdelay $0x2  }
0x2f8: {  	v13 =	vmul.f32 v15, v11;
	_ =	sdelay $0x1  }
0x2f9: {  	v12 =	vsub.f32 v12, v13  }
0x2fa: {  	s0 =	sadd.s32 $0x4, s0  }
0x2fb: {  	p1 =	slt.u32 s0, $0x40;
	s7 =	smov.u32 s0;
	[tilespmem:s13+$0x130] =	vst v12  }
0x2fc: {  	s7 =	simm.s32 @!p1 $0x3F;
	v13 =	vld [tilespmem:s2+$0x1B0]  }
.Ltmp34:
0x2fd: {  	s11 =	sshll.u32 s7, $0x7;
	s10 =	sshll.u32 s7, $0x9;
	(pc) =	sbr.rel @p6 .LBB2_38-.Ltmp34, $3  }
0x2fe: {  	s7 =	sadd.s32 s23, s11  }
0x2ff: {  	v14 =	vmul.f32 v14, v11;
	v12 =	vmov s7;
	_ =	sdelay $0x1  }
0x300: {  	v13 =	vsub.f32 v13, v14  }
.Ltmp35:
0x301: {  	_ = 	snop;
	(pc) =	sbr.rel .LBB2_39-.Ltmp35, $1  }
0x302: {  	_ =	sdelay $0x3  }
.LBB2_43:
0x303: {  	_ =	sfence.sel $0x180000  }
0x304: {  	[bflag:$0x0] =	sbarrier.arrive $0xFFFF  }
0x305: {  	_ =	strace $0x90000047  }
0x306: {  	s0 =	stileid.u32;
	[bflag:$0x2] =	sbarrier.arrive $0xFFFF  }
0x307: {  	p0 =	sne.s32 s0, $0x0;
	s0 =	rddreg [dreg:$0x3]  }
0x308: {  	s0 =	sadd.s32 @!p0 $0x100000, s0  }
0x309: {  	[sflag:s0] =	ssyncadd.tile.s32 @!p0 $0x1;
	_ =	shalt  }
.Lfunc_end2:
_tile_overlayer_lowered:
.L_overlay_start_2:
0x30a: {  	(tag) =	ssettag $0x2  }
0x30b: {  	s0 =	rddreg [dreg:$0x0];
	s2 =	stileid.u32  }
0x30c: {  	s1 =	rddreg [dreg:$0x1];
	p0 =	sne.s32 s2, $0x0  }
0x30d: {  	s3 =	rddreg [dreg:$0x2];
	[bflag:$0x3] =	sbarrier.arrive $0xFFFF;
	s2 =	simm.s32 @!p0 $0x1C01  }
0x30e: {  	[timem:s3], [sflag:s2] =	dma.local @!p0 [hbm:s0], s1  }
0x30f: {  	s0 =	simm.s32 @!p0 $0x1  }
0x310: {  	_ =	swait.ge @!p0 [sflag:s0], s1  }
0x311: {  	s1 =	ssub.s32 @!p0 $0x0, s1;
	[sflag:s0] =	ssyncset.done @!p0 $0x0  }
0x312: {  	[sflag:s0] =	ssyncadd.s32 @!p0 s1  }
0x313: {  	[bflag:$0x3] =	sbarrier.arrive $0xFFFF  }
0x314: {  	_ =	shalt  }

</sc_bundles>
